<compile_context>
chip_gen: v7x
topology: tpu7x:2x2x1
jax: 0.10.2.dev20260603
libtpu: 0.0.44.dev20260713+nightly
codegen_flags: <defaults>
</compile_context>

<pallas_src>
import functools

import jax
import jax.numpy as jnp
from jax import lax
from jax.experimental import pallas as pl
from jax.experimental.pallas import tpu as pltpu
from jax.experimental.pallas import tpu_sc as plsc

_B, _S, _H = 4, 2048, 1024
_NUM_SELECTED = 256
_NW = 32
_WORKERS_PER_BATCH = _NW // _B
_SC_ROWS = 512
_TC_ROWS = _S - _SC_ROWS
_ROWS_PER_WORKER = _SC_ROWS // _WORKERS_PER_BATCH
_CH = 32
_NCHUNK = _ROWS_PER_WORKER // _CH
_NBUF = 2


@functools.partial(
    pl.kernel,
    mesh=plsc.VectorSubcoreMesh(core_axis_name="c", subcore_axis_name="s"),
    out_type=[
        jax.ShapeDtypeStruct((_B, _WORKERS_PER_BATCH, _H), jnp.float32),
    ],
    scratch_types=[
        pltpu.VMEM((_NBUF, _CH, _H), jnp.float32),
        pltpu.VMEM((_H,), jnp.float32),
        pltpu.SemaphoreType.DMA,
        pltpu.SemaphoreType.DMA,
    ],
)
def _sc_tail_sum(h_hbm, part_out, buf, acc, sem0, sem1):
    c = lax.axis_index("c")
    s = lax.axis_index("s")
    wid = c * 16 + s
    b = wid // _WORKERS_PER_BATCH
    widx = wid % _WORKERS_PER_BATCH
    r0 = _TC_ROWS + widx * _ROWS_PER_WORKER
    sems = [sem0, sem1]

    for i in range(_H // 16):
        acc[pl.ds(i * 16, 16)] = jnp.zeros((16,), jnp.float32)

    def src(chunk):
        return h_hbm.at[b, pl.ds(r0 + chunk * _CH, _CH)]

    def accumulate(slot):
        def body(col):
            sl = pl.ds(col * 16, 16)
            vals = [buf[slot, r, sl] for r in range(_CH)]
            while len(vals) > 1:
                nxt = [vals[i] + vals[i + 1]
                       for i in range(0, len(vals) - 1, 2)]
                if len(vals) % 2:
                    nxt.append(vals[-1])
                vals = nxt
            plsc.addupdate(acc.at[sl], vals[0])
        plsc.parallel_loop(0, _H // 16, 1, unroll=2)(body)

    handles = {}
    for chunk in range(min(_NBUF, _NCHUNK)):
        handles[chunk] = pltpu.async_copy(
            src(chunk), buf.at[chunk % _NBUF], sems[chunk % _NBUF])
    for chunk in range(_NCHUNK):
        slot = chunk % _NBUF
        handles[chunk].wait()
        accumulate(slot)
        nxt = chunk + _NBUF
        if nxt < _NCHUNK:
            handles[nxt] = pltpu.async_copy(
                src(nxt), buf.at[slot], sems[slot])

    pltpu.sync_copy(acc, part_out.at[b, widx])


def _tc_head_kernel(h_ref, last_ref, wm_ref, bm_ref,
                    sums_out_ref, mask_out_ref, *, n_batches):
    i = pl.program_id(0)
    h = h_ref[0]
    sums_out_ref[0] = jnp.sum(h, axis=0, keepdims=True)

    @pl.when(i == n_batches - 1)
    def _mask():
        mask_out_ref[...] = (
            jnp.dot(last_ref[...], wm_ref[...],
                    preferred_element_type=jnp.float32) + bm_ref[...]
        )


def _tc_delta_kernel(tc_sums_ref, sc_parts_ref, wd_ref, bd_ref,
                     delta_out_ref, *, seq_len, num_selected):
    total = tc_sums_ref[:, 0, :] + jnp.sum(sc_parts_ref[...], axis=1)
    mean_h = total * (1.0 / seq_len)
    delta_rows = (
        jnp.dot(mean_h, wd_ref[...],
                preferred_element_type=jnp.float32) + bd_ref[...]
    )
    delta_out_ref[...] = jnp.broadcast_to(
        delta_rows[:, None, :],
        (delta_rows.shape[0], num_selected, delta_rows.shape[1]),
    )


@jax.jit
def _edit_head(hidden_states, W_mask, b_mask, W_delta, b_delta):
    B, S, H = hidden_states.shape
    M = W_mask.shape[1]
    D = W_delta.shape[1]

    lasts = hidden_states[:, -1]

    sc_parts = _sc_tail_sum(hidden_states)[0]

    tc_sums, mask_flat = pl.pallas_call(
        functools.partial(_tc_head_kernel, n_batches=B),
        grid=(B,),
        in_specs=[
            pl.BlockSpec((1, _TC_ROWS, H), lambda i: (i, 0, 0)),
            pl.BlockSpec((B, H), lambda i: (0, 0)),
            pl.BlockSpec((H, M), lambda i: (0, 0)),
            pl.BlockSpec((M,), lambda i: (0,)),
        ],
        out_specs=[
            pl.BlockSpec((1, 1, H), lambda i: (i, 0, 0)),
            pl.BlockSpec((B, M), lambda i: (0, 0)),
        ],
        out_shape=[
            jax.ShapeDtypeStruct((B, 1, H), jnp.float32),
            jax.ShapeDtypeStruct((B, M), jnp.float32),
        ],
    )(hidden_states, lasts, W_mask, b_mask)

    edit_delta = pl.pallas_call(
        functools.partial(_tc_delta_kernel, seq_len=S,
                          num_selected=_NUM_SELECTED),
        grid=(1,),
        in_specs=[
            pl.BlockSpec((B, 1, H), lambda i: (0, 0, 0)),
            pl.BlockSpec((B, _WORKERS_PER_BATCH, H), lambda i: (0, 0, 0)),
            pl.BlockSpec((H, D), lambda i: (0, 0)),
            pl.BlockSpec((D,), lambda i: (0,)),
        ],
        out_specs=pl.BlockSpec((B, _NUM_SELECTED, D), lambda i: (0, 0, 0)),
        out_shape=jax.ShapeDtypeStruct((B, _NUM_SELECTED, D), jnp.float32),
    )(tc_sums, sc_parts, W_delta, b_delta)

    mask_size = int(round(M ** 0.5))
    sparse_mask = mask_flat.reshape(B, mask_size, mask_size)
    return sparse_mask, edit_delta


def kernel(hidden_states, W_mask, b_mask, W_delta, b_delta, num_selected):
    del num_selected
    return _edit_head(hidden_states, W_mask, b_mask, W_delta, b_delta)

# --- scband reference (transcript-rebuilt; emitter-appended) ---
"""Pipeline reference for scband-edit-head-82583631167535 (READ-ONLY COPY).

The authoritative reference and input builder live on the scoring server;
editing this copy changes nothing except your own understanding.
"""

import jax, jax.numpy as jnp
import numpy as np


def setup_inputs(seed: int = 0) -> dict:
    key = jax.random.key(seed)
    ks = jax.random.split(key, 4)
    B, S, H = 4, 2048, 1024
    mask_size = 32
    delta_dim = 1024
    hidden_states = jax.random.normal(ks[0], (B, S, H), dtype=jnp.float32)
    W_mask = jax.random.normal(ks[1], (H, mask_size * mask_size), dtype=jnp.float32) * 0.02
    b_mask = jnp.zeros((mask_size * mask_size,), dtype=jnp.float32)
    W_delta = jax.random.normal(ks[2], (H, delta_dim), dtype=jnp.float32) * 0.02
    b_delta = jnp.zeros((delta_dim,), dtype=jnp.float32)
    return {
        "hidden_states": hidden_states,
        "W_mask": W_mask,
        "b_mask": b_mask,
        "W_delta": W_delta,
        "b_delta": b_delta,
        "num_selected": 256,
    }


def reference(hidden_states, W_mask, b_mask, W_delta, b_delta, num_selected):
    mask_size = 32
    num_selected_static = 256
    B = hidden_states.shape[0]
    # last token hidden state
    last_hidden = hidden_states[:, -1]
    # mask projection
    mask_flat = last_hidden @ W_mask + b_mask
    sparse_mask = mask_flat.reshape(B, mask_size, mask_size)
    # top-k selection over flattened mask logits
    mask_flat_2d = sparse_mask.reshape(B, mask_size * mask_size)
    _, top_indices = jax.lax.top_k(mask_flat_2d, num_selected_static)
    # delta projection over full sequence
    edit_delta_all = hidden_states @ W_delta + b_delta
    edit_delta = jnp.broadcast_to(
        edit_delta_all.mean(axis=1, keepdims=True),
        (B, num_selected_static, edit_delta_all.shape[-1]),
    )
    edit_delta = edit_delta + jnp.asarray(num_selected, dtype=edit_delta.dtype) * 0.0
    return (sparse_mask, edit_delta)

if __name__ == "__main__":
    import jax
    _d = setup_inputs()
    print(jax.jit(kernel)(*tuple(_d.values())))

</pallas_src>

<mosaic_0001>
#map = affine_map<(d0, d1) -> (0, 0, 0)>
module attributes {stable_mosaic.version = 14 : i64} {
  func.func @_sc_tail_sum(%arg0: i32, %arg1: i32, %arg2: memref<4x2048x1024xf32, #tpu.memory_space<hbm>>, %arg3: memref<4x8x1024xf32, #tpu.memory_space<hbm>>, %arg4: memref<2x32x1024xf32, #tpu.memory_space<vmem>>, %arg5: memref<1024xf32, #tpu.memory_space<vmem>>, %arg6: memref<!tpu.dma_semaphore, #tpu.memory_space<semaphore_mem>>, %arg7: memref<!tpu.dma_semaphore, #tpu.memory_space<semaphore_mem>>) attributes {dimension_semantics = [#tpu.dimension_semantics<core_parallel>, #tpu.dimension_semantics<subcore_parallel>], iteration_bounds = array<i64: 2, 16>, scalar_prefetch = 0 : i64, scratch_operands = 4 : i64, tpu.core_type = #tpu.core_type<sc_vector_subcore>, window_params = [{transform_indices = #map}, {transform_indices = #map}]} {
    %mul3A = arith.constant 16 : i32
    %mul3A_0 = arith.muli %arg0, %mul3A : i32
    %add3A = arith.addi %mul3A_0, %arg1 : i32
    %jit3A = arith.constant 8 : i32
    %div3A = arith.divsi %add3A, %jit3A : i32
    %sign3A = arith.constant 0 : i32
    %sign3A_1 = arith.cmpi sgt, %add3A, %sign3A : i32
    %sign3A_2 = arith.extui %sign3A_1 : i1 to i32
    %sign3A_3 = arith.constant 0 : i32
    %sign3A_4 = arith.cmpi slt, %add3A, %sign3A_3 : i32
    %sign3A_5 = arith.extui %sign3A_4 : i1 to i32
    %sign3A_6 = arith.subi %sign3A_2, %sign3A_5 : i32
    %sign3A_7 = arith.constant 0 : i32
    %sign3A_8 = arith.cmpi sgt, %jit3A, %sign3A_7 : i32
    %sign3A_9 = arith.extui %sign3A_8 : i1 to i32
    %sign3A_10 = arith.constant 0 : i32
    %sign3A_11 = arith.cmpi slt, %jit3A, %sign3A_10 : i32
    %sign3A_12 = arith.extui %sign3A_11 : i1 to i32
    %sign3A_13 = arith.subi %sign3A_9, %sign3A_12 : i32
    %ne3A = arith.cmpi ne, %sign3A_6, %sign3A_13 : i32
    %rem3A = arith.remsi %add3A, %jit3A : i32
    %ne3A_14 = arith.constant 0 : i32
    %ne3A_15 = arith.cmpi ne, %rem3A, %ne3A_14 : i32
    %and3A = arith.andi %ne3A, %ne3A_15 : i1
    %sub3A = arith.constant 1 : i32
    %sub3A_16 = arith.subi %div3A, %sub3A : i32
    %select_n3A = arith.select %and3A, %sub3A_16, %div3A : i32
    %jit3A_17 = arith.constant 8 : i32
    %eq3A = arith.constant 0 : i32
    %eq3A_18 = arith.cmpi eq, %jit3A_17, %eq3A : i32
    %jit3A_19 = arith.constant 1 : i32
    %select_n3A_20 = arith.select %eq3A_18, %jit3A_19, %jit3A_17 : i32
    %rem3A_21 = arith.remsi %add3A, %select_n3A_20 : i32
    %ne3A_22 = arith.constant 0 : i32
    %ne3A_23 = arith.cmpi ne, %rem3A_21, %ne3A_22 : i32
    %lt3A = arith.constant 0 : i32
    %lt3A_24 = arith.cmpi slt, %rem3A_21, %lt3A : i32
    %lt3A_25 = arith.constant 0 : i32
    %lt3A_26 = arith.cmpi slt, %select_n3A_20, %lt3A_25 : i32
    %ne3A_27 = arith.xori %lt3A_24, %lt3A_26 : i1
    %and3A_28 = arith.andi %ne3A_27, %ne3A_23 : i1
    %add3A_29 = arith.addi %rem3A_21, %select_n3A_20 : i32
    %select_n3A_30 = arith.select %and3A_28, %add3A_29, %rem3A_21 : i32
    %mul3A_31 = arith.constant 64 : i32
    %mul3A_32 = arith.muli %select_n3A_30, %mul3A_31 : i32
    %add3A_33 = arith.constant 1536 : i32
    %add3A_34 = arith.addi %add3A_33, %mul3A_32 : i32
    %broadcast_in_dim3A = arith.constant 0.000000e+00 : f32
    %broadcast_in_dim3A_35 = vector.broadcast %broadcast_in_dim3A : f32 to vector<16xf32>
    %swap3A = arith.constant 0 : index
    %swap3A_36 = tpu.vector_load %arg5[%swap3A] {strides = array<i32>} : memref<1024xf32, #tpu.memory_space<vmem>>, vector<16xf32>,
    %swap3A_37 = vector.shape_cast %swap3A_36 : vector<16xf32> to vector<16xf32>
    %swap3A_38 = vector.shape_cast %broadcast_in_dim3A_35 : vector<16xf32> to vector<16xf32>
    tpu.vector_store %arg5[%swap3A], %swap3A_38 {strides = array<i32>} : memref<1024xf32, #tpu.memory_space<vmem>>, vector<16xf32>,
    %broadcast_in_dim3A_39 = arith.constant 0.000000e+00 : f32
    %broadcast_in_dim3A_40 = vector.broadcast %broadcast_in_dim3A_39 : f32 to vector<16xf32>
    %swap3A_41 = arith.constant 16 : index
    %swap3A_42 = tpu.vector_load %arg5[%swap3A_41] {strides = array<i32>} : memref<1024xf32, #tpu.memory_space<vmem>>, vector<16xf32>,
    %swap3A_43 = vector.shape_cast %swap3A_42 : vector<16xf32> to vector<16xf32>
    %swap3A_44 = vector.shape_cast %broadcast_in_dim3A_40 : vector<16xf32> to vector<16xf32>
    tpu.vector_store %arg5[%swap3A_41], %swap3A_44 {strides = array<i32>} : memref<1024xf32, #tpu.memory_space<vmem>>, vector<16xf32>,
    %broadcast_in_dim3A_45 = arith.constant 0.000000e+00 : f32
    %broadcast_in_dim3A_46 = vector.broadcast %broadcast_in_dim3A_45 : f32 to vector<16xf32>
    %swap3A_47 = arith.constant 32 : index
    %swap3A_48 = tpu.vector_load %arg5[%swap3A_47] {strides = array<i32>} : memref<1024xf32, #tpu.memory_space<vmem>>, vector<16xf32>,
    %swap3A_49 = vector.shape_cast %swap3A_48 : vector<16xf32> to vector<16xf32>
    %swap3A_50 = vector.shape_cast %broadcast_in_dim3A_46 : vector<16xf32> to vector<16xf32>
    tpu.vector_store %arg5[%swap3A_47], %swap3A_50 {strides = array<i32>} : memref<1024xf32, #tpu.memory_space<vmem>>, vector<16xf32>,
    %broadcast_in_dim3A_51 = arith.constant 0.000000e+00 : f32
    %broadcast_in_dim3A_52 = vector.broadcast %broadcast_in_dim3A_51 : f32 to vector<16xf32>
    %swap3A_53 = arith.constant 48 : index
    %swap3A_54 = tpu.vector_load %arg5[%swap3A_53] {strides = array<i32>} : memref<1024xf32, #tpu.memory_space<vmem>>, vector<16xf32>,
    %swap3A_55 = vector.shape_cast %swap3A_54 : vector<16xf32> to vector<16xf32>
    %swap3A_56 = vector.shape_cast %broadcast_in_dim3A_52 : vector<16xf32> to vector<16xf32>
    tpu.vector_store %arg5[%swap3A_53], %swap3A_56 {strides = array<i32>} : memref<1024xf32, #tpu.memory_space<vmem>>, vector<16xf32>,
    %broadcast_in_dim3A_57 = arith.constant 0.000000e+00 : f32
    %broadcast_in_dim3A_58 = vector.broadcast %broadcast_in_dim3A_57 : f32 to vector<16xf32>
    %swap3A_59 = arith.constant 64 : index
    %swap3A_60 = tpu.vector_load %arg5[%swap3A_59] {strides = array<i32>} : memref<1024xf32, #tpu.memory_space<vmem>>, vector<16xf32>,
    %swap3A_61 = vector.shape_cast %swap3A_60 : vector<16xf32> to vector<16xf32>
    %swap3A_62 = vector.shape_cast %broadcast_in_dim3A_58 : vector<16xf32> to vector<16xf32>
    tpu.vector_store %arg5[%swap3A_59], %swap3A_62 {strides = array<i32>} : memref<1024xf32, #tpu.memory_space<vmem>>, vector<16xf32>,
    %broadcast_in_dim3A_63 = arith.constant 0.000000e+00 : f32
    %broadcast_in_dim3A_64 = vector.broadcast %broadcast_in_dim3A_63 : f32 to vector<16xf32>
    %swap3A_65 = arith.constant 80 : index
    %swap3A_66 = tpu.vector_load %arg5[%swap3A_65] {strides = array<i32>} : memref<1024xf32, #tpu.memory_space<vmem>>, vector<16xf32>,
    %swap3A_67 = vector.shape_cast %swap3A_66 : vector<16xf32> to vector<16xf32>
    %swap3A_68 = vector.shape_cast %broadcast_in_dim3A_64 : vector<16xf32> to vector<16xf32>
    tpu.vector_store %arg5[%swap3A_65], %swap3A_68 {strides = array<i32>} : memref<1024xf32, #tpu.memory_space<vmem>>, vector<16xf32>,
    %broadcast_in_dim3A_69 = arith.constant 0.000000e+00 : f32
    %broadcast_in_dim3A_70 = vector.broadcast %broadcast_in_dim3A_69 : f32 to vector<16xf32>
    %swap3A_71 = arith.constant 96 : index
    %swap3A_72 = tpu.vector_load %arg5[%swap3A_71] {strides = array<i32>} : memref<1024xf32, #tpu.memory_space<vmem>>, vector<16xf32>,
    %swap3A_73 = vector.shape_cast %swap3A_72 : vector<16xf32> to vector<16xf32>
    %swap3A_74 = vector.shape_cast %broadcast_in_dim3A_70 : vector<16xf32> to vector<16xf32>
    tpu.vector_store %arg5[%swap3A_71], %swap3A_74 {strides = array<i32>} : memref<1024xf32, #tpu.memory_space<vmem>>, vector<16xf32>,
    %broadcast_in_dim3A_75 = arith.constant 0.000000e+00 : f32
    %broadcast_in_dim3A_76 = vector.broadcast %broadcast_in_dim3A_75 : f32 to vector<16xf32>
    %swap3A_77 = arith.constant 112 : index
    %swap3A_78 = tpu.vector_load %arg5[%swap3A_77] {strides = array<i32>} : memref<1024xf32, #tpu.memory_space<vmem>>, vector<16xf32>,
    %swap3A_79 = vector.shape_cast %swap3A_78 : vector<16xf32> to vector<16xf32>
    %swap3A_80 = vector.shape_cast %broadcast_in_dim3A_76 : vector<16xf32> to vector<16xf32>
    tpu.vector_store %arg5[%swap3A_77], %swap3A_80 {strides = array<i32>} : memref<1024xf32, #tpu.memory_space<vmem>>, vector<16xf32>,
    %broadcast_in_dim3A_81 = arith.constant 0.000000e+00 : f32
    %broadcast_in_dim3A_82 = vector.broadcast %broadcast_in_dim3A_81 : f32 to vector<16xf32>
    %swap3A_83 = arith.constant 128 : index
    %swap3A_84 = tpu.vector_load %arg5[%swap3A_83] {strides = array<i32>} : memref<1024xf32, #tpu.memory_space<vmem>>, vector<16xf32>,
    %swap3A_85 = vector.shape_cast %swap3A_84 : vector<16xf32> to vector<16xf32>
    %swap3A_86 = vector.shape_cast %broadcast_in_dim3A_82 : vector<16xf32> to vector<16xf32>
    tpu.vector_store %arg5[%swap3A_83], %swap3A_86 {strides = array<i32>} : memref<1024xf32, #tpu.memory_space<vmem>>, vector<16xf32>,
    %broadcast_in_dim3A_87 = arith.constant 0.000000e+00 : f32
    %broadcast_in_dim3A_88 = vector.broadcast %broadcast_in_dim3A_87 : f32 to vector<16xf32>
    %swap3A_89 = arith.constant 144 : index
    %swap3A_90 = tpu.vector_load %arg5[%swap3A_89] {strides = array<i32>} : memref<1024xf32, #tpu.memory_space<vmem>>, vector<16xf32>,
    %swap3A_91 = vector.shape_cast %swap3A_90 : vector<16xf32> to vector<16xf32>
    %swap3A_92 = vector.shape_cast %broadcast_in_dim3A_88 : vector<16xf32> to vector<16xf32>
    tpu.vector_store %arg5[%swap3A_89], %swap3A_92 {strides = array<i32>} : memref<1024xf32, #tpu.memory_space<vmem>>, vector<16xf32>,
    %broadcast_in_dim3A_93 = arith.constant 0.000000e+00 : f32
    %broadcast_in_dim3A_94 = vector.broadcast %broadcast_in_dim3A_93 : f32 to vector<16xf32>
    %swap3A_95 = arith.constant 160 : index
    %swap3A_96 = tpu.vector_load %arg5[%swap3A_95] {strides = array<i32>} : memref<1024xf32, #tpu.memory_space<vmem>>, vector<16xf32>,
    %swap3A_97 = vector.shape_cast %swap3A_96 : vector<16xf32> to vector<16xf32>
    %swap3A_98 = vector.shape_cast %broadcast_in_dim3A_94 : vector<16xf32> to vector<16xf32>
    tpu.vector_store %arg5[%swap3A_95], %swap3A_98 {strides = array<i32>} : memref<1024xf32, #tpu.memory_space<vmem>>, vector<16xf32>,
    %broadcast_in_dim3A_99 = arith.constant 0.000000e+00 : f32
    %broadcast_in_dim3A_100 = vector.broadcast %broadcast_in_dim3A_99 : f32 to vector<16xf32>
    %swap3A_101 = arith.constant 176 : index
    %swap3A_102 = tpu.vector_load %arg5[%swap3A_101] {strides = array<i32>} : memref<1024xf32, #tpu.memory_space<vmem>>, vector<16xf32>,
    %swap3A_103 = vector.shape_cast %swap3A_102 : vector<16xf32> to vector<16xf32>
    %swap3A_104 = vector.shape_cast %broadcast_in_dim3A_100 : vector<16xf32> to vector<16xf32>
    tpu.vector_store %arg5[%swap3A_101], %swap3A_104 {strides = array<i32>} : memref<1024xf32, #tpu.memory_space<vmem>>, vector<16xf32>,
    %broadcast_in_dim3A_105 = arith.constant 0.000000e+00 : f32
    %broadcast_in_dim3A_106 = vector.broadcast %broadcast_in_dim3A_105 : f32 to vector<16xf32>
    %swap3A_107 = arith.constant 192 : index
    %swap3A_108 = tpu.vector_load %arg5[%swap3A_107] {strides = array<i32>} : memref<1024xf32, #tpu.memory_space<vmem>>, vector<16xf32>,
    %swap3A_109 = vector.shape_cast %swap3A_108 : vector<16xf32> to vector<16xf32>
    %swap3A_110 = vector.shape_cast %broadcast_in_dim3A_106 : vector<16xf32> to vector<16xf32>
    tpu.vector_store %arg5[%swap3A_107], %swap3A_110 {strides = array<i32>} : memref<1024xf32, #tpu.memory_space<vmem>>, vector<16xf32>,
    %broadcast_in_dim3A_111 = arith.constant 0.000000e+00 : f32
    %broadcast_in_dim3A_112 = vector.broadcast %broadcast_in_dim3A_111 : f32 to vector<16xf32>
    %swap3A_113 = arith.constant 208 : index
    %swap3A_114 = tpu.vector_load %arg5[%swap3A_113] {strides = array<i32>} : memref<1024xf32, #tpu.memory_space<vmem>>, vector<16xf32>,
    %swap3A_115 = vector.shape_cast %swap3A_114 : vector<16xf32> to vector<16xf32>
    %swap3A_116 = vector.shape_cast %broadcast_in_dim3A_112 : vector<16xf32> to vector<16xf32>
    tpu.vector_store %arg5[%swap3A_113], %swap3A_116 {strides = array<i32>} : memref<1024xf32, #tpu.memory_space<vmem>>, vector<16xf32>,
    %broadcast_in_dim3A_117 = arith.constant 0.000000e+00 : f32
    %broadcast_in_dim3A_118 = vector.broadcast %broadcast_in_dim3A_117 : f32 to vector<16xf32>
    %swap3A_119 = arith.constant 224 : index
    %swap3A_120 = tpu.vector_load %arg5[%swap3A_119] {strides = array<i32>} : memref<1024xf32, #tpu.memory_space<vmem>>, vector<16xf32>,
    %swap3A_121 = vector.shape_cast %swap3A_120 : vector<16xf32> to vector<16xf32>
    %swap3A_122 = vector.shape_cast %broadcast_in_dim3A_118 : vector<16xf32> to vector<16xf32>
    tpu.vector_store %arg5[%swap3A_119], %swap3A_122 {strides = array<i32>} : memref<1024xf32, #tpu.memory_space<vmem>>, vector<16xf32>,
    %broadcast_in_dim3A_123 = arith.constant 0.000000e+00 : f32
    %broadcast_in_dim3A_124 = vector.broadcast %broadcast_in_dim3A_123 : f32 to vector<16xf32>
    %swap3A_125 = arith.constant 240 : index
    %swap3A_126 = tpu.vector_load %arg5[%swap3A_125] {strides = array<i32>} : memref<1024xf32, #tpu.memory_space<vmem>>, vector<16xf32>,
    %swap3A_127 = vector.shape_cast %swap3A_126 : vector<16xf32> to vector<16xf32>
    %swap3A_128 = vector.shape_cast %broadcast_in_dim3A_124 : vector<16xf32> to vector<16xf32>
    tpu.vector_store %arg5[%swap3A_125], %swap3A_128 {strides = array<i32>} : memref<1024xf32, #tpu.memory_space<vmem>>, vector<16xf32>,
    %broadcast_in_dim3A_129 = arith.constant 0.000000e+00 : f32
    %broadcast_in_dim3A_130 = vector.broadcast %broadcast_in_dim3A_129 : f32 to vector<16xf32>
    %swap3A_131 = arith.constant 256 : index
    %swap3A_132 = tpu.vector_load %arg5[%swap3A_131] {strides = array<i32>} : memref<1024xf32, #tpu.memory_space<vmem>>, vector<16xf32>,
    %swap3A_133 = vector.shape_cast %swap3A_132 : vector<16xf32> to vector<16xf32>
    %swap3A_134 = vector.shape_cast %broadcast_in_dim3A_130 : vector<16xf32> to vector<16xf32>
    tpu.vector_store %arg5[%swap3A_131], %swap3A_134 {strides = array<i32>} : memref<1024xf32, #tpu.memory_space<vmem>>, vector<16xf32>,
    %broadcast_in_dim3A_135 = arith.constant 0.000000e+00 : f32
    %broadcast_in_dim3A_136 = vector.broadcast %broadcast_in_dim3A_135 : f32 to vector<16xf32>
    %swap3A_137 = arith.constant 272 : index
    %swap3A_138 = tpu.vector_load %arg5[%swap3A_137] {strides = array<i32>} : memref<1024xf32, #tpu.memory_space<vmem>>, vector<16xf32>,
    %swap3A_139 = vector.shape_cast %swap3A_138 : vector<16xf32> to vector<16xf32>
    %swap3A_140 = vector.shape_cast %broadcast_in_dim3A_136 : vector<16xf32> to vector<16xf32>
    tpu.vector_store %arg5[%swap3A_137], %swap3A_140 {strides = array<i32>} : memref<1024xf32, #tpu.memory_space<vmem>>, vector<16xf32>,
    %broadcast_in_dim3A_141 = arith.constant 0.000000e+00 : f32
    %broadcast_in_dim3A_142 = vector.broadcast %broadcast_in_dim3A_141 : f32 to vector<16xf32>
    %swap3A_143 = arith.constant 288 : index
    %swap3A_144 = tpu.vector_load %arg5[%swap3A_143] {strides = array<i32>} : memref<1024xf32, #tpu.memory_space<vmem>>, vector<16xf32>,
    %swap3A_145 = vector.shape_cast %swap3A_144 : vector<16xf32> to vector<16xf32>
    %swap3A_146 = vector.shape_cast %broadcast_in_dim3A_142 : vector<16xf32> to vector<16xf32>
    tpu.vector_store %arg5[%swap3A_143], %swap3A_146 {strides = array<i32>} : memref<1024xf32, #tpu.memory_space<vmem>>, vector<16xf32>,
    %broadcast_in_dim3A_147 = arith.constant 0.000000e+00 : f32
    %broadcast_in_dim3A_148 = vector.broadcast %broadcast_in_dim3A_147 : f32 to vector<16xf32>
    %swap3A_149 = arith.constant 304 : index
    %swap3A_150 = tpu.vector_load %arg5[%swap3A_149] {strides = array<i32>} : memref<1024xf32, #tpu.memory_space<vmem>>, vector<16xf32>,
    %swap3A_151 = vector.shape_cast %swap3A_150 : vector<16xf32> to vector<16xf32>
    %swap3A_152 = vector.shape_cast %broadcast_in_dim3A_148 : vector<16xf32> to vector<16xf32>
    tpu.vector_store %arg5[%swap3A_149], %swap3A_152 {strides = array<i32>} : memref<1024xf32, #tpu.memory_space<vmem>>, vector<16xf32>,
    %broadcast_in_dim3A_153 = arith.constant 0.000000e+00 : f32
    %broadcast_in_dim3A_154 = vector.broadcast %broadcast_in_dim3A_153 : f32 to vector<16xf32>
    %swap3A_155 = arith.constant 320 : index
    %swap3A_156 = tpu.vector_load %arg5[%swap3A_155] {strides = array<i32>} : memref<1024xf32, #tpu.memory_space<vmem>>, vector<16xf32>,
    %swap3A_157 = vector.shape_cast %swap3A_156 : vector<16xf32> to vector<16xf32>
    %swap3A_158 = vector.shape_cast %broadcast_in_dim3A_154 : vector<16xf32> to vector<16xf32>
    tpu.vector_store %arg5[%swap3A_155], %swap3A_158 {strides = array<i32>} : memref<1024xf32, #tpu.memory_space<vmem>>, vector<16xf32>,
    %broadcast_in_dim3A_159 = arith.constant 0.000000e+00 : f32
    %broadcast_in_dim3A_160 = vector.broadcast %broadcast_in_dim3A_159 : f32 to vector<16xf32>
    %swap3A_161 = arith.constant 336 : index
    %swap3A_162 = tpu.vector_load %arg5[%swap3A_161] {strides = array<i32>} : memref<1024xf32, #tpu.memory_space<vmem>>, vector<16xf32>,
    %swap3A_163 = vector.shape_cast %swap3A_162 : vector<16xf32> to vector<16xf32>
    %swap3A_164 = vector.shape_cast %broadcast_in_dim3A_160 : vector<16xf32> to vector<16xf32>
    tpu.vector_store %arg5[%swap3A_161], %swap3A_164 {strides = array<i32>} : memref<1024xf32, #tpu.memory_space<vmem>>, vector<16xf32>,
    %broadcast_in_dim3A_165 = arith.constant 0.000000e+00 : f32
    %broadcast_in_dim3A_166 = vector.broadcast %broadcast_in_dim3A_165 : f32 to vector<16xf32>
    %swap3A_167 = arith.constant 352 : index
    %swap3A_168 = tpu.vector_load %arg5[%swap3A_167] {strides = array<i32>} : memref<1024xf32, #tpu.memory_space<vmem>>, vector<16xf32>,
    %swap3A_169 = vector.shape_cast %swap3A_168 : vector<16xf32> to vector<16xf32>
    %swap3A_170 = vector.shape_cast %broadcast_in_dim3A_166 : vector<16xf32> to vector<16xf32>
    tpu.vector_store %arg5[%swap3A_167], %swap3A_170 {strides = array<i32>} : memref<1024xf32, #tpu.memory_space<vmem>>, vector<16xf32>,
    %broadcast_in_dim3A_171 = arith.constant 0.000000e+00 : f32
    %broadcast_in_dim3A_172 = vector.broadcast %broadcast_in_dim3A_171 : f32 to vector<16xf32>
    %swap3A_173 = arith.constant 368 : index
    %swap3A_174 = tpu.vector_load %arg5[%swap3A_173] {strides = array<i32>} : memref<1024xf32, #tpu.memory_space<vmem>>, vector<16xf32>,
    %swap3A_175 = vector.shape_cast %swap3A_174 : vector<16xf32> to vector<16xf32>
    %swap3A_176 = vector.shape_cast %broadcast_in_dim3A_172 : vector<16xf32> to vector<16xf32>
    tpu.vector_store %arg5[%swap3A_173], %swap3A_176 {strides = array<i32>} : memref<1024xf32, #tpu.memory_space<vmem>>, vector<16xf32>,
    %broadcast_in_dim3A_177 = arith.constant 0.000000e+00 : f32
    %broadcast_in_dim3A_178 = vector.broadcast %broadcast_in_dim3A_177 : f32 to vector<16xf32>
    %swap3A_179 = arith.constant 384 : index
    %swap3A_180 = tpu.vector_load %arg5[%swap3A_179] {strides = array<i32>} : memref<1024xf32, #tpu.memory_space<vmem>>, vector<16xf32>,
    %swap3A_181 = vector.shape_cast %swap3A_180 : vector<16xf32> to vector<16xf32>
    %swap3A_182 = vector.shape_cast %broadcast_in_dim3A_178 : vector<16xf32> to vector<16xf32>
    tpu.vector_store %arg5[%swap3A_179], %swap3A_182 {strides = array<i32>} : memref<1024xf32, #tpu.memory_space<vmem>>, vector<16xf32>,
    %broadcast_in_dim3A_183 = arith.constant 0.000000e+00 : f32
    %broadcast_in_dim3A_184 = vector.broadcast %broadcast_in_dim3A_183 : f32 to vector<16xf32>
    %swap3A_185 = arith.constant 400 : index
    %swap3A_186 = tpu.vector_load %arg5[%swap3A_185] {strides = array<i32>} : memref<1024xf32, #tpu.memory_space<vmem>>, vector<16xf32>,
    %swap3A_187 = vector.shape_cast %swap3A_186 : vector<16xf32> to vector<16xf32>
    %swap3A_188 = vector.shape_cast %broadcast_in_dim3A_184 : vector<16xf32> to vector<16xf32>
    tpu.vector_store %arg5[%swap3A_185], %swap3A_188 {strides = array<i32>} : memref<1024xf32, #tpu.memory_space<vmem>>, vector<16xf32>,
    %broadcast_in_dim3A_189 = arith.constant 0.000000e+00 : f32
    %broadcast_in_dim3A_190 = vector.broadcast %broadcast_in_dim3A_189 : f32 to vector<16xf32>
    %swap3A_191 = arith.constant 416 : index
    %swap3A_192 = tpu.vector_load %arg5[%swap3A_191] {strides = array<i32>} : memref<1024xf32, #tpu.memory_space<vmem>>, vector<16xf32>,
    %swap3A_193 = vector.shape_cast %swap3A_192 : vector<16xf32> to vector<16xf32>
    %swap3A_194 = vector.shape_cast %broadcast_in_dim3A_190 : vector<16xf32> to vector<16xf32>
    tpu.vector_store %arg5[%swap3A_191], %swap3A_194 {strides = array<i32>} : memref<1024xf32, #tpu.memory_space<vmem>>, vector<16xf32>,
    %broadcast_in_dim3A_195 = arith.constant 0.000000e+00 : f32
    %broadcast_in_dim3A_196 = vector.broadcast %broadcast_in_dim3A_195 : f32 to vector<16xf32>
    %swap3A_197 = arith.constant 432 : index
    %swap3A_198 = tpu.vector_load %arg5[%swap3A_197] {strides = array<i32>} : memref<1024xf32, #tpu.memory_space<vmem>>, vector<16xf32>,
    %swap3A_199 = vector.shape_cast %swap3A_198 : vector<16xf32> to vector<16xf32>
    %swap3A_200 = vector.shape_cast %broadcast_in_dim3A_196 : vector<16xf32> to vector<16xf32>
    tpu.vector_store %arg5[%swap3A_197], %swap3A_200 {strides = array<i32>} : memref<1024xf32, #tpu.memory_space<vmem>>, vector<16xf32>,
    %broadcast_in_dim3A_201 = arith.constant 0.000000e+00 : f32
    %broadcast_in_dim3A_202 = vector.broadcast %broadcast_in_dim3A_201 : f32 to vector<16xf32>
    %swap3A_203 = arith.constant 448 : index
    %swap3A_204 = tpu.vector_load %arg5[%swap3A_203] {strides = array<i32>} : memref<1024xf32, #tpu.memory_space<vmem>>, vector<16xf32>,
    %swap3A_205 = vector.shape_cast %swap3A_204 : vector<16xf32> to vector<16xf32>
    %swap3A_206 = vector.shape_cast %broadcast_in_dim3A_202 : vector<16xf32> to vector<16xf32>
    tpu.vector_store %arg5[%swap3A_203], %swap3A_206 {strides = array<i32>} : memref<1024xf32, #tpu.memory_space<vmem>>, vector<16xf32>,
    %broadcast_in_dim3A_207 = arith.constant 0.000000e+00 : f32
    %broadcast_in_dim3A_208 = vector.broadcast %broadcast_in_dim3A_207 : f32 to vector<16xf32>
    %swap3A_209 = arith.constant 464 : index
    %swap3A_210 = tpu.vector_load %arg5[%swap3A_209] {strides = array<i32>} : memref<1024xf32, #tpu.memory_space<vmem>>, vector<16xf32>,
    %swap3A_211 = vector.shape_cast %swap3A_210 : vector<16xf32> to vector<16xf32>
    %swap3A_212 = vector.shape_cast %broadcast_in_dim3A_208 : vector<16xf32> to vector<16xf32>
    tpu.vector_store %arg5[%swap3A_209], %swap3A_212 {strides = array<i32>} : memref<1024xf32, #tpu.memory_space<vmem>>, vector<16xf32>,
    %broadcast_in_dim3A_213 = arith.constant 0.000000e+00 : f32
    %broadcast_in_dim3A_214 = vector.broadcast %broadcast_in_dim3A_213 : f32 to vector<16xf32>
    %swap3A_215 = arith.constant 480 : index
    %swap3A_216 = tpu.vector_load %arg5[%swap3A_215] {strides = array<i32>} : memref<1024xf32, #tpu.memory_space<vmem>>, vector<16xf32>,
    %swap3A_217 = vector.shape_cast %swap3A_216 : vector<16xf32> to vector<16xf32>
    %swap3A_218 = vector.shape_cast %broadcast_in_dim3A_214 : vector<16xf32> to vector<16xf32>
    tpu.vector_store %arg5[%swap3A_215], %swap3A_218 {strides = array<i32>} : memref<1024xf32, #tpu.memory_space<vmem>>, vector<16xf32>,
    %broadcast_in_dim3A_219 = arith.constant 0.000000e+00 : f32
    %broadcast_in_dim3A_220 = vector.broadcast %broadcast_in_dim3A_219 : f32 to vector<16xf32>
    %swap3A_221 = arith.constant 496 : index
    %swap3A_222 = tpu.vector_load %arg5[%swap3A_221] {strides = array<i32>} : memref<1024xf32, #tpu.memory_space<vmem>>, vector<16xf32>,
    %swap3A_223 = vector.shape_cast %swap3A_222 : vector<16xf32> to vector<16xf32>
    %swap3A_224 = vector.shape_cast %broadcast_in_dim3A_220 : vector<16xf32> to vector<16xf32>
    tpu.vector_store %arg5[%swap3A_221], %swap3A_224 {strides = array<i32>} : memref<1024xf32, #tpu.memory_space<vmem>>, vector<16xf32>,
    %broadcast_in_dim3A_225 = arith.constant 0.000000e+00 : f32
    %broadcast_in_dim3A_226 = vector.broadcast %broadcast_in_dim3A_225 : f32 to vector<16xf32>
    %swap3A_227 = arith.constant 512 : index
    %swap3A_228 = tpu.vector_load %arg5[%swap3A_227] {strides = array<i32>} : memref<1024xf32, #tpu.memory_space<vmem>>, vector<16xf32>,
    %swap3A_229 = vector.shape_cast %swap3A_228 : vector<16xf32> to vector<16xf32>
    %swap3A_230 = vector.shape_cast %broadcast_in_dim3A_226 : vector<16xf32> to vector<16xf32>
    tpu.vector_store %arg5[%swap3A_227], %swap3A_230 {strides = array<i32>} : memref<1024xf32, #tpu.memory_space<vmem>>, vector<16xf32>,
    %broadcast_in_dim3A_231 = arith.constant 0.000000e+00 : f32
    %broadcast_in_dim3A_232 = vector.broadcast %broadcast_in_dim3A_231 : f32 to vector<16xf32>
    %swap3A_233 = arith.constant 528 : index
    %swap3A_234 = tpu.vector_load %arg5[%swap3A_233] {strides = array<i32>} : memref<1024xf32, #tpu.memory_space<vmem>>, vector<16xf32>,
    %swap3A_235 = vector.shape_cast %swap3A_234 : vector<16xf32> to vector<16xf32>
    %swap3A_236 = vector.shape_cast %broadcast_in_dim3A_232 : vector<16xf32> to vector<16xf32>
    tpu.vector_store %arg5[%swap3A_233], %swap3A_236 {strides = array<i32>} : memref<1024xf32, #tpu.memory_space<vmem>>, vector<16xf32>,
    %broadcast_in_dim3A_237 = arith.constant 0.000000e+00 : f32
    %broadcast_in_dim3A_238 = vector.broadcast %broadcast_in_dim3A_237 : f32 to vector<16xf32>
    %swap3A_239 = arith.constant 544 : index
    %swap3A_240 = tpu.vector_load %arg5[%swap3A_239] {strides = array<i32>} : memref<1024xf32, #tpu.memory_space<vmem>>, vector<16xf32>,
    %swap3A_241 = vector.shape_cast %swap3A_240 : vector<16xf32> to vector<16xf32>
    %swap3A_242 = vector.shape_cast %broadcast_in_dim3A_238 : vector<16xf32> to vector<16xf32>
    tpu.vector_store %arg5[%swap3A_239], %swap3A_242 {strides = array<i32>} : memref<1024xf32, #tpu.memory_space<vmem>>, vector<16xf32>,
    %broadcast_in_dim3A_243 = arith.constant 0.000000e+00 : f32
    %broadcast_in_dim3A_244 = vector.broadcast %broadcast_in_dim3A_243 : f32 to vector<16xf32>
    %swap3A_245 = arith.constant 560 : index
    %swap3A_246 = tpu.vector_load %arg5[%swap3A_245] {strides = array<i32>} : memref<1024xf32, #tpu.memory_space<vmem>>, vector<16xf32>,
    %swap3A_247 = vector.shape_cast %swap3A_246 : vector<16xf32> to vector<16xf32>
    %swap3A_248 = vector.shape_cast %broadcast_in_dim3A_244 : vector<16xf32> to vector<16xf32>
    tpu.vector_store %arg5[%swap3A_245], %swap3A_248 {strides = array<i32>} : memref<1024xf32, #tpu.memory_space<vmem>>, vector<16xf32>,
    %broadcast_in_dim3A_249 = arith.constant 0.000000e+00 : f32
    %broadcast_in_dim3A_250 = vector.broadcast %broadcast_in_dim3A_249 : f32 to vector<16xf32>
    %swap3A_251 = arith.constant 576 : index
    %swap3A_252 = tpu.vector_load %arg5[%swap3A_251] {strides = array<i32>} : memref<1024xf32, #tpu.memory_space<vmem>>, vector<16xf32>,
    %swap3A_253 = vector.shape_cast %swap3A_252 : vector<16xf32> to vector<16xf32>
    %swap3A_254 = vector.shape_cast %broadcast_in_dim3A_250 : vector<16xf32> to vector<16xf32>
    tpu.vector_store %arg5[%swap3A_251], %swap3A_254 {strides = array<i32>} : memref<1024xf32, #tpu.memory_space<vmem>>, vector<16xf32>,
    %broadcast_in_dim3A_255 = arith.constant 0.000000e+00 : f32
    %broadcast_in_dim3A_256 = vector.broadcast %broadcast_in_dim3A_255 : f32 to vector<16xf32>
    %swap3A_257 = arith.constant 592 : index
    %swap3A_258 = tpu.vector_load %arg5[%swap3A_257] {strides = array<i32>} : memref<1024xf32, #tpu.memory_space<vmem>>, vector<16xf32>,
    %swap3A_259 = vector.shape_cast %swap3A_258 : vector<16xf32> to vector<16xf32>
    %swap3A_260 = vector.shape_cast %broadcast_in_dim3A_256 : vector<16xf32> to vector<16xf32>
    tpu.vector_store %arg5[%swap3A_257], %swap3A_260 {strides = array<i32>} : memref<1024xf32, #tpu.memory_space<vmem>>, vector<16xf32>,
    %broadcast_in_dim3A_261 = arith.constant 0.000000e+00 : f32
    %broadcast_in_dim3A_262 = vector.broadcast %broadcast_in_dim3A_261 : f32 to vector<16xf32>
    %swap3A_263 = arith.constant 608 : index
    %swap3A_264 = tpu.vector_load %arg5[%swap3A_263] {strides = array<i32>} : memref<1024xf32, #tpu.memory_space<vmem>>, vector<16xf32>,
    %swap3A_265 = vector.shape_cast %swap3A_264 : vector<16xf32> to vector<16xf32>
    %swap3A_266 = vector.shape_cast %broadcast_in_dim3A_262 : vector<16xf32> to vector<16xf32>
    tpu.vector_store %arg5[%swap3A_263], %swap3A_266 {strides = array<i32>} : memref<1024xf32, #tpu.memory_space<vmem>>, vector<16xf32>,
    %broadcast_in_dim3A_267 = arith.constant 0.000000e+00 : f32
    %broadcast_in_dim3A_268 = vector.broadcast %broadcast_in_dim3A_267 : f32 to vector<16xf32>
    %swap3A_269 = arith.constant 624 : index
    %swap3A_270 = tpu.vector_load %arg5[%swap3A_269] {strides = array<i32>} : memref<1024xf32, #tpu.memory_space<vmem>>, vector<16xf32>,
    %swap3A_271 = vector.shape_cast %swap3A_270 : vector<16xf32> to vector<16xf32>
    %swap3A_272 = vector.shape_cast %broadcast_in_dim3A_268 : vector<16xf32> to vector<16xf32>
    tpu.vector_store %arg5[%swap3A_269], %swap3A_272 {strides = array<i32>} : memref<1024xf32, #tpu.memory_space<vmem>>, vector<16xf32>,
    %broadcast_in_dim3A_273 = arith.constant 0.000000e+00 : f32
    %broadcast_in_dim3A_274 = vector.broadcast %broadcast_in_dim3A_273 : f32 to vector<16xf32>
    %swap3A_275 = arith.constant 640 : index
    %swap3A_276 = tpu.vector_load %arg5[%swap3A_275] {strides = array<i32>} : memref<1024xf32, #tpu.memory_space<vmem>>, vector<16xf32>,
    %swap3A_277 = vector.shape_cast %swap3A_276 : vector<16xf32> to vector<16xf32>
    %swap3A_278 = vector.shape_cast %broadcast_in_dim3A_274 : vector<16xf32> to vector<16xf32>
    tpu.vector_store %arg5[%swap3A_275], %swap3A_278 {strides = array<i32>} : memref<1024xf32, #tpu.memory_space<vmem>>, vector<16xf32>,
    %broadcast_in_dim3A_279 = arith.constant 0.000000e+00 : f32
    %broadcast_in_dim3A_280 = vector.broadcast %broadcast_in_dim3A_279 : f32 to vector<16xf32>
    %swap3A_281 = arith.constant 656 : index
    %swap3A_282 = tpu.vector_load %arg5[%swap3A_281] {strides = array<i32>} : memref<1024xf32, #tpu.memory_space<vmem>>, vector<16xf32>,
    %swap3A_283 = vector.shape_cast %swap3A_282 : vector<16xf32> to vector<16xf32>
    %swap3A_284 = vector.shape_cast %broadcast_in_dim3A_280 : vector<16xf32> to vector<16xf32>
    tpu.vector_store %arg5[%swap3A_281], %swap3A_284 {strides = array<i32>} : memref<1024xf32, #tpu.memory_space<vmem>>, vector<16xf32>,
    %broadcast_in_dim3A_285 = arith.constant 0.000000e+00 : f32
    %broadcast_in_dim3A_286 = vector.broadcast %broadcast_in_dim3A_285 : f32 to vector<16xf32>
    %swap3A_287 = arith.constant 672 : index
    %swap3A_288 = tpu.vector_load %arg5[%swap3A_287] {strides = array<i32>} : memref<1024xf32, #tpu.memory_space<vmem>>, vector<16xf32>,
    %swap3A_289 = vector.shape_cast %swap3A_288 : vector<16xf32> to vector<16xf32>
    %swap3A_290 = vector.shape_cast %broadcast_in_dim3A_286 : vector<16xf32> to vector<16xf32>
    tpu.vector_store %arg5[%swap3A_287], %swap3A_290 {strides = array<i32>} : memref<1024xf32, #tpu.memory_space<vmem>>, vector<16xf32>,
    %broadcast_in_dim3A_291 = arith.constant 0.000000e+00 : f32
    %broadcast_in_dim3A_292 = vector.broadcast %broadcast_in_dim3A_291 : f32 to vector<16xf32>
    %swap3A_293 = arith.constant 688 : index
    %swap3A_294 = tpu.vector_load %arg5[%swap3A_293] {strides = array<i32>} : memref<1024xf32, #tpu.memory_space<vmem>>, vector<16xf32>,
    %swap3A_295 = vector.shape_cast %swap3A_294 : vector<16xf32> to vector<16xf32>
    %swap3A_296 = vector.shape_cast %broadcast_in_dim3A_292 : vector<16xf32> to vector<16xf32>
    tpu.vector_store %arg5[%swap3A_293], %swap3A_296 {strides = array<i32>} : memref<1024xf32, #tpu.memory_space<vmem>>, vector<16xf32>,
    %broadcast_in_dim3A_297 = arith.constant 0.000000e+00 : f32
    %broadcast_in_dim3A_298 = vector.broadcast %broadcast_in_dim3A_297 : f32 to vector<16xf32>
    %swap3A_299 = arith.constant 704 : index
    %swap3A_300 = tpu.vector_load %arg5[%swap3A_299] {strides = array<i32>} : memref<1024xf32, #tpu.memory_space<vmem>>, vector<16xf32>,
    %swap3A_301 = vector.shape_cast %swap3A_300 : vector<16xf32> to vector<16xf32>
    %swap3A_302 = vector.shape_cast %broadcast_in_dim3A_298 : vector<16xf32> to vector<16xf32>
    tpu.vector_store %arg5[%swap3A_299], %swap3A_302 {strides = array<i32>} : memref<1024xf32, #tpu.memory_space<vmem>>, vector<16xf32>,
    %broadcast_in_dim3A_303 = arith.constant 0.000000e+00 : f32
    %broadcast_in_dim3A_304 = vector.broadcast %broadcast_in_dim3A_303 : f32 to vector<16xf32>
    %swap3A_305 = arith.constant 720 : index
    %swap3A_306 = tpu.vector_load %arg5[%swap3A_305] {strides = array<i32>} : memref<1024xf32, #tpu.memory_space<vmem>>, vector<16xf32>,
    %swap3A_307 = vector.shape_cast %swap3A_306 : vector<16xf32> to vector<16xf32>
    %swap3A_308 = vector.shape_cast %broadcast_in_dim3A_304 : vector<16xf32> to vector<16xf32>
    tpu.vector_store %arg5[%swap3A_305], %swap3A_308 {strides = array<i32>} : memref<1024xf32, #tpu.memory_space<vmem>>, vector<16xf32>,
    %broadcast_in_dim3A_309 = arith.constant 0.000000e+00 : f32
    %broadcast_in_dim3A_310 = vector.broadcast %broadcast_in_dim3A_309 : f32 to vector<16xf32>
    %swap3A_311 = arith.constant 736 : index
    %swap3A_312 = tpu.vector_load %arg5[%swap3A_311] {strides = array<i32>} : memref<1024xf32, #tpu.memory_space<vmem>>, vector<16xf32>,
    %swap3A_313 = vector.shape_cast %swap3A_312 : vector<16xf32> to vector<16xf32>
    %swap3A_314 = vector.shape_cast %broadcast_in_dim3A_310 : vector<16xf32> to vector<16xf32>
    tpu.vector_store %arg5[%swap3A_311], %swap3A_314 {strides = array<i32>} : memref<1024xf32, #tpu.memory_space<vmem>>, vector<16xf32>,
    %broadcast_in_dim3A_315 = arith.constant 0.000000e+00 : f32
    %broadcast_in_dim3A_316 = vector.broadcast %broadcast_in_dim3A_315 : f32 to vector<16xf32>
    %swap3A_317 = arith.constant 752 : index
    %swap3A_318 = tpu.vector_load %arg5[%swap3A_317] {strides = array<i32>} : memref<1024xf32, #tpu.memory_space<vmem>>, vector<16xf32>,
    %swap3A_319 = vector.shape_cast %swap3A_318 : vector<16xf32> to vector<16xf32>
    %swap3A_320 = vector.shape_cast %broadcast_in_dim3A_316 : vector<16xf32> to vector<16xf32>
    tpu.vector_store %arg5[%swap3A_317], %swap3A_320 {strides = array<i32>} : memref<1024xf32, #tpu.memory_space<vmem>>, vector<16xf32>,
    %broadcast_in_dim3A_321 = arith.constant 0.000000e+00 : f32
    %broadcast_in_dim3A_322 = vector.broadcast %broadcast_in_dim3A_321 : f32 to vector<16xf32>
    %swap3A_323 = arith.constant 768 : index
    %swap3A_324 = tpu.vector_load %arg5[%swap3A_323] {strides = array<i32>} : memref<1024xf32, #tpu.memory_space<vmem>>, vector<16xf32>,
    %swap3A_325 = vector.shape_cast %swap3A_324 : vector<16xf32> to vector<16xf32>
    %swap3A_326 = vector.shape_cast %broadcast_in_dim3A_322 : vector<16xf32> to vector<16xf32>
    tpu.vector_store %arg5[%swap3A_323], %swap3A_326 {strides = array<i32>} : memref<1024xf32, #tpu.memory_space<vmem>>, vector<16xf32>,
    %broadcast_in_dim3A_327 = arith.constant 0.000000e+00 : f32
    %broadcast_in_dim3A_328 = vector.broadcast %broadcast_in_dim3A_327 : f32 to vector<16xf32>
    %swap3A_329 = arith.constant 784 : index
    %swap3A_330 = tpu.vector_load %arg5[%swap3A_329] {strides = array<i32>} : memref<1024xf32, #tpu.memory_space<vmem>>, vector<16xf32>,
    %swap3A_331 = vector.shape_cast %swap3A_330 : vector<16xf32> to vector<16xf32>
    %swap3A_332 = vector.shape_cast %broadcast_in_dim3A_328 : vector<16xf32> to vector<16xf32>
    tpu.vector_store %arg5[%swap3A_329], %swap3A_332 {strides = array<i32>} : memref<1024xf32, #tpu.memory_space<vmem>>, vector<16xf32>,
    %broadcast_in_dim3A_333 = arith.constant 0.000000e+00 : f32
    %broadcast_in_dim3A_334 = vector.broadcast %broadcast_in_dim3A_333 : f32 to vector<16xf32>
    %swap3A_335 = arith.constant 800 : index
    %swap3A_336 = tpu.vector_load %arg5[%swap3A_335] {strides = array<i32>} : memref<1024xf32, #tpu.memory_space<vmem>>, vector<16xf32>,
    %swap3A_337 = vector.shape_cast %swap3A_336 : vector<16xf32> to vector<16xf32>
    %swap3A_338 = vector.shape_cast %broadcast_in_dim3A_334 : vector<16xf32> to vector<16xf32>
    tpu.vector_store %arg5[%swap3A_335], %swap3A_338 {strides = array<i32>} : memref<1024xf32, #tpu.memory_space<vmem>>, vector<16xf32>,
    %broadcast_in_dim3A_339 = arith.constant 0.000000e+00 : f32
    %broadcast_in_dim3A_340 = vector.broadcast %broadcast_in_dim3A_339 : f32 to vector<16xf32>
    %swap3A_341 = arith.constant 816 : index
    %swap3A_342 = tpu.vector_load %arg5[%swap3A_341] {strides = array<i32>} : memref<1024xf32, #tpu.memory_space<vmem>>, vector<16xf32>,
    %swap3A_343 = vector.shape_cast %swap3A_342 : vector<16xf32> to vector<16xf32>
    %swap3A_344 = vector.shape_cast %broadcast_in_dim3A_340 : vector<16xf32> to vector<16xf32>
    tpu.vector_store %arg5[%swap3A_341], %swap3A_344 {strides = array<i32>} : memref<1024xf32, #tpu.memory_space<vmem>>, vector<16xf32>,
    %broadcast_in_dim3A_345 = arith.constant 0.000000e+00 : f32
    %broadcast_in_dim3A_346 = vector.broadcast %broadcast_in_dim3A_345 : f32 to vector<16xf32>
    %swap3A_347 = arith.constant 832 : index
    %swap3A_348 = tpu.vector_load %arg5[%swap3A_347] {strides = array<i32>} : memref<1024xf32, #tpu.memory_space<vmem>>, vector<16xf32>,
    %swap3A_349 = vector.shape_cast %swap3A_348 : vector<16xf32> to vector<16xf32>
    %swap3A_350 = vector.shape_cast %broadcast_in_dim3A_346 : vector<16xf32> to vector<16xf32>
    tpu.vector_store %arg5[%swap3A_347], %swap3A_350 {strides = array<i32>} : memref<1024xf32, #tpu.memory_space<vmem>>, vector<16xf32>,
    %broadcast_in_dim3A_351 = arith.constant 0.000000e+00 : f32
    %broadcast_in_dim3A_352 = vector.broadcast %broadcast_in_dim3A_351 : f32 to vector<16xf32>
    %swap3A_353 = arith.constant 848 : index
    %swap3A_354 = tpu.vector_load %arg5[%swap3A_353] {strides = array<i32>} : memref<1024xf32, #tpu.memory_space<vmem>>, vector<16xf32>,
    %swap3A_355 = vector.shape_cast %swap3A_354 : vector<16xf32> to vector<16xf32>
    %swap3A_356 = vector.shape_cast %broadcast_in_dim3A_352 : vector<16xf32> to vector<16xf32>
    tpu.vector_store %arg5[%swap3A_353], %swap3A_356 {strides = array<i32>} : memref<1024xf32, #tpu.memory_space<vmem>>, vector<16xf32>,
    %broadcast_in_dim3A_357 = arith.constant 0.000000e+00 : f32
    %broadcast_in_dim3A_358 = vector.broadcast %broadcast_in_dim3A_357 : f32 to vector<16xf32>
    %swap3A_359 = arith.constant 864 : index
    %swap3A_360 = tpu.vector_load %arg5[%swap3A_359] {strides = array<i32>} : memref<1024xf32, #tpu.memory_space<vmem>>, vector<16xf32>,
    %swap3A_361 = vector.shape_cast %swap3A_360 : vector<16xf32> to vector<16xf32>
    %swap3A_362 = vector.shape_cast %broadcast_in_dim3A_358 : vector<16xf32> to vector<16xf32>
    tpu.vector_store %arg5[%swap3A_359], %swap3A_362 {strides = array<i32>} : memref<1024xf32, #tpu.memory_space<vmem>>, vector<16xf32>,
    %broadcast_in_dim3A_363 = arith.constant 0.000000e+00 : f32
    %broadcast_in_dim3A_364 = vector.broadcast %broadcast_in_dim3A_363 : f32 to vector<16xf32>
    %swap3A_365 = arith.constant 880 : index
    %swap3A_366 = tpu.vector_load %arg5[%swap3A_365] {strides = array<i32>} : memref<1024xf32, #tpu.memory_space<vmem>>, vector<16xf32>,
    %swap3A_367 = vector.shape_cast %swap3A_366 : vector<16xf32> to vector<16xf32>
    %swap3A_368 = vector.shape_cast %broadcast_in_dim3A_364 : vector<16xf32> to vector<16xf32>
    tpu.vector_store %arg5[%swap3A_365], %swap3A_368 {strides = array<i32>} : memref<1024xf32, #tpu.memory_space<vmem>>, vector<16xf32>,
    %broadcast_in_dim3A_369 = arith.constant 0.000000e+00 : f32
    %broadcast_in_dim3A_370 = vector.broadcast %broadcast_in_dim3A_369 : f32 to vector<16xf32>
    %swap3A_371 = arith.constant 896 : index
    %swap3A_372 = tpu.vector_load %arg5[%swap3A_371] {strides = array<i32>} : memref<1024xf32, #tpu.memory_space<vmem>>, vector<16xf32>,
    %swap3A_373 = vector.shape_cast %swap3A_372 : vector<16xf32> to vector<16xf32>
    %swap3A_374 = vector.shape_cast %broadcast_in_dim3A_370 : vector<16xf32> to vector<16xf32>
    tpu.vector_store %arg5[%swap3A_371], %swap3A_374 {strides = array<i32>} : memref<1024xf32, #tpu.memory_space<vmem>>, vector<16xf32>,
    %broadcast_in_dim3A_375 = arith.constant 0.000000e+00 : f32
    %broadcast_in_dim3A_376 = vector.broadcast %broadcast_in_dim3A_375 : f32 to vector<16xf32>
    %swap3A_377 = arith.constant 912 : index
    %swap3A_378 = tpu.vector_load %arg5[%swap3A_377] {strides = array<i32>} : memref<1024xf32, #tpu.memory_space<vmem>>, vector<16xf32>,
    %swap3A_379 = vector.shape_cast %swap3A_378 : vector<16xf32> to vector<16xf32>
    %swap3A_380 = vector.shape_cast %broadcast_in_dim3A_376 : vector<16xf32> to vector<16xf32>
    tpu.vector_store %arg5[%swap3A_377], %swap3A_380 {strides = array<i32>} : memref<1024xf32, #tpu.memory_space<vmem>>, vector<16xf32>,
    %broadcast_in_dim3A_381 = arith.constant 0.000000e+00 : f32
    %broadcast_in_dim3A_382 = vector.broadcast %broadcast_in_dim3A_381 : f32 to vector<16xf32>
    %swap3A_383 = arith.constant 928 : index
    %swap3A_384 = tpu.vector_load %arg5[%swap3A_383] {strides = array<i32>} : memref<1024xf32, #tpu.memory_space<vmem>>, vector<16xf32>,
    %swap3A_385 = vector.shape_cast %swap3A_384 : vector<16xf32> to vector<16xf32>
    %swap3A_386 = vector.shape_cast %broadcast_in_dim3A_382 : vector<16xf32> to vector<16xf32>
    tpu.vector_store %arg5[%swap3A_383], %swap3A_386 {strides = array<i32>} : memref<1024xf32, #tpu.memory_space<vmem>>, vector<16xf32>,
    %broadcast_in_dim3A_387 = arith.constant 0.000000e+00 : f32
    %broadcast_in_dim3A_388 = vector.broadcast %broadcast_in_dim3A_387 : f32 to vector<16xf32>
    %swap3A_389 = arith.constant 944 : index
    %swap3A_390 = tpu.vector_load %arg5[%swap3A_389] {strides = array<i32>} : memref<1024xf32, #tpu.memory_space<vmem>>, vector<16xf32>,
    %swap3A_391 = vector.shape_cast %swap3A_390 : vector<16xf32> to vector<16xf32>
    %swap3A_392 = vector.shape_cast %broadcast_in_dim3A_388 : vector<16xf32> to vector<16xf32>
    tpu.vector_store %arg5[%swap3A_389], %swap3A_392 {strides = array<i32>} : memref<1024xf32, #tpu.memory_space<vmem>>, vector<16xf32>,
    %broadcast_in_dim3A_393 = arith.constant 0.000000e+00 : f32
    %broadcast_in_dim3A_394 = vector.broadcast %broadcast_in_dim3A_393 : f32 to vector<16xf32>
    %swap3A_395 = arith.constant 960 : index
    %swap3A_396 = tpu.vector_load %arg5[%swap3A_395] {strides = array<i32>} : memref<1024xf32, #tpu.memory_space<vmem>>, vector<16xf32>,
    %swap3A_397 = vector.shape_cast %swap3A_396 : vector<16xf32> to vector<16xf32>
    %swap3A_398 = vector.shape_cast %broadcast_in_dim3A_394 : vector<16xf32> to vector<16xf32>
    tpu.vector_store %arg5[%swap3A_395], %swap3A_398 {strides = array<i32>} : memref<1024xf32, #tpu.memory_space<vmem>>, vector<16xf32>,
    %broadcast_in_dim3A_399 = arith.constant 0.000000e+00 : f32
    %broadcast_in_dim3A_400 = vector.broadcast %broadcast_in_dim3A_399 : f32 to vector<16xf32>
    %swap3A_401 = arith.constant 976 : index
    %swap3A_402 = tpu.vector_load %arg5[%swap3A_401] {strides = array<i32>} : memref<1024xf32, #tpu.memory_space<vmem>>, vector<16xf32>,
    %swap3A_403 = vector.shape_cast %swap3A_402 : vector<16xf32> to vector<16xf32>
    %swap3A_404 = vector.shape_cast %broadcast_in_dim3A_400 : vector<16xf32> to vector<16xf32>
    tpu.vector_store %arg5[%swap3A_401], %swap3A_404 {strides = array<i32>} : memref<1024xf32, #tpu.memory_space<vmem>>, vector<16xf32>,
    %broadcast_in_dim3A_405 = arith.constant 0.000000e+00 : f32
    %broadcast_in_dim3A_406 = vector.broadcast %broadcast_in_dim3A_405 : f32 to vector<16xf32>
    %swap3A_407 = arith.constant 992 : index
    %swap3A_408 = tpu.vector_load %arg5[%swap3A_407] {strides = array<i32>} : memref<1024xf32, #tpu.memory_space<vmem>>, vector<16xf32>,
    %swap3A_409 = vector.shape_cast %swap3A_408 : vector<16xf32> to vector<16xf32>
    %swap3A_410 = vector.shape_cast %broadcast_in_dim3A_406 : vector<16xf32> to vector<16xf32>
    tpu.vector_store %arg5[%swap3A_407], %swap3A_410 {strides = array<i32>} : memref<1024xf32, #tpu.memory_space<vmem>>, vector<16xf32>,
    %broadcast_in_dim3A_411 = arith.constant 0.000000e+00 : f32
    %broadcast_in_dim3A_412 = vector.broadcast %broadcast_in_dim3A_411 : f32 to vector<16xf32>
    %swap3A_413 = arith.constant 1008 : index
    %swap3A_414 = tpu.vector_load %arg5[%swap3A_413] {strides = array<i32>} : memref<1024xf32, #tpu.memory_space<vmem>>, vector<16xf32>,
    %swap3A_415 = vector.shape_cast %swap3A_414 : vector<16xf32> to vector<16xf32>
    %swap3A_416 = vector.shape_cast %broadcast_in_dim3A_412 : vector<16xf32> to vector<16xf32>
    tpu.vector_store %arg5[%swap3A_413], %swap3A_416 {strides = array<i32>} : memref<1024xf32, #tpu.memory_space<vmem>>, vector<16xf32>,
    %add3A_417 = arith.constant 0 : i32
    %add3A_418 = arith.addi %add3A_34, %add3A_417 : i32
    %dma_start3A = arith.constant 0 : i32
    %dma_start3A_419 = arith.constant 0 : i32
    %dma_start3A_420 = arith.constant 0 : i32
    %dma_start3A_421 = tpu.memref_slice %arg4[%dma_start3A, %dma_start3A_419, %dma_start3A_420] : memref<2x32x1024xf32, #tpu.memory_space<vmem>> -> memref<1x32x1024xf32, #tpu.memory_space<vmem>>
    %dma_start3A_422 = tpu.memref_squeeze %dma_start3A_421 : memref<1x32x1024xf32, #tpu.memory_space<vmem>> -> memref<32x1024xf32, #tpu.memory_space<vmem>>
    %dma_start3A_423 = arith.constant 0 : i32
    %dma_start3A_424 = tpu.memref_slice %arg2[%select_n3A, %add3A_418, %dma_start3A_423] : memref<4x2048x1024xf32, #tpu.memory_space<hbm>> -> memref<1x32x1024xf32, #tpu.memory_space<hbm>>
    %dma_start3A_425 = tpu.memref_squeeze %dma_start3A_424 : memref<1x32x1024xf32, #tpu.memory_space<hbm>> -> memref<32x1024xf32, #tpu.memory_space<hbm>>
    %dma_start3A_426 = arith.constant 0 : i32
    %dma_start3A_427 = arith.constant 0 : i32
    %dma_start3A_428 = tpu.memref_slice %arg4[%dma_start3A, %dma_start3A_426, %dma_start3A_427] : memref<2x32x1024xf32, #tpu.memory_space<vmem>> -> memref<1x32x1024xf32, #tpu.memory_space<vmem>>
    %dma_start3A_429 = tpu.memref_squeeze %dma_start3A_428 : memref<1x32x1024xf32, #tpu.memory_space<vmem>> -> memref<32x1024xf32, #tpu.memory_space<vmem>>
    %dma_start3A_430 = arith.constant 0 : i32
    %dma_start3A_431 = tpu.memref_slice %arg2[%select_n3A, %add3A_418, %dma_start3A_430] : memref<4x2048x1024xf32, #tpu.memory_space<hbm>> -> memref<1x32x1024xf32, #tpu.memory_space<hbm>>
    %dma_start3A_432 = tpu.memref_squeeze %dma_start3A_431 : memref<1x32x1024xf32, #tpu.memory_space<hbm>> -> memref<32x1024xf32, #tpu.memory_space<hbm>>
    tpu.enqueue_dma source(%dma_start3A_432 : memref<32x1024xf32, #tpu.memory_space<hbm>>) target(%dma_start3A_429 : memref<32x1024xf32, #tpu.memory_space<vmem>>) target_semaphore(%arg6 : memref<!tpu.dma_semaphore, #tpu.memory_space<semaphore_mem>>)
    %add3A_433 = arith.constant 32 : i32
    %add3A_434 = arith.addi %add3A_34, %add3A_433 : i32
    %dma_start3A_435 = arith.constant 1 : i32
    %dma_start3A_436 = arith.constant 0 : i32
    %dma_start3A_437 = arith.constant 0 : i32
    %dma_start3A_438 = tpu.memref_slice %arg4[%dma_start3A_435, %dma_start3A_436, %dma_start3A_437] : memref<2x32x1024xf32, #tpu.memory_space<vmem>> -> memref<1x32x1024xf32, #tpu.memory_space<vmem>>
    %dma_start3A_439 = tpu.memref_squeeze %dma_start3A_438 : memref<1x32x1024xf32, #tpu.memory_space<vmem>> -> memref<32x1024xf32, #tpu.memory_space<vmem>>
    %dma_start3A_440 = arith.constant 0 : i32
    %dma_start3A_441 = tpu.memref_slice %arg2[%select_n3A, %add3A_434, %dma_start3A_440] : memref<4x2048x1024xf32, #tpu.memory_space<hbm>> -> memref<1x32x1024xf32, #tpu.memory_space<hbm>>
    %dma_start3A_442 = tpu.memref_squeeze %dma_start3A_441 : memref<1x32x1024xf32, #tpu.memory_space<hbm>> -> memref<32x1024xf32, #tpu.memory_space<hbm>>
    %dma_start3A_443 = arith.constant 0 : i32
    %dma_start3A_444 = arith.constant 0 : i32
    %dma_start3A_445 = tpu.memref_slice %arg4[%dma_start3A_435, %dma_start3A_443, %dma_start3A_444] : memref<2x32x1024xf32, #tpu.memory_space<vmem>> -> memref<1x32x1024xf32, #tpu.memory_space<vmem>>
    %dma_start3A_446 = tpu.memref_squeeze %dma_start3A_445 : memref<1x32x1024xf32, #tpu.memory_space<vmem>> -> memref<32x1024xf32, #tpu.memory_space<vmem>>
    %dma_start3A_447 = arith.constant 0 : i32
    %dma_start3A_448 = tpu.memref_slice %arg2[%select_n3A, %add3A_434, %dma_start3A_447] : memref<4x2048x1024xf32, #tpu.memory_space<hbm>> -> memref<1x32x1024xf32, #tpu.memory_space<hbm>>
    %dma_start3A_449 = tpu.memref_squeeze %dma_start3A_448 : memref<1x32x1024xf32, #tpu.memory_space<hbm>> -> memref<32x1024xf32, #tpu.memory_space<hbm>>
    tpu.enqueue_dma source(%dma_start3A_449 : memref<32x1024xf32, #tpu.memory_space<hbm>>) target(%dma_start3A_446 : memref<32x1024xf32, #tpu.memory_space<vmem>>) target_semaphore(%arg7 : memref<!tpu.dma_semaphore, #tpu.memory_space<semaphore_mem>>)
    %dma_wait3A = arith.constant 0 : i32
    %dma_wait3A_450 = arith.constant 0 : i32
    %dma_wait3A_451 = arith.constant 0 : i32
    %dma_wait3A_452 = tpu.memref_slice %arg4[%dma_wait3A, %dma_wait3A_450, %dma_wait3A_451] : memref<2x32x1024xf32, #tpu.memory_space<vmem>> -> memref<1x32x1024xf32, #tpu.memory_space<vmem>>
    %dma_wait3A_453 = tpu.memref_squeeze %dma_wait3A_452 : memref<1x32x1024xf32, #tpu.memory_space<vmem>> -> memref<32x1024xf32, #tpu.memory_space<vmem>>
    %dma_wait3A_454 = arith.constant 0 : i32
    %dma_wait3A_455 = tpu.memref_slice %arg2[%select_n3A, %add3A_418, %dma_wait3A_454] : memref<4x2048x1024xf32, #tpu.memory_space<hbm>> -> memref<1x32x1024xf32, #tpu.memory_space<hbm>>
    %dma_wait3A_456 = tpu.memref_squeeze %dma_wait3A_455 : memref<1x32x1024xf32, #tpu.memory_space<hbm>> -> memref<32x1024xf32, #tpu.memory_space<hbm>>
    %dma_wait3A_457 = arith.constant 0 : i32
    %dma_wait3A_458 = arith.constant 0 : i32
    %dma_wait3A_459 = tpu.memref_slice %arg4[%dma_wait3A, %dma_wait3A_457, %dma_wait3A_458] : memref<2x32x1024xf32, #tpu.memory_space<vmem>> -> memref<1x32x1024xf32, #tpu.memory_space<vmem>>
    %dma_wait3A_460 = tpu.memref_squeeze %dma_wait3A_459 : memref<1x32x1024xf32, #tpu.memory_space<vmem>> -> memref<32x1024xf32, #tpu.memory_space<vmem>>
    %dma_wait3A_461 = arith.constant 0 : i32
    %dma_wait3A_462 = tpu.memref_slice %arg2[%select_n3A, %add3A_418, %dma_wait3A_461] : memref<4x2048x1024xf32, #tpu.memory_space<hbm>> -> memref<1x32x1024xf32, #tpu.memory_space<hbm>>
    %dma_wait3A_463 = tpu.memref_squeeze %dma_wait3A_462 : memref<1x32x1024xf32, #tpu.memory_space<hbm>> -> memref<32x1024xf32, #tpu.memory_space<hbm>>
    tpu.wait_dma2 semaphore(%arg6 : memref<!tpu.dma_semaphore, #tpu.memory_space<semaphore_mem>>) src(%dma_wait3A_463 : memref<32x1024xf32, #tpu.memory_space<hbm>>) dst(%dma_wait3A_460 : memref<32x1024xf32, #tpu.memory_space<vmem>>)
    %parallel_loop3A = arith.constant 0 : i32
    %parallel_loop3A_464 = arith.constant 64 : i32
    %parallel_loop3A_465 = arith.constant 1 : i32
    scf.for %parallel_loop3A_484 = %parallel_loop3A to %parallel_loop3A_464 step %parallel_loop3A_465  : i32 {
      %parallel_loop3A_485 = arith.constant 16 : i32
      %parallel_loop3A_486 = arith.muli %parallel_loop3A_484, %parallel_loop3A_485 : i32
      %parallel_loop3A_487 = arith.constant 0 : i32
      %parallel_loop3A_488 = arith.constant 0 : i32
      %parallel_loop3A_489 = arith.index_cast %parallel_loop3A_487 : i32 to index
      %parallel_loop3A_490 = arith.index_cast %parallel_loop3A_488 : i32 to index
      %parallel_loop3A_491 = arith.index_cast %parallel_loop3A_486 : i32 to index
      %parallel_loop3A_492 = tpu.vector_load %arg4[%parallel_loop3A_489, %parallel_loop3A_490, %parallel_loop3A_491] {strides = array<i32>} : memref<2x32x1024xf32, #tpu.memory_space<vmem>>, vector<1x1x16xf32>,
      %parallel_loop3A_493 = vector.shape_cast %parallel_loop3A_492 : vector<1x1x16xf32> to vector<16xf32>
      %parallel_loop3A_494 = arith.constant 0 : i32
      %parallel_loop3A_495 = arith.constant 1 : i32
      %parallel_loop3A_496 = arith.index_cast %parallel_loop3A_494 : i32 to index
      %parallel_loop3A_497 = arith.index_cast %parallel_loop3A_495 : i32 to index
      %parallel_loop3A_498 = arith.index_cast %parallel_loop3A_486 : i32 to index
      %parallel_loop3A_499 = tpu.vector_load %arg4[%parallel_loop3A_496, %parallel_loop3A_497, %parallel_loop3A_498] {strides = array<i32>} : memref<2x32x1024xf32, #tpu.memory_space<vmem>>, vector<1x1x16xf32>,
      %parallel_loop3A_500 = vector.shape_cast %parallel_loop3A_499 : vector<1x1x16xf32> to vector<16xf32>
      %parallel_loop3A_501 = arith.constant 0 : i32
      %parallel_loop3A_502 = arith.constant 2 : i32
      %parallel_loop3A_503 = arith.index_cast %parallel_loop3A_501 : i32 to index
      %parallel_loop3A_504 = arith.index_cast %parallel_loop3A_502 : i32 to index
      %parallel_loop3A_505 = arith.index_cast %parallel_loop3A_486 : i32 to index
      %parallel_loop3A_506 = tpu.vector_load %arg4[%parallel_loop3A_503, %parallel_loop3A_504, %parallel_loop3A_505] {strides = array<i32>} : memref<2x32x1024xf32, #tpu.memory_space<vmem>>, vector<1x1x16xf32>,
      %parallel_loop3A_507 = vector.shape_cast %parallel_loop3A_506 : vector<1x1x16xf32> to vector<16xf32>
      %parallel_loop3A_508 = arith.constant 0 : i32
      %parallel_loop3A_509 = arith.constant 3 : i32
      %parallel_loop3A_510 = arith.index_cast %parallel_loop3A_508 : i32 to index
      %parallel_loop3A_511 = arith.index_cast %parallel_loop3A_509 : i32 to index
      %parallel_loop3A_512 = arith.index_cast %parallel_loop3A_486 : i32 to index
      %parallel_loop3A_513 = tpu.vector_load %arg4[%parallel_loop3A_510, %parallel_loop3A_511, %parallel_loop3A_512] {strides = array<i32>} : memref<2x32x1024xf32, #tpu.memory_space<vmem>>, vector<1x1x16xf32>,
      %parallel_loop3A_514 = vector.shape_cast %parallel_loop3A_513 : vector<1x1x16xf32> to vector<16xf32>
      %parallel_loop3A_515 = arith.constant 0 : i32
      %parallel_loop3A_516 = arith.constant 4 : i32
      %parallel_loop3A_517 = arith.index_cast %parallel_loop3A_515 : i32 to index
      %parallel_loop3A_518 = arith.index_cast %parallel_loop3A_516 : i32 to index
      %parallel_loop3A_519 = arith.index_cast %parallel_loop3A_486 : i32 to index
      %parallel_loop3A_520 = tpu.vector_load %arg4[%parallel_loop3A_517, %parallel_loop3A_518, %parallel_loop3A_519] {strides = array<i32>} : memref<2x32x1024xf32, #tpu.memory_space<vmem>>, vector<1x1x16xf32>,
      %parallel_loop3A_521 = vector.shape_cast %parallel_loop3A_520 : vector<1x1x16xf32> to vector<16xf32>
      %parallel_loop3A_522 = arith.constant 0 : i32
      %parallel_loop3A_523 = arith.constant 5 : i32
      %parallel_loop3A_524 = arith.index_cast %parallel_loop3A_522 : i32 to index
      %parallel_loop3A_525 = arith.index_cast %parallel_loop3A_523 : i32 to index
      %parallel_loop3A_526 = arith.index_cast %parallel_loop3A_486 : i32 to index
      %parallel_loop3A_527 = tpu.vector_load %arg4[%parallel_loop3A_524, %parallel_loop3A_525, %parallel_loop3A_526] {strides = array<i32>} : memref<2x32x1024xf32, #tpu.memory_space<vmem>>, vector<1x1x16xf32>,
      %parallel_loop3A_528 = vector.shape_cast %parallel_loop3A_527 : vector<1x1x16xf32> to vector<16xf32>
      %parallel_loop3A_529 = arith.constant 0 : i32
      %parallel_loop3A_530 = arith.constant 6 : i32
      %parallel_loop3A_531 = arith.index_cast %parallel_loop3A_529 : i32 to index
      %parallel_loop3A_532 = arith.index_cast %parallel_loop3A_530 : i32 to index
      %parallel_loop3A_533 = arith.index_cast %parallel_loop3A_486 : i32 to index
      %parallel_loop3A_534 = tpu.vector_load %arg4[%parallel_loop3A_531, %parallel_loop3A_532, %parallel_loop3A_533] {strides = array<i32>} : memref<2x32x1024xf32, #tpu.memory_space<vmem>>, vector<1x1x16xf32>,
      %parallel_loop3A_535 = vector.shape_cast %parallel_loop3A_534 : vector<1x1x16xf32> to vector<16xf32>
      %parallel_loop3A_536 = arith.constant 0 : i32
      %parallel_loop3A_537 = arith.constant 7 : i32
      %parallel_loop3A_538 = arith.index_cast %parallel_loop3A_536 : i32 to index
      %parallel_loop3A_539 = arith.index_cast %parallel_loop3A_537 : i32 to index
      %parallel_loop3A_540 = arith.index_cast %parallel_loop3A_486 : i32 to index
      %parallel_loop3A_541 = tpu.vector_load %arg4[%parallel_loop3A_538, %parallel_loop3A_539, %parallel_loop3A_540] {strides = array<i32>} : memref<2x32x1024xf32, #tpu.memory_space<vmem>>, vector<1x1x16xf32>,
      %parallel_loop3A_542 = vector.shape_cast %parallel_loop3A_541 : vector<1x1x16xf32> to vector<16xf32>
      %parallel_loop3A_543 = arith.constant 0 : i32
      %parallel_loop3A_544 = arith.constant 8 : i32
      %parallel_loop3A_545 = arith.index_cast %parallel_loop3A_543 : i32 to index
      %parallel_loop3A_546 = arith.index_cast %parallel_loop3A_544 : i32 to index
      %parallel_loop3A_547 = arith.index_cast %parallel_loop3A_486 : i32 to index
      %parallel_loop3A_548 = tpu.vector_load %arg4[%parallel_loop3A_545, %parallel_loop3A_546, %parallel_loop3A_547] {strides = array<i32>} : memref<2x32x1024xf32, #tpu.memory_space<vmem>>, vector<1x1x16xf32>,
      %parallel_loop3A_549 = vector.shape_cast %parallel_loop3A_548 : vector<1x1x16xf32> to vector<16xf32>
      %parallel_loop3A_550 = arith.constant 0 : i32
      %parallel_loop3A_551 = arith.constant 9 : i32
      %parallel_loop3A_552 = arith.index_cast %parallel_loop3A_550 : i32 to index
      %parallel_loop3A_553 = arith.index_cast %parallel_loop3A_551 : i32 to index
      %parallel_loop3A_554 = arith.index_cast %parallel_loop3A_486 : i32 to index
      %parallel_loop3A_555 = tpu.vector_load %arg4[%parallel_loop3A_552, %parallel_loop3A_553, %parallel_loop3A_554] {strides = array<i32>} : memref<2x32x1024xf32, #tpu.memory_space<vmem>>, vector<1x1x16xf32>,
      %parallel_loop3A_556 = vector.shape_cast %parallel_loop3A_555 : vector<1x1x16xf32> to vector<16xf32>
      %parallel_loop3A_557 = arith.constant 0 : i32
      %parallel_loop3A_558 = arith.constant 10 : i32
      %parallel_loop3A_559 = arith.index_cast %parallel_loop3A_557 : i32 to index
      %parallel_loop3A_560 = arith.index_cast %parallel_loop3A_558 : i32 to index
      %parallel_loop3A_561 = arith.index_cast %parallel_loop3A_486 : i32 to index
      %parallel_loop3A_562 = tpu.vector_load %arg4[%parallel_loop3A_559, %parallel_loop3A_560, %parallel_loop3A_561] {strides = array<i32>} : memref<2x32x1024xf32, #tpu.memory_space<vmem>>, vector<1x1x16xf32>,
      %parallel_loop3A_563 = vector.shape_cast %parallel_loop3A_562 : vector<1x1x16xf32> to vector<16xf32>
      %parallel_loop3A_564 = arith.constant 0 : i32
      %parallel_loop3A_565 = arith.constant 11 : i32
      %parallel_loop3A_566 = arith.index_cast %parallel_loop3A_564 : i32 to index
      %parallel_loop3A_567 = arith.index_cast %parallel_loop3A_565 : i32 to index
      %parallel_loop3A_568 = arith.index_cast %parallel_loop3A_486 : i32 to index
      %parallel_loop3A_569 = tpu.vector_load %arg4[%parallel_loop3A_566, %parallel_loop3A_567, %parallel_loop3A_568] {strides = array<i32>} : memref<2x32x1024xf32, #tpu.memory_space<vmem>>, vector<1x1x16xf32>,
      %parallel_loop3A_570 = vector.shape_cast %parallel_loop3A_569 : vector<1x1x16xf32> to vector<16xf32>
      %parallel_loop3A_571 = arith.constant 0 : i32
      %parallel_loop3A_572 = arith.constant 12 : i32
      %parallel_loop3A_573 = arith.index_cast %parallel_loop3A_571 : i32 to index
      %parallel_loop3A_574 = arith.index_cast %parallel_loop3A_572 : i32 to index
      %parallel_loop3A_575 = arith.index_cast %parallel_loop3A_486 : i32 to index
      %parallel_loop3A_576 = tpu.vector_load %arg4[%parallel_loop3A_573, %parallel_loop3A_574, %parallel_loop3A_575] {strides = array<i32>} : memref<2x32x1024xf32, #tpu.memory_space<vmem>>, vector<1x1x16xf32>,
      %parallel_loop3A_577 = vector.shape_cast %parallel_loop3A_576 : vector<1x1x16xf32> to vector<16xf32>
      %parallel_loop3A_578 = arith.constant 0 : i32
      %parallel_loop3A_579 = arith.constant 13 : i32
      %parallel_loop3A_580 = arith.index_cast %parallel_loop3A_578 : i32 to index
      %parallel_loop3A_581 = arith.index_cast %parallel_loop3A_579 : i32 to index
      %parallel_loop3A_582 = arith.index_cast %parallel_loop3A_486 : i32 to index
      %parallel_loop3A_583 = tpu.vector_load %arg4[%parallel_loop3A_580, %parallel_loop3A_581, %parallel_loop3A_582] {strides = array<i32>} : memref<2x32x1024xf32, #tpu.memory_space<vmem>>, vector<1x1x16xf32>,
      %parallel_loop3A_584 = vector.shape_cast %parallel_loop3A_583 : vector<1x1x16xf32> to vector<16xf32>
      %parallel_loop3A_585 = arith.constant 0 : i32
      %parallel_loop3A_586 = arith.constant 14 : i32
      %parallel_loop3A_587 = arith.index_cast %parallel_loop3A_585 : i32 to index
      %parallel_loop3A_588 = arith.index_cast %parallel_loop3A_586 : i32 to index
      %parallel_loop3A_589 = arith.index_cast %parallel_loop3A_486 : i32 to index
      %parallel_loop3A_590 = tpu.vector_load %arg4[%parallel_loop3A_587, %parallel_loop3A_588, %parallel_loop3A_589] {strides = array<i32>} : memref<2x32x1024xf32, #tpu.memory_space<vmem>>, vector<1x1x16xf32>,
      %parallel_loop3A_591 = vector.shape_cast %parallel_loop3A_590 : vector<1x1x16xf32> to vector<16xf32>
      %parallel_loop3A_592 = arith.constant 0 : i32
      %parallel_loop3A_593 = arith.constant 15 : i32
      %parallel_loop3A_594 = arith.index_cast %parallel_loop3A_592 : i32 to index
      %parallel_loop3A_595 = arith.index_cast %parallel_loop3A_593 : i32 to index
      %parallel_loop3A_596 = arith.index_cast %parallel_loop3A_486 : i32 to index
      %parallel_loop3A_597 = tpu.vector_load %arg4[%parallel_loop3A_594, %parallel_loop3A_595, %parallel_loop3A_596] {strides = array<i32>} : memref<2x32x1024xf32, #tpu.memory_space<vmem>>, vector<1x1x16xf32>,
      %parallel_loop3A_598 = vector.shape_cast %parallel_loop3A_597 : vector<1x1x16xf32> to vector<16xf32>
      %parallel_loop3A_599 = arith.constant 0 : i32
      %parallel_loop3A_600 = arith.constant 16 : i32
      %parallel_loop3A_601 = arith.index_cast %parallel_loop3A_599 : i32 to index
      %parallel_loop3A_602 = arith.index_cast %parallel_loop3A_600 : i32 to index
      %parallel_loop3A_603 = arith.index_cast %parallel_loop3A_486 : i32 to index
      %parallel_loop3A_604 = tpu.vector_load %arg4[%parallel_loop3A_601, %parallel_loop3A_602, %parallel_loop3A_603] {strides = array<i32>} : memref<2x32x1024xf32, #tpu.memory_space<vmem>>, vector<1x1x16xf32>,
      %parallel_loop3A_605 = vector.shape_cast %parallel_loop3A_604 : vector<1x1x16xf32> to vector<16xf32>
      %parallel_loop3A_606 = arith.constant 0 : i32
      %parallel_loop3A_607 = arith.constant 17 : i32
      %parallel_loop3A_608 = arith.index_cast %parallel_loop3A_606 : i32 to index
      %parallel_loop3A_609 = arith.index_cast %parallel_loop3A_607 : i32 to index
      %parallel_loop3A_610 = arith.index_cast %parallel_loop3A_486 : i32 to index
      %parallel_loop3A_611 = tpu.vector_load %arg4[%parallel_loop3A_608, %parallel_loop3A_609, %parallel_loop3A_610] {strides = array<i32>} : memref<2x32x1024xf32, #tpu.memory_space<vmem>>, vector<1x1x16xf32>,
      %parallel_loop3A_612 = vector.shape_cast %parallel_loop3A_611 : vector<1x1x16xf32> to vector<16xf32>
      %parallel_loop3A_613 = arith.constant 0 : i32
      %parallel_loop3A_614 = arith.constant 18 : i32
      %parallel_loop3A_615 = arith.index_cast %parallel_loop3A_613 : i32 to index
      %parallel_loop3A_616 = arith.index_cast %parallel_loop3A_614 : i32 to index
      %parallel_loop3A_617 = arith.index_cast %parallel_loop3A_486 : i32 to index
      %parallel_loop3A_618 = tpu.vector_load %arg4[%parallel_loop3A_615, %parallel_loop3A_616, %parallel_loop3A_617] {strides = array<i32>} : memref<2x32x1024xf32, #tpu.memory_space<vmem>>, vector<1x1x16xf32>,
      %parallel_loop3A_619 = vector.shape_cast %parallel_loop3A_618 : vector<1x1x16xf32> to vector<16xf32>
      %parallel_loop3A_620 = arith.constant 0 : i32
      %parallel_loop3A_621 = arith.constant 19 : i32
      %parallel_loop3A_622 = arith.index_cast %parallel_loop3A_620 : i32 to index
      %parallel_loop3A_623 = arith.index_cast %parallel_loop3A_621 : i32 to index
      %parallel_loop3A_624 = arith.index_cast %parallel_loop3A_486 : i32 to index
      %parallel_loop3A_625 = tpu.vector_load %arg4[%parallel_loop3A_622, %parallel_loop3A_623, %parallel_loop3A_624] {strides = array<i32>} : memref<2x32x1024xf32, #tpu.memory_space<vmem>>, vector<1x1x16xf32>,
      %parallel_loop3A_626 = vector.shape_cast %parallel_loop3A_625 : vector<1x1x16xf32> to vector<16xf32>
      %parallel_loop3A_627 = arith.constant 0 : i32
      %parallel_loop3A_628 = arith.constant 20 : i32
      %parallel_loop3A_629 = arith.index_cast %parallel_loop3A_627 : i32 to index
      %parallel_loop3A_630 = arith.index_cast %parallel_loop3A_628 : i32 to index
      %parallel_loop3A_631 = arith.index_cast %parallel_loop3A_486 : i32 to index
      %parallel_loop3A_632 = tpu.vector_load %arg4[%parallel_loop3A_629, %parallel_loop3A_630, %parallel_loop3A_631] {strides = array<i32>} : memref<2x32x1024xf32, #tpu.memory_space<vmem>>, vector<1x1x16xf32>,
      %parallel_loop3A_633 = vector.shape_cast %parallel_loop3A_632 : vector<1x1x16xf32> to vector<16xf32>
      %parallel_loop3A_634 = arith.constant 0 : i32
      %parallel_loop3A_635 = arith.constant 21 : i32
      %parallel_loop3A_636 = arith.index_cast %parallel_loop3A_634 : i32 to index
      %parallel_loop3A_637 = arith.index_cast %parallel_loop3A_635 : i32 to index
      %parallel_loop3A_638 = arith.index_cast %parallel_loop3A_486 : i32 to index
      %parallel_loop3A_639 = tpu.vector_load %arg4[%parallel_loop3A_636, %parallel_loop3A_637, %parallel_loop3A_638] {strides = array<i32>} : memref<2x32x1024xf32, #tpu.memory_space<vmem>>, vector<1x1x16xf32>,
      %parallel_loop3A_640 = vector.shape_cast %parallel_loop3A_639 : vector<1x1x16xf32> to vector<16xf32>
      %parallel_loop3A_641 = arith.constant 0 : i32
      %parallel_loop3A_642 = arith.constant 22 : i32
      %parallel_loop3A_643 = arith.index_cast %parallel_loop3A_641 : i32 to index
      %parallel_loop3A_644 = arith.index_cast %parallel_loop3A_642 : i32 to index
      %parallel_loop3A_645 = arith.index_cast %parallel_loop3A_486 : i32 to index
      %parallel_loop3A_646 = tpu.vector_load %arg4[%parallel_loop3A_643, %parallel_loop3A_644, %parallel_loop3A_645] {strides = array<i32>} : memref<2x32x1024xf32, #tpu.memory_space<vmem>>, vector<1x1x16xf32>,
      %parallel_loop3A_647 = vector.shape_cast %parallel_loop3A_646 : vector<1x1x16xf32> to vector<16xf32>
      %parallel_loop3A_648 = arith.constant 0 : i32
      %parallel_loop3A_649 = arith.constant 23 : i32
      %parallel_loop3A_650 = arith.index_cast %parallel_loop3A_648 : i32 to index
      %parallel_loop3A_651 = arith.index_cast %parallel_loop3A_649 : i32 to index
      %parallel_loop3A_652 = arith.index_cast %parallel_loop3A_486 : i32 to index
      %parallel_loop3A_653 = tpu.vector_load %arg4[%parallel_loop3A_650, %parallel_loop3A_651, %parallel_loop3A_652] {strides = array<i32>} : memref<2x32x1024xf32, #tpu.memory_space<vmem>>, vector<1x1x16xf32>,
      %parallel_loop3A_654 = vector.shape_cast %parallel_loop3A_653 : vector<1x1x16xf32> to vector<16xf32>
      %parallel_loop3A_655 = arith.constant 0 : i32
      %parallel_loop3A_656 = arith.constant 24 : i32
      %parallel_loop3A_657 = arith.index_cast %parallel_loop3A_655 : i32 to index
      %parallel_loop3A_658 = arith.index_cast %parallel_loop3A_656 : i32 to index
      %parallel_loop3A_659 = arith.index_cast %parallel_loop3A_486 : i32 to index
      %parallel_loop3A_660 = tpu.vector_load %arg4[%parallel_loop3A_657, %parallel_loop3A_658, %parallel_loop3A_659] {strides = array<i32>} : memref<2x32x1024xf32, #tpu.memory_space<vmem>>, vector<1x1x16xf32>,
      %parallel_loop3A_661 = vector.shape_cast %parallel_loop3A_660 : vector<1x1x16xf32> to vector<16xf32>
      %parallel_loop3A_662 = arith.constant 0 : i32
      %parallel_loop3A_663 = arith.constant 25 : i32
      %parallel_loop3A_664 = arith.index_cast %parallel_loop3A_662 : i32 to index
      %parallel_loop3A_665 = arith.index_cast %parallel_loop3A_663 : i32 to index
      %parallel_loop3A_666 = arith.index_cast %parallel_loop3A_486 : i32 to index
      %parallel_loop3A_667 = tpu.vector_load %arg4[%parallel_loop3A_664, %parallel_loop3A_665, %parallel_loop3A_666] {strides = array<i32>} : memref<2x32x1024xf32, #tpu.memory_space<vmem>>, vector<1x1x16xf32>,
      %parallel_loop3A_668 = vector.shape_cast %parallel_loop3A_667 : vector<1x1x16xf32> to vector<16xf32>
      %parallel_loop3A_669 = arith.constant 0 : i32
      %parallel_loop3A_670 = arith.constant 26 : i32
      %parallel_loop3A_671 = arith.index_cast %parallel_loop3A_669 : i32 to index
      %parallel_loop3A_672 = arith.index_cast %parallel_loop3A_670 : i32 to index
      %parallel_loop3A_673 = arith.index_cast %parallel_loop3A_486 : i32 to index
      %parallel_loop3A_674 = tpu.vector_load %arg4[%parallel_loop3A_671, %parallel_loop3A_672, %parallel_loop3A_673] {strides = array<i32>} : memref<2x32x1024xf32, #tpu.memory_space<vmem>>, vector<1x1x16xf32>,
      %parallel_loop3A_675 = vector.shape_cast %parallel_loop3A_674 : vector<1x1x16xf32> to vector<16xf32>
      %parallel_loop3A_676 = arith.constant 0 : i32
      %parallel_loop3A_677 = arith.constant 27 : i32
      %parallel_loop3A_678 = arith.index_cast %parallel_loop3A_676 : i32 to index
      %parallel_loop3A_679 = arith.index_cast %parallel_loop3A_677 : i32 to index
      %parallel_loop3A_680 = arith.index_cast %parallel_loop3A_486 : i32 to index
      %parallel_loop3A_681 = tpu.vector_load %arg4[%parallel_loop3A_678, %parallel_loop3A_679, %parallel_loop3A_680] {strides = array<i32>} : memref<2x32x1024xf32, #tpu.memory_space<vmem>>, vector<1x1x16xf32>,
      %parallel_loop3A_682 = vector.shape_cast %parallel_loop3A_681 : vector<1x1x16xf32> to vector<16xf32>
      %parallel_loop3A_683 = arith.constant 0 : i32
      %parallel_loop3A_684 = arith.constant 28 : i32
      %parallel_loop3A_685 = arith.index_cast %parallel_loop3A_683 : i32 to index
      %parallel_loop3A_686 = arith.index_cast %parallel_loop3A_684 : i32 to index
      %parallel_loop3A_687 = arith.index_cast %parallel_loop3A_486 : i32 to index
      %parallel_loop3A_688 = tpu.vector_load %arg4[%parallel_loop3A_685, %parallel_loop3A_686, %parallel_loop3A_687] {strides = array<i32>} : memref<2x32x1024xf32, #tpu.memory_space<vmem>>, vector<1x1x16xf32>,
      %parallel_loop3A_689 = vector.shape_cast %parallel_loop3A_688 : vector<1x1x16xf32> to vector<16xf32>
      %parallel_loop3A_690 = arith.constant 0 : i32
      %parallel_loop3A_691 = arith.constant 29 : i32
      %parallel_loop3A_692 = arith.index_cast %parallel_loop3A_690 : i32 to index
      %parallel_loop3A_693 = arith.index_cast %parallel_loop3A_691 : i32 to index
      %parallel_loop3A_694 = arith.index_cast %parallel_loop3A_486 : i32 to index
      %parallel_loop3A_695 = tpu.vector_load %arg4[%parallel_loop3A_692, %parallel_loop3A_693, %parallel_loop3A_694] {strides = array<i32>} : memref<2x32x1024xf32, #tpu.memory_space<vmem>>, vector<1x1x16xf32>,
      %parallel_loop3A_696 = vector.shape_cast %parallel_loop3A_695 : vector<1x1x16xf32> to vector<16xf32>
      %parallel_loop3A_697 = arith.constant 0 : i32
      %parallel_loop3A_698 = arith.constant 30 : i32
      %parallel_loop3A_699 = arith.index_cast %parallel_loop3A_697 : i32 to index
      %parallel_loop3A_700 = arith.index_cast %parallel_loop3A_698 : i32 to index
      %parallel_loop3A_701 = arith.index_cast %parallel_loop3A_486 : i32 to index
      %parallel_loop3A_702 = tpu.vector_load %arg4[%parallel_loop3A_699, %parallel_loop3A_700, %parallel_loop3A_701] {strides = array<i32>} : memref<2x32x1024xf32, #tpu.memory_space<vmem>>, vector<1x1x16xf32>,
      %parallel_loop3A_703 = vector.shape_cast %parallel_loop3A_702 : vector<1x1x16xf32> to vector<16xf32>
      %parallel_loop3A_704 = arith.constant 0 : i32
      %parallel_loop3A_705 = arith.constant 31 : i32
      %parallel_loop3A_706 = arith.index_cast %parallel_loop3A_704 : i32 to index
      %parallel_loop3A_707 = arith.index_cast %parallel_loop3A_705 : i32 to index
      %parallel_loop3A_708 = arith.index_cast %parallel_loop3A_486 : i32 to index
      %parallel_loop3A_709 = tpu.vector_load %arg4[%parallel_loop3A_706, %parallel_loop3A_707, %parallel_loop3A_708] {strides = array<i32>} : memref<2x32x1024xf32, #tpu.memory_space<vmem>>, vector<1x1x16xf32>,
      %parallel_loop3A_710 = vector.shape_cast %parallel_loop3A_709 : vector<1x1x16xf32> to vector<16xf32>
      %parallel_loop3A_711 = arith.addf %parallel_loop3A_493, %parallel_loop3A_500 : vector<16xf32>
      %parallel_loop3A_712 = arith.addf %parallel_loop3A_507, %parallel_loop3A_514 : vector<16xf32>
      %parallel_loop3A_713 = arith.addf %parallel_loop3A_521, %parallel_loop3A_528 : vector<16xf32>
      %parallel_loop3A_714 = arith.addf %parallel_loop3A_535, %parallel_loop3A_542 : vector<16xf32>
      %parallel_loop3A_715 = arith.addf %parallel_loop3A_549, %parallel_loop3A_556 : vector<16xf32>
      %parallel_loop3A_716 = arith.addf %parallel_loop3A_563, %parallel_loop3A_570 : vector<16xf32>
      %parallel_loop3A_717 = arith.addf %parallel_loop3A_577, %parallel_loop3A_584 : vector<16xf32>
      %parallel_loop3A_718 = arith.addf %parallel_loop3A_591, %parallel_loop3A_598 : vector<16xf32>
      %parallel_loop3A_719 = arith.addf %parallel_loop3A_605, %parallel_loop3A_612 : vector<16xf32>
      %parallel_loop3A_720 = arith.addf %parallel_loop3A_619, %parallel_loop3A_626 : vector<16xf32>
      %parallel_loop3A_721 = arith.addf %parallel_loop3A_633, %parallel_loop3A_640 : vector<16xf32>
      %parallel_loop3A_722 = arith.addf %parallel_loop3A_647, %parallel_loop3A_654 : vector<16xf32>
      %parallel_loop3A_723 = arith.addf %parallel_loop3A_661, %parallel_loop3A_668 : vector<16xf32>
      %parallel_loop3A_724 = arith.addf %parallel_loop3A_675, %parallel_loop3A_682 : vector<16xf32>
      %parallel_loop3A_725 = arith.addf %parallel_loop3A_689, %parallel_loop3A_696 : vector<16xf32>
      %parallel_loop3A_726 = arith.addf %parallel_loop3A_703, %parallel_loop3A_710 : vector<16xf32>
      %parallel_loop3A_727 = arith.addf %parallel_loop3A_711, %parallel_loop3A_712 : vector<16xf32>
      %parallel_loop3A_728 = arith.addf %parallel_loop3A_713, %parallel_loop3A_714 : vector<16xf32>
      %parallel_loop3A_729 = arith.addf %parallel_loop3A_715, %parallel_loop3A_716 : vector<16xf32>
      %parallel_loop3A_730 = arith.addf %parallel_loop3A_717, %parallel_loop3A_718 : vector<16xf32>
      %parallel_loop3A_731 = arith.addf %parallel_loop3A_719, %parallel_loop3A_720 : vector<16xf32>
      %parallel_loop3A_732 = arith.addf %parallel_loop3A_721, %parallel_loop3A_722 : vector<16xf32>
      %parallel_loop3A_733 = arith.addf %parallel_loop3A_723, %parallel_loop3A_724 : vector<16xf32>
      %parallel_loop3A_734 = arith.addf %parallel_loop3A_725, %parallel_loop3A_726 : vector<16xf32>
      %parallel_loop3A_735 = arith.addf %parallel_loop3A_727, %parallel_loop3A_728 : vector<16xf32>
      %parallel_loop3A_736 = arith.addf %parallel_loop3A_729, %parallel_loop3A_730 : vector<16xf32>
      %parallel_loop3A_737 = arith.addf %parallel_loop3A_731, %parallel_loop3A_732 : vector<16xf32>
      %parallel_loop3A_738 = arith.addf %parallel_loop3A_733, %parallel_loop3A_734 : vector<16xf32>
      %parallel_loop3A_739 = arith.addf %parallel_loop3A_735, %parallel_loop3A_736 : vector<16xf32>
      %parallel_loop3A_740 = arith.addf %parallel_loop3A_737, %parallel_loop3A_738 : vector<16xf32>
      %parallel_loop3A_741 = arith.addf %parallel_loop3A_739, %parallel_loop3A_740 : vector<16xf32>
      %parallel_loop3A_742 = arith.index_cast %parallel_loop3A_486 : i32 to index
      %parallel_loop3A_743 = tpu.vector_load %arg5[%parallel_loop3A_742] {strides = array<i32>} : memref<1024xf32, #tpu.memory_space<vmem>>, vector<16xf32>,
      %parallel_loop3A_744 = vector.shape_cast %parallel_loop3A_743 : vector<16xf32> to vector<16xf32>
      %parallel_loop3A_745 = vector.shape_cast %parallel_loop3A_741 : vector<16xf32> to vector<16xf32>
      tpu.vector_store %arg5[%parallel_loop3A_742], %parallel_loop3A_745 {add = true, strides = array<i32>} : memref<1024xf32, #tpu.memory_space<vmem>>, vector<16xf32>,
    } {sc.loop_unroll_factor = 2 : i64, sc.parallel_access}
    %dma_wait3A_466 = arith.constant 1 : i32
    %dma_wait3A_467 = arith.constant 0 : i32
    %dma_wait3A_468 = arith.constant 0 : i32
    %dma_wait3A_469 = tpu.memref_slice %arg4[%dma_wait3A_466, %dma_wait3A_467, %dma_wait3A_468] : memref<2x32x1024xf32, #tpu.memory_space<vmem>> -> memref<1x32x1024xf32, #tpu.memory_space<vmem>>
    %dma_wait3A_470 = tpu.memref_squeeze %dma_wait3A_469 : memref<1x32x1024xf32, #tpu.memory_space<vmem>> -> memref<32x1024xf32, #tpu.memory_space<vmem>>
    %dma_wait3A_471 = arith.constant 0 : i32
    %dma_wait3A_472 = tpu.memref_slice %arg2[%select_n3A, %add3A_434, %dma_wait3A_471] : memref<4x2048x1024xf32, #tpu.memory_space<hbm>> -> memref<1x32x1024xf32, #tpu.memory_space<hbm>>
    %dma_wait3A_473 = tpu.memref_squeeze %dma_wait3A_472 : memref<1x32x1024xf32, #tpu.memory_space<hbm>> -> memref<32x1024xf32, #tpu.memory_space<hbm>>
    %dma_wait3A_474 = arith.constant 0 : i32
    %dma_wait3A_475 = arith.constant 0 : i32
    %dma_wait3A_476 = tpu.memref_slice %arg4[%dma_wait3A_466, %dma_wait3A_474, %dma_wait3A_475] : memref<2x32x1024xf32, #tpu.memory_space<vmem>> -> memref<1x32x1024xf32, #tpu.memory_space<vmem>>
    %dma_wait3A_477 = tpu.memref_squeeze %dma_wait3A_476 : memref<1x32x1024xf32, #tpu.memory_space<vmem>> -> memref<32x1024xf32, #tpu.memory_space<vmem>>
    %dma_wait3A_478 = arith.constant 0 : i32
    %dma_wait3A_479 = tpu.memref_slice %arg2[%select_n3A, %add3A_434, %dma_wait3A_478] : memref<4x2048x1024xf32, #tpu.memory_space<hbm>> -> memref<1x32x1024xf32, #tpu.memory_space<hbm>>
    %dma_wait3A_480 = tpu.memref_squeeze %dma_wait3A_479 : memref<1x32x1024xf32, #tpu.memory_space<hbm>> -> memref<32x1024xf32, #tpu.memory_space<hbm>>
    tpu.wait_dma2 semaphore(%arg7 : memref<!tpu.dma_semaphore, #tpu.memory_space<semaphore_mem>>) src(%dma_wait3A_480 : memref<32x1024xf32, #tpu.memory_space<hbm>>) dst(%dma_wait3A_477 : memref<32x1024xf32, #tpu.memory_space<vmem>>)
    %parallel_loop3A_481 = arith.constant 0 : i32
    %parallel_loop3A_482 = arith.constant 64 : i32
    %parallel_loop3A_483 = arith.constant 1 : i32
    scf.for %parallel_loop3A_484 = %parallel_loop3A_481 to %parallel_loop3A_482 step %parallel_loop3A_483  : i32 {
      %parallel_loop3A_485 = arith.constant 16 : i32
      %parallel_loop3A_486 = arith.muli %parallel_loop3A_484, %parallel_loop3A_485 : i32
      %parallel_loop3A_487 = arith.constant 1 : i32
      %parallel_loop3A_488 = arith.constant 0 : i32
      %parallel_loop3A_489 = arith.index_cast %parallel_loop3A_487 : i32 to index
      %parallel_loop3A_490 = arith.index_cast %parallel_loop3A_488 : i32 to index
      %parallel_loop3A_491 = arith.index_cast %parallel_loop3A_486 : i32 to index
      %parallel_loop3A_492 = tpu.vector_load %arg4[%parallel_loop3A_489, %parallel_loop3A_490, %parallel_loop3A_491] {strides = array<i32>} : memref<2x32x1024xf32, #tpu.memory_space<vmem>>, vector<1x1x16xf32>,
      %parallel_loop3A_493 = vector.shape_cast %parallel_loop3A_492 : vector<1x1x16xf32> to vector<16xf32>
      %parallel_loop3A_494 = arith.constant 1 : i32
      %parallel_loop3A_495 = arith.constant 1 : i32
      %parallel_loop3A_496 = arith.index_cast %parallel_loop3A_494 : i32 to index
      %parallel_loop3A_497 = arith.index_cast %parallel_loop3A_495 : i32 to index
      %parallel_loop3A_498 = arith.index_cast %parallel_loop3A_486 : i32 to index
      %parallel_loop3A_499 = tpu.vector_load %arg4[%parallel_loop3A_496, %parallel_loop3A_497, %parallel_loop3A_498] {strides = array<i32>} : memref<2x32x1024xf32, #tpu.memory_space<vmem>>, vector<1x1x16xf32>,
      %parallel_loop3A_500 = vector.shape_cast %parallel_loop3A_499 : vector<1x1x16xf32> to vector<16xf32>
      %parallel_loop3A_501 = arith.constant 1 : i32
      %parallel_loop3A_502 = arith.constant 2 : i32
      %parallel_loop3A_503 = arith.index_cast %parallel_loop3A_501 : i32 to index
      %parallel_loop3A_504 = arith.index_cast %parallel_loop3A_502 : i32 to index
      %parallel_loop3A_505 = arith.index_cast %parallel_loop3A_486 : i32 to index
      %parallel_loop3A_506 = tpu.vector_load %arg4[%parallel_loop3A_503, %parallel_loop3A_504, %parallel_loop3A_505] {strides = array<i32>} : memref<2x32x1024xf32, #tpu.memory_space<vmem>>, vector<1x1x16xf32>,
      %parallel_loop3A_507 = vector.shape_cast %parallel_loop3A_506 : vector<1x1x16xf32> to vector<16xf32>
      %parallel_loop3A_508 = arith.constant 1 : i32
      %parallel_loop3A_509 = arith.constant 3 : i32
      %parallel_loop3A_510 = arith.index_cast %parallel_loop3A_508 : i32 to index
      %parallel_loop3A_511 = arith.index_cast %parallel_loop3A_509 : i32 to index
      %parallel_loop3A_512 = arith.index_cast %parallel_loop3A_486 : i32 to index
      %parallel_loop3A_513 = tpu.vector_load %arg4[%parallel_loop3A_510, %parallel_loop3A_511, %parallel_loop3A_512] {strides = array<i32>} : memref<2x32x1024xf32, #tpu.memory_space<vmem>>, vector<1x1x16xf32>,
      %parallel_loop3A_514 = vector.shape_cast %parallel_loop3A_513 : vector<1x1x16xf32> to vector<16xf32>
      %parallel_loop3A_515 = arith.constant 1 : i32
      %parallel_loop3A_516 = arith.constant 4 : i32
      %parallel_loop3A_517 = arith.index_cast %parallel_loop3A_515 : i32 to index
      %parallel_loop3A_518 = arith.index_cast %parallel_loop3A_516 : i32 to index
      %parallel_loop3A_519 = arith.index_cast %parallel_loop3A_486 : i32 to index
      %parallel_loop3A_520 = tpu.vector_load %arg4[%parallel_loop3A_517, %parallel_loop3A_518, %parallel_loop3A_519] {strides = array<i32>} : memref<2x32x1024xf32, #tpu.memory_space<vmem>>, vector<1x1x16xf32>,
      %parallel_loop3A_521 = vector.shape_cast %parallel_loop3A_520 : vector<1x1x16xf32> to vector<16xf32>
      %parallel_loop3A_522 = arith.constant 1 : i32
      %parallel_loop3A_523 = arith.constant 5 : i32
      %parallel_loop3A_524 = arith.index_cast %parallel_loop3A_522 : i32 to index
      %parallel_loop3A_525 = arith.index_cast %parallel_loop3A_523 : i32 to index
      %parallel_loop3A_526 = arith.index_cast %parallel_loop3A_486 : i32 to index
      %parallel_loop3A_527 = tpu.vector_load %arg4[%parallel_loop3A_524, %parallel_loop3A_525, %parallel_loop3A_526] {strides = array<i32>} : memref<2x32x1024xf32, #tpu.memory_space<vmem>>, vector<1x1x16xf32>,
      %parallel_loop3A_528 = vector.shape_cast %parallel_loop3A_527 : vector<1x1x16xf32> to vector<16xf32>
      %parallel_loop3A_529 = arith.constant 1 : i32
      %parallel_loop3A_530 = arith.constant 6 : i32
      %parallel_loop3A_531 = arith.index_cast %parallel_loop3A_529 : i32 to index
      %parallel_loop3A_532 = arith.index_cast %parallel_loop3A_530 : i32 to index
      %parallel_loop3A_533 = arith.index_cast %parallel_loop3A_486 : i32 to index
      %parallel_loop3A_534 = tpu.vector_load %arg4[%parallel_loop3A_531, %parallel_loop3A_532, %parallel_loop3A_533] {strides = array<i32>} : memref<2x32x1024xf32, #tpu.memory_space<vmem>>, vector<1x1x16xf32>,
      %parallel_loop3A_535 = vector.shape_cast %parallel_loop3A_534 : vector<1x1x16xf32> to vector<16xf32>
      %parallel_loop3A_536 = arith.constant 1 : i32
      %parallel_loop3A_537 = arith.constant 7 : i32
      %parallel_loop3A_538 = arith.index_cast %parallel_loop3A_536 : i32 to index
      %parallel_loop3A_539 = arith.index_cast %parallel_loop3A_537 : i32 to index
      %parallel_loop3A_540 = arith.index_cast %parallel_loop3A_486 : i32 to index
      %parallel_loop3A_541 = tpu.vector_load %arg4[%parallel_loop3A_538, %parallel_loop3A_539, %parallel_loop3A_540] {strides = array<i32>} : memref<2x32x1024xf32, #tpu.memory_space<vmem>>, vector<1x1x16xf32>,
      %parallel_loop3A_542 = vector.shape_cast %parallel_loop3A_541 : vector<1x1x16xf32> to vector<16xf32>
      %parallel_loop3A_543 = arith.constant 1 : i32
      %parallel_loop3A_544 = arith.constant 8 : i32
      %parallel_loop3A_545 = arith.index_cast %parallel_loop3A_543 : i32 to index
      %parallel_loop3A_546 = arith.index_cast %parallel_loop3A_544 : i32 to index
      %parallel_loop3A_547 = arith.index_cast %parallel_loop3A_486 : i32 to index
      %parallel_loop3A_548 = tpu.vector_load %arg4[%parallel_loop3A_545, %parallel_loop3A_546, %parallel_loop3A_547] {strides = array<i32>} : memref<2x32x1024xf32, #tpu.memory_space<vmem>>, vector<1x1x16xf32>,
      %parallel_loop3A_549 = vector.shape_cast %parallel_loop3A_548 : vector<1x1x16xf32> to vector<16xf32>
      %parallel_loop3A_550 = arith.constant 1 : i32
      %parallel_loop3A_551 = arith.constant 9 : i32
      %parallel_loop3A_552 = arith.index_cast %parallel_loop3A_550 : i32 to index
      %parallel_loop3A_553 = arith.index_cast %parallel_loop3A_551 : i32 to index
      %parallel_loop3A_554 = arith.index_cast %parallel_loop3A_486 : i32 to index
      %parallel_loop3A_555 = tpu.vector_load %arg4[%parallel_loop3A_552, %parallel_loop3A_553, %parallel_loop3A_554] {strides = array<i32>} : memref<2x32x1024xf32, #tpu.memory_space<vmem>>, vector<1x1x16xf32>,
      %parallel_loop3A_556 = vector.shape_cast %parallel_loop3A_555 : vector<1x1x16xf32> to vector<16xf32>
      %parallel_loop3A_557 = arith.constant 1 : i32
      %parallel_loop3A_558 = arith.constant 10 : i32
      %parallel_loop3A_559 = arith.index_cast %parallel_loop3A_557 : i32 to index
      %parallel_loop3A_560 = arith.index_cast %parallel_loop3A_558 : i32 to index
      %parallel_loop3A_561 = arith.index_cast %parallel_loop3A_486 : i32 to index
      %parallel_loop3A_562 = tpu.vector_load %arg4[%parallel_loop3A_559, %parallel_loop3A_560, %parallel_loop3A_561] {strides = array<i32>} : memref<2x32x1024xf32, #tpu.memory_space<vmem>>, vector<1x1x16xf32>,
      %parallel_loop3A_563 = vector.shape_cast %parallel_loop3A_562 : vector<1x1x16xf32> to vector<16xf32>
      %parallel_loop3A_564 = arith.constant 1 : i32
      %parallel_loop3A_565 = arith.constant 11 : i32
      %parallel_loop3A_566 = arith.index_cast %parallel_loop3A_564 : i32 to index
      %parallel_loop3A_567 = arith.index_cast %parallel_loop3A_565 : i32 to index
      %parallel_loop3A_568 = arith.index_cast %parallel_loop3A_486 : i32 to index
      %parallel_loop3A_569 = tpu.vector_load %arg4[%parallel_loop3A_566, %parallel_loop3A_567, %parallel_loop3A_568] {strides = array<i32>} : memref<2x32x1024xf32, #tpu.memory_space<vmem>>, vector<1x1x16xf32>,
      %parallel_loop3A_570 = vector.shape_cast %parallel_loop3A_569 : vector<1x1x16xf32> to vector<16xf32>
      %parallel_loop3A_571 = arith.constant 1 : i32
      %parallel_loop3A_572 = arith.constant 12 : i32
      %parallel_loop3A_573 = arith.index_cast %parallel_loop3A_571 : i32 to index
      %parallel_loop3A_574 = arith.index_cast %parallel_loop3A_572 : i32 to index
      %parallel_loop3A_575 = arith.index_cast %parallel_loop3A_486 : i32 to index
      %parallel_loop3A_576 = tpu.vector_load %arg4[%parallel_loop3A_573, %parallel_loop3A_574, %parallel_loop3A_575] {strides = array<i32>} : memref<2x32x1024xf32, #tpu.memory_space<vmem>>, vector<1x1x16xf32>,
      %parallel_loop3A_577 = vector.shape_cast %parallel_loop3A_576 : vector<1x1x16xf32> to vector<16xf32>
      %parallel_loop3A_578 = arith.constant 1 : i32
      %parallel_loop3A_579 = arith.constant 13 : i32
      %parallel_loop3A_580 = arith.index_cast %parallel_loop3A_578 : i32 to index
      %parallel_loop3A_581 = arith.index_cast %parallel_loop3A_579 : i32 to index
      %parallel_loop3A_582 = arith.index_cast %parallel_loop3A_486 : i32 to index
      %parallel_loop3A_583 = tpu.vector_load %arg4[%parallel_loop3A_580, %parallel_loop3A_581, %parallel_loop3A_582] {strides = array<i32>} : memref<2x32x1024xf32, #tpu.memory_space<vmem>>, vector<1x1x16xf32>,
      %parallel_loop3A_584 = vector.shape_cast %parallel_loop3A_583 : vector<1x1x16xf32> to vector<16xf32>
      %parallel_loop3A_585 = arith.constant 1 : i32
      %parallel_loop3A_586 = arith.constant 14 : i32
      %parallel_loop3A_587 = arith.index_cast %parallel_loop3A_585 : i32 to index
      %parallel_loop3A_588 = arith.index_cast %parallel_loop3A_586 : i32 to index
      %parallel_loop3A_589 = arith.index_cast %parallel_loop3A_486 : i32 to index
      %parallel_loop3A_590 = tpu.vector_load %arg4[%parallel_loop3A_587, %parallel_loop3A_588, %parallel_loop3A_589] {strides = array<i32>} : memref<2x32x1024xf32, #tpu.memory_space<vmem>>, vector<1x1x16xf32>,
      %parallel_loop3A_591 = vector.shape_cast %parallel_loop3A_590 : vector<1x1x16xf32> to vector<16xf32>
      %parallel_loop3A_592 = arith.constant 1 : i32
      %parallel_loop3A_593 = arith.constant 15 : i32
      %parallel_loop3A_594 = arith.index_cast %parallel_loop3A_592 : i32 to index
      %parallel_loop3A_595 = arith.index_cast %parallel_loop3A_593 : i32 to index
      %parallel_loop3A_596 = arith.index_cast %parallel_loop3A_486 : i32 to index
      %parallel_loop3A_597 = tpu.vector_load %arg4[%parallel_loop3A_594, %parallel_loop3A_595, %parallel_loop3A_596] {strides = array<i32>} : memref<2x32x1024xf32, #tpu.memory_space<vmem>>, vector<1x1x16xf32>,
      %parallel_loop3A_598 = vector.shape_cast %parallel_loop3A_597 : vector<1x1x16xf32> to vector<16xf32>
      %parallel_loop3A_599 = arith.constant 1 : i32
      %parallel_loop3A_600 = arith.constant 16 : i32
      %parallel_loop3A_601 = arith.index_cast %parallel_loop3A_599 : i32 to index
      %parallel_loop3A_602 = arith.index_cast %parallel_loop3A_600 : i32 to index
      %parallel_loop3A_603 = arith.index_cast %parallel_loop3A_486 : i32 to index
      %parallel_loop3A_604 = tpu.vector_load %arg4[%parallel_loop3A_601, %parallel_loop3A_602, %parallel_loop3A_603] {strides = array<i32>} : memref<2x32x1024xf32, #tpu.memory_space<vmem>>, vector<1x1x16xf32>,
      %parallel_loop3A_605 = vector.shape_cast %parallel_loop3A_604 : vector<1x1x16xf32> to vector<16xf32>
      %parallel_loop3A_606 = arith.constant 1 : i32
      %parallel_loop3A_607 = arith.constant 17 : i32
      %parallel_loop3A_608 = arith.index_cast %parallel_loop3A_606 : i32 to index
      %parallel_loop3A_609 = arith.index_cast %parallel_loop3A_607 : i32 to index
      %parallel_loop3A_610 = arith.index_cast %parallel_loop3A_486 : i32 to index
      %parallel_loop3A_611 = tpu.vector_load %arg4[%parallel_loop3A_608, %parallel_loop3A_609, %parallel_loop3A_610] {strides = array<i32>} : memref<2x32x1024xf32, #tpu.memory_space<vmem>>, vector<1x1x16xf32>,
      %parallel_loop3A_612 = vector.shape_cast %parallel_loop3A_611 : vector<1x1x16xf32> to vector<16xf32>
      %parallel_loop3A_613 = arith.constant 1 : i32
      %parallel_loop3A_614 = arith.constant 18 : i32
      %parallel_loop3A_615 = arith.index_cast %parallel_loop3A_613 : i32 to index
      %parallel_loop3A_616 = arith.index_cast %parallel_loop3A_614 : i32 to index
      %parallel_loop3A_617 = arith.index_cast %parallel_loop3A_486 : i32 to index
      %parallel_loop3A_618 = tpu.vector_load %arg4[%parallel_loop3A_615, %parallel_loop3A_616, %parallel_loop3A_617] {strides = array<i32>} : memref<2x32x1024xf32, #tpu.memory_space<vmem>>, vector<1x1x16xf32>,
      %parallel_loop3A_619 = vector.shape_cast %parallel_loop3A_618 : vector<1x1x16xf32> to vector<16xf32>
      %parallel_loop3A_620 = arith.constant 1 : i32
      %parallel_loop3A_621 = arith.constant 19 : i32
      %parallel_loop3A_622 = arith.index_cast %parallel_loop3A_620 : i32 to index
      %parallel_loop3A_623 = arith.index_cast %parallel_loop3A_621 : i32 to index
      %parallel_loop3A_624 = arith.index_cast %parallel_loop3A_486 : i32 to index
      %parallel_loop3A_625 = tpu.vector_load %arg4[%parallel_loop3A_622, %parallel_loop3A_623, %parallel_loop3A_624] {strides = array<i32>} : memref<2x32x1024xf32, #tpu.memory_space<vmem>>, vector<1x1x16xf32>,
      %parallel_loop3A_626 = vector.shape_cast %parallel_loop3A_625 : vector<1x1x16xf32> to vector<16xf32>
      %parallel_loop3A_627 = arith.constant 1 : i32
      %parallel_loop3A_628 = arith.constant 20 : i32
      %parallel_loop3A_629 = arith.index_cast %parallel_loop3A_627 : i32 to index
      %parallel_loop3A_630 = arith.index_cast %parallel_loop3A_628 : i32 to index
      %parallel_loop3A_631 = arith.index_cast %parallel_loop3A_486 : i32 to index
      %parallel_loop3A_632 = tpu.vector_load %arg4[%parallel_loop3A_629, %parallel_loop3A_630, %parallel_loop3A_631] {strides = array<i32>} : memref<2x32x1024xf32, #tpu.memory_space<vmem>>, vector<1x1x16xf32>,
      %parallel_loop3A_633 = vector.shape_cast %parallel_loop3A_632 : vector<1x1x16xf32> to vector<16xf32>
      %parallel_loop3A_634 = arith.constant 1 : i32
      %parallel_loop3A_635 = arith.constant 21 : i32
      %parallel_loop3A_636 = arith.index_cast %parallel_loop3A_634 : i32 to index
      %parallel_loop3A_637 = arith.index_cast %parallel_loop3A_635 : i32 to index
      %parallel_loop3A_638 = arith.index_cast %parallel_loop3A_486 : i32 to index
      %parallel_loop3A_639 = tpu.vector_load %arg4[%parallel_loop3A_636, %parallel_loop3A_637, %parallel_loop3A_638] {strides = array<i32>} : memref<2x32x1024xf32, #tpu.memory_space<vmem>>, vector<1x1x16xf32>,
      %parallel_loop3A_640 = vector.shape_cast %parallel_loop3A_639 : vector<1x1x16xf32> to vector<16xf32>
      %parallel_loop3A_641 = arith.constant 1 : i32
      %parallel_loop3A_642 = arith.constant 22 : i32
      %parallel_loop3A_643 = arith.index_cast %parallel_loop3A_641 : i32 to index
      %parallel_loop3A_644 = arith.index_cast %parallel_loop3A_642 : i32 to index
      %parallel_loop3A_645 = arith.index_cast %parallel_loop3A_486 : i32 to index
      %parallel_loop3A_646 = tpu.vector_load %arg4[%parallel_loop3A_643, %parallel_loop3A_644, %parallel_loop3A_645] {strides = array<i32>} : memref<2x32x1024xf32, #tpu.memory_space<vmem>>, vector<1x1x16xf32>,
      %parallel_loop3A_647 = vector.shape_cast %parallel_loop3A_646 : vector<1x1x16xf32> to vector<16xf32>
      %parallel_loop3A_648 = arith.constant 1 : i32
      %parallel_loop3A_649 = arith.constant 23 : i32
      %parallel_loop3A_650 = arith.index_cast %parallel_loop3A_648 : i32 to index
      %parallel_loop3A_651 = arith.index_cast %parallel_loop3A_649 : i32 to index
      %parallel_loop3A_652 = arith.index_cast %parallel_loop3A_486 : i32 to index
      %parallel_loop3A_653 = tpu.vector_load %arg4[%parallel_loop3A_650, %parallel_loop3A_651, %parallel_loop3A_652] {strides = array<i32>} : memref<2x32x1024xf32, #tpu.memory_space<vmem>>, vector<1x1x16xf32>,
      %parallel_loop3A_654 = vector.shape_cast %parallel_loop3A_653 : vector<1x1x16xf32> to vector<16xf32>
      %parallel_loop3A_655 = arith.constant 1 : i32
      %parallel_loop3A_656 = arith.constant 24 : i32
      %parallel_loop3A_657 = arith.index_cast %parallel_loop3A_655 : i32 to index
      %parallel_loop3A_658 = arith.index_cast %parallel_loop3A_656 : i32 to index
      %parallel_loop3A_659 = arith.index_cast %parallel_loop3A_486 : i32 to index
      %parallel_loop3A_660 = tpu.vector_load %arg4[%parallel_loop3A_657, %parallel_loop3A_658, %parallel_loop3A_659] {strides = array<i32>} : memref<2x32x1024xf32, #tpu.memory_space<vmem>>, vector<1x1x16xf32>,
      %parallel_loop3A_661 = vector.shape_cast %parallel_loop3A_660 : vector<1x1x16xf32> to vector<16xf32>
      %parallel_loop3A_662 = arith.constant 1 : i32
      %parallel_loop3A_663 = arith.constant 25 : i32
      %parallel_loop3A_664 = arith.index_cast %parallel_loop3A_662 : i32 to index
      %parallel_loop3A_665 = arith.index_cast %parallel_loop3A_663 : i32 to index
      %parallel_loop3A_666 = arith.index_cast %parallel_loop3A_486 : i32 to index
      %parallel_loop3A_667 = tpu.vector_load %arg4[%parallel_loop3A_664, %parallel_loop3A_665, %parallel_loop3A_666] {strides = array<i32>} : memref<2x32x1024xf32, #tpu.memory_space<vmem>>, vector<1x1x16xf32>,
      %parallel_loop3A_668 = vector.shape_cast %parallel_loop3A_667 : vector<1x1x16xf32> to vector<16xf32>
      %parallel_loop3A_669 = arith.constant 1 : i32
      %parallel_loop3A_670 = arith.constant 26 : i32
      %parallel_loop3A_671 = arith.index_cast %parallel_loop3A_669 : i32 to index
      %parallel_loop3A_672 = arith.index_cast %parallel_loop3A_670 : i32 to index
      %parallel_loop3A_673 = arith.index_cast %parallel_loop3A_486 : i32 to index
      %parallel_loop3A_674 = tpu.vector_load %arg4[%parallel_loop3A_671, %parallel_loop3A_672, %parallel_loop3A_673] {strides = array<i32>} : memref<2x32x1024xf32, #tpu.memory_space<vmem>>, vector<1x1x16xf32>,
      %parallel_loop3A_675 = vector.shape_cast %parallel_loop3A_674 : vector<1x1x16xf32> to vector<16xf32>
      %parallel_loop3A_676 = arith.constant 1 : i32
      %parallel_loop3A_677 = arith.constant 27 : i32
      %parallel_loop3A_678 = arith.index_cast %parallel_loop3A_676 : i32 to index
      %parallel_loop3A_679 = arith.index_cast %parallel_loop3A_677 : i32 to index
      %parallel_loop3A_680 = arith.index_cast %parallel_loop3A_486 : i32 to index
      %parallel_loop3A_681 = tpu.vector_load %arg4[%parallel_loop3A_678, %parallel_loop3A_679, %parallel_loop3A_680] {strides = array<i32>} : memref<2x32x1024xf32, #tpu.memory_space<vmem>>, vector<1x1x16xf32>,
      %parallel_loop3A_682 = vector.shape_cast %parallel_loop3A_681 : vector<1x1x16xf32> to vector<16xf32>
      %parallel_loop3A_683 = arith.constant 1 : i32
      %parallel_loop3A_684 = arith.constant 28 : i32
      %parallel_loop3A_685 = arith.index_cast %parallel_loop3A_683 : i32 to index
      %parallel_loop3A_686 = arith.index_cast %parallel_loop3A_684 : i32 to index
      %parallel_loop3A_687 = arith.index_cast %parallel_loop3A_486 : i32 to index
      %parallel_loop3A_688 = tpu.vector_load %arg4[%parallel_loop3A_685, %parallel_loop3A_686, %parallel_loop3A_687] {strides = array<i32>} : memref<2x32x1024xf32, #tpu.memory_space<vmem>>, vector<1x1x16xf32>,
      %parallel_loop3A_689 = vector.shape_cast %parallel_loop3A_688 : vector<1x1x16xf32> to vector<16xf32>
      %parallel_loop3A_690 = arith.constant 1 : i32
      %parallel_loop3A_691 = arith.constant 29 : i32
      %parallel_loop3A_692 = arith.index_cast %parallel_loop3A_690 : i32 to index
      %parallel_loop3A_693 = arith.index_cast %parallel_loop3A_691 : i32 to index
      %parallel_loop3A_694 = arith.index_cast %parallel_loop3A_486 : i32 to index
      %parallel_loop3A_695 = tpu.vector_load %arg4[%parallel_loop3A_692, %parallel_loop3A_693, %parallel_loop3A_694] {strides = array<i32>} : memref<2x32x1024xf32, #tpu.memory_space<vmem>>, vector<1x1x16xf32>,
      %parallel_loop3A_696 = vector.shape_cast %parallel_loop3A_695 : vector<1x1x16xf32> to vector<16xf32>
      %parallel_loop3A_697 = arith.constant 1 : i32
      %parallel_loop3A_698 = arith.constant 30 : i32
      %parallel_loop3A_699 = arith.index_cast %parallel_loop3A_697 : i32 to index
      %parallel_loop3A_700 = arith.index_cast %parallel_loop3A_698 : i32 to index
      %parallel_loop3A_701 = arith.index_cast %parallel_loop3A_486 : i32 to index
      %parallel_loop3A_702 = tpu.vector_load %arg4[%parallel_loop3A_699, %parallel_loop3A_700, %parallel_loop3A_701] {strides = array<i32>} : memref<2x32x1024xf32, #tpu.memory_space<vmem>>, vector<1x1x16xf32>,
      %parallel_loop3A_703 = vector.shape_cast %parallel_loop3A_702 : vector<1x1x16xf32> to vector<16xf32>
      %parallel_loop3A_704 = arith.constant 1 : i32
      %parallel_loop3A_705 = arith.constant 31 : i32
      %parallel_loop3A_706 = arith.index_cast %parallel_loop3A_704 : i32 to index
      %parallel_loop3A_707 = arith.index_cast %parallel_loop3A_705 : i32 to index
      %parallel_loop3A_708 = arith.index_cast %parallel_loop3A_486 : i32 to index
      %parallel_loop3A_709 = tpu.vector_load %arg4[%parallel_loop3A_706, %parallel_loop3A_707, %parallel_loop3A_708] {strides = array<i32>} : memref<2x32x1024xf32, #tpu.memory_space<vmem>>, vector<1x1x16xf32>,
      %parallel_loop3A_710 = vector.shape_cast %parallel_loop3A_709 : vector<1x1x16xf32> to vector<16xf32>
      %parallel_loop3A_711 = arith.addf %parallel_loop3A_493, %parallel_loop3A_500 : vector<16xf32>
      %parallel_loop3A_712 = arith.addf %parallel_loop3A_507, %parallel_loop3A_514 : vector<16xf32>
      %parallel_loop3A_713 = arith.addf %parallel_loop3A_521, %parallel_loop3A_528 : vector<16xf32>
      %parallel_loop3A_714 = arith.addf %parallel_loop3A_535, %parallel_loop3A_542 : vector<16xf32>
      %parallel_loop3A_715 = arith.addf %parallel_loop3A_549, %parallel_loop3A_556 : vector<16xf32>
      %parallel_loop3A_716 = arith.addf %parallel_loop3A_563, %parallel_loop3A_570 : vector<16xf32>
      %parallel_loop3A_717 = arith.addf %parallel_loop3A_577, %parallel_loop3A_584 : vector<16xf32>
      %parallel_loop3A_718 = arith.addf %parallel_loop3A_591, %parallel_loop3A_598 : vector<16xf32>
      %parallel_loop3A_719 = arith.addf %parallel_loop3A_605, %parallel_loop3A_612 : vector<16xf32>
      %parallel_loop3A_720 = arith.addf %parallel_loop3A_619, %parallel_loop3A_626 : vector<16xf32>
      %parallel_loop3A_721 = arith.addf %parallel_loop3A_633, %parallel_loop3A_640 : vector<16xf32>
      %parallel_loop3A_722 = arith.addf %parallel_loop3A_647, %parallel_loop3A_654 : vector<16xf32>
      %parallel_loop3A_723 = arith.addf %parallel_loop3A_661, %parallel_loop3A_668 : vector<16xf32>
      %parallel_loop3A_724 = arith.addf %parallel_loop3A_675, %parallel_loop3A_682 : vector<16xf32>
      %parallel_loop3A_725 = arith.addf %parallel_loop3A_689, %parallel_loop3A_696 : vector<16xf32>
      %parallel_loop3A_726 = arith.addf %parallel_loop3A_703, %parallel_loop3A_710 : vector<16xf32>
      %parallel_loop3A_727 = arith.addf %parallel_loop3A_711, %parallel_loop3A_712 : vector<16xf32>
      %parallel_loop3A_728 = arith.addf %parallel_loop3A_713, %parallel_loop3A_714 : vector<16xf32>
      %parallel_loop3A_729 = arith.addf %parallel_loop3A_715, %parallel_loop3A_716 : vector<16xf32>
      %parallel_loop3A_730 = arith.addf %parallel_loop3A_717, %parallel_loop3A_718 : vector<16xf32>
      %parallel_loop3A_731 = arith.addf %parallel_loop3A_719, %parallel_loop3A_720 : vector<16xf32>
      %parallel_loop3A_732 = arith.addf %parallel_loop3A_721, %parallel_loop3A_722 : vector<16xf32>
      %parallel_loop3A_733 = arith.addf %parallel_loop3A_723, %parallel_loop3A_724 : vector<16xf32>
      %parallel_loop3A_734 = arith.addf %parallel_loop3A_725, %parallel_loop3A_726 : vector<16xf32>
      %parallel_loop3A_735 = arith.addf %parallel_loop3A_727, %parallel_loop3A_728 : vector<16xf32>
      %parallel_loop3A_736 = arith.addf %parallel_loop3A_729, %parallel_loop3A_730 : vector<16xf32>
      %parallel_loop3A_737 = arith.addf %parallel_loop3A_731, %parallel_loop3A_732 : vector<16xf32>
      %parallel_loop3A_738 = arith.addf %parallel_loop3A_733, %parallel_loop3A_734 : vector<16xf32>
      %parallel_loop3A_739 = arith.addf %parallel_loop3A_735, %parallel_loop3A_736 : vector<16xf32>
      %parallel_loop3A_740 = arith.addf %parallel_loop3A_737, %parallel_loop3A_738 : vector<16xf32>
      %parallel_loop3A_741 = arith.addf %parallel_loop3A_739, %parallel_loop3A_740 : vector<16xf32>
      %parallel_loop3A_742 = arith.index_cast %parallel_loop3A_486 : i32 to index
      %parallel_loop3A_743 = tpu.vector_load %arg5[%parallel_loop3A_742] {strides = array<i32>} : memref<1024xf32, #tpu.memory_space<vmem>>, vector<16xf32>,
      %parallel_loop3A_744 = vector.shape_cast %parallel_loop3A_743 : vector<16xf32> to vector<16xf32>
      %parallel_loop3A_745 = vector.shape_cast %parallel_loop3A_741 : vector<16xf32> to vector<16xf32>
      tpu.vector_store %arg5[%parallel_loop3A_742], %parallel_loop3A_745 {add = true, strides = array<i32>} : memref<1024xf32, #tpu.memory_space<vmem>>, vector<16xf32>,
    } {sc.loop_unroll_factor = 2 : i64, sc.parallel_access}
    "tpu.region"() ({
      %run_scoped3A = tpu.sem_alloc : memref<!tpu.dma_semaphore, #tpu.memory_space<semaphore_mem>>
      %dma_start3A_484 = arith.constant 0 : i32
      %dma_start3A_485 = tpu.memref_slice %arg3[%select_n3A, %select_n3A_30, %dma_start3A_484] : memref<4x8x1024xf32, #tpu.memory_space<hbm>> -> memref<1x1x1024xf32, #tpu.memory_space<hbm>>
      %dma_start3A_486 = tpu.memref_squeeze %dma_start3A_485 : memref<1x1x1024xf32, #tpu.memory_space<hbm>> -> memref<1024xf32, #tpu.memory_space<hbm>>
      %dma_start3A_487 = arith.constant 0 : i32
      %dma_start3A_488 = tpu.memref_slice %arg3[%select_n3A, %select_n3A_30, %dma_start3A_487] : memref<4x8x1024xf32, #tpu.memory_space<hbm>> -> memref<1x1x1024xf32, #tpu.memory_space<hbm>>
      %dma_start3A_489 = tpu.memref_squeeze %dma_start3A_488 : memref<1x1x1024xf32, #tpu.memory_space<hbm>> -> memref<1024xf32, #tpu.memory_space<hbm>>
      tpu.enqueue_dma source(%arg5 : memref<1024xf32, #tpu.memory_space<vmem>>) target(%dma_start3A_489 : memref<1024xf32, #tpu.memory_space<hbm>>) target_semaphore(%run_scoped3A : memref<!tpu.dma_semaphore, #tpu.memory_space<semaphore_mem>>)
      %dma_wait3A_490 = arith.constant 0 : i32
      %dma_wait3A_491 = tpu.memref_slice %arg3[%select_n3A, %select_n3A_30, %dma_wait3A_490] : memref<4x8x1024xf32, #tpu.memory_space<hbm>> -> memref<1x1x1024xf32, #tpu.memory_space<hbm>>
      %dma_wait3A_492 = tpu.memref_squeeze %dma_wait3A_491 : memref<1x1x1024xf32, #tpu.memory_space<hbm>> -> memref<1024xf32, #tpu.memory_space<hbm>>
      %dma_wait3A_493 = arith.constant 0 : i32
      %dma_wait3A_494 = tpu.memref_slice %arg3[%select_n3A, %select_n3A_30, %dma_wait3A_493] : memref<4x8x1024xf32, #tpu.memory_space<hbm>> -> memref<1x1x1024xf32, #tpu.memory_space<hbm>>
      %dma_wait3A_495 = tpu.memref_squeeze %dma_wait3A_494 : memref<1x1x1024xf32, #tpu.memory_space<hbm>> -> memref<1024xf32, #tpu.memory_space<hbm>>
      tpu.wait_dma2 semaphore(%run_scoped3A : memref<!tpu.dma_semaphore, #tpu.memory_space<semaphore_mem>>) src(%arg5 : memref<1024xf32, #tpu.memory_space<vmem>>) dst(%dma_wait3A_495 : memref<1024xf32, #tpu.memory_space<hbm>>)
      tpu.yield
    }) : () -> ()
    return
  }
}

module attributes {stable_mosaic.version = 14 : i64} {
  func.func @_tc_delta_kernel(%arg0: i32, %arg1: memref<4x1x1024xf32, #tpu.memory_space<vmem>>, %arg2: memref<4x8x1024xf32, #tpu.memory_space<vmem>>, %arg3: memref<1024x1024xf32, #tpu.memory_space<vmem>>, %arg4: memref<1024xf32, #tpu.memory_space<vmem>>, %arg5: memref<4x256x1024xf32, #tpu.memory_space<vmem>>) attributes {dimension_semantics = [#tpu.dimension_semantics<arbitrary>], iteration_bounds = array<i64: 1>, scalar_prefetch = 0 : i64, scratch_operands = 0 : i64, tpu.core_type = #tpu.core_type<tc>, window_params = [{pipeline_mode = #tpu.pipeline_mode<synchronous>, transform_indices = @transform_0, window_bounds = array<i64: 4, 1, 1024>}, {pipeline_mode = #tpu.pipeline_mode<synchronous>, transform_indices = @transform_1, window_bounds = array<i64: 4, 8, 1024>}, {pipeline_mode = #tpu.pipeline_mode<synchronous>, transform_indices = @transform_2, window_bounds = array<i64: 1024, 1024>}, {pipeline_mode = #tpu.pipeline_mode<synchronous>, transform_indices = @transform_3, window_bounds = array<i64: 1024>}, {pipeline_mode = #tpu.pipeline_mode<synchronous>, transform_indices = @transform_4, window_bounds = array<i64: 4, 256, 1024>}]} {
    %get3A = arith.constant 0 : index
    %get3A_0 = arith.constant 0 : index
    %get3A_1 = arith.constant 0 : index
    %get3A_2 = vector.load %arg1[%get3A, %get3A_0, %get3A_1] : memref<4x1x1024xf32, #tpu.memory_space<vmem>>, vector<4x1x1024xf32>
    %get3A_3 = vector.shape_cast %get3A_2 : vector<4x1x1024xf32> to vector<4x1024xf32>
    %get3A_4 = arith.constant 0 : index
    %get3A_5 = arith.constant 0 : index
    %get3A_6 = arith.constant 0 : index
    %get3A_7 = vector.load %arg2[%get3A_4, %get3A_5, %get3A_6] : memref<4x8x1024xf32, #tpu.memory_space<vmem>>, vector<4x8x1024xf32>
    %reduce_sum3A = arith.constant dense<0.000000e+00> : vector<4x1024xf32>
    %reduce_sum3A_8 = vector.multi_reduction <add>, %get3A_7, %reduce_sum3A [1] : vector<4x8x1024xf32> to vector<4x1024xf32>
    %add3A = arith.addf %get3A_3, %reduce_sum3A_8 : vector<4x1024xf32>
    %mul3A = arith.constant 4.8828125E-4 : f32
    %mul3A_9 = vector.broadcast %mul3A : f32 to vector<4x1024xf32>
    %mul3A_10 = arith.mulf %add3A, %mul3A_9 : vector<4x1024xf32>
    %get3A_11 = arith.constant 0 : index
    %get3A_12 = arith.constant 0 : index
    %get3A_13 = vector.load %arg3[%get3A_11, %get3A_12] : memref<1024x1024xf32, #tpu.memory_space<vmem>>, vector<1024x1024xf32>
    %dot_general3A = arith.constant dense<0.000000e+00> : vector<4x1024xf32>
    %dot_general3A_14 = tpu.matmul %mul3A_10, %get3A_13, %dot_general3A {dimension_numbers = #tpu.dot_dimension_numbers<[1], [0], [0], [1], [0, 0, 1, 1], [], []>, transpose_lhs_hint = false} : vector<4x1024xf32>, vector<1024x1024xf32>, vector<4x1024xf32> -> vector<4x1024xf32>
    %get3A_15 = arith.constant 0 : index
    %get3A_16 = vector.load %arg4[%get3A_15] : memref<1024xf32, #tpu.memory_space<vmem>>, vector<1024xf32>
    %broadcast_in_dim3A = vector.shape_cast %get3A_16 : vector<1024xf32> to vector<1x1024xf32>
    %add3A_17 = vector.broadcast %broadcast_in_dim3A : vector<1x1024xf32> to vector<4x1024xf32>
    %add3A_18 = arith.addf %dot_general3A_14, %add3A_17 : vector<4x1024xf32>
    %broadcast_in_dim3A_19 = vector.shape_cast %add3A_18 : vector<4x1024xf32> to vector<4x1x1024xf32>
    %broadcast_in_dim3A_20 = vector.shape_cast %broadcast_in_dim3A_19 : vector<4x1x1024xf32> to vector<4x1x1024xf32>
    %broadcast_in_dim3A_21 = vector.broadcast %broadcast_in_dim3A_20 : vector<4x1x1024xf32> to vector<4x256x1024xf32>
    %swap3A = arith.constant 0 : index
    %swap3A_22 = arith.constant 0 : index
    %swap3A_23 = arith.constant 0 : index
    %swap3A_24 = vector.load %arg5[%swap3A, %swap3A_22, %swap3A_23] : memref<4x256x1024xf32, #tpu.memory_space<vmem>>, vector<4x256x1024xf32>
    tpu.vector_store %arg5[%swap3A, %swap3A_22, %swap3A_23], %broadcast_in_dim3A_21 {strides = array<i32>} : memref<4x256x1024xf32, #tpu.memory_space<vmem>>, vector<4x256x1024xf32>,
    return
  }
  func.func @transform_0(%arg0: i32) -> (i32, i32, i32) {
    %c0_i32 = arith.constant 0 : i32
    %c0_i32_0 = arith.constant 0 : i32
    %c0_i32_1 = arith.constant 0 : i32
    %c0_i32_2 = arith.constant 0 : i32
    return %c0_i32, %c0_i32_0, %c0_i32_1 : i32, i32, i32
  }
  func.func @transform_1(%arg0: i32) -> (i32, i32, i32) {
    %c0_i32 = arith.constant 0 : i32
    %c0_i32_0 = arith.constant 0 : i32
    %c0_i32_1 = arith.constant 0 : i32
    %c0_i32_2 = arith.constant 0 : i32
    return %c0_i32, %c0_i32_0, %c0_i32_1 : i32, i32, i32
  }
  func.func @transform_2(%arg0: i32) -> (i32, i32) {
    %c0_i32 = arith.constant 0 : i32
    %c0_i32_0 = arith.constant 0 : i32
    %c0_i32_1 = arith.constant 0 : i32
    return %c0_i32, %c0_i32_0 : i32, i32
  }
  func.func @transform_3(%arg0: i32) -> i32 {
    %c0_i32 = arith.constant 0 : i32
    %c0_i32_0 = arith.constant 0 : i32
    return %c0_i32 : i32
  }
  func.func @transform_4(%arg0: i32) -> (i32, i32, i32) {
    %c0_i32 = arith.constant 0 : i32
    %c0_i32_0 = arith.constant 0 : i32
    %c0_i32_1 = arith.constant 0 : i32
    %c0_i32_2 = arith.constant 0 : i32
    return %c0_i32, %c0_i32_0, %c0_i32_1 : i32, i32, i32
  }
}

module attributes {stable_mosaic.version = 14 : i64} {
  func.func @_tc_head_kernel(%arg0: i32, %arg1: memref<1x1536x1024xf32, #tpu.memory_space<vmem>>, %arg2: memref<4x1024xf32, #tpu.memory_space<vmem>>, %arg3: memref<1024x1024xf32, #tpu.memory_space<vmem>>, %arg4: memref<1024xf32, #tpu.memory_space<vmem>>, %arg5: memref<1x1x1024xf32, #tpu.memory_space<vmem>>, %arg6: memref<4x1024xf32, #tpu.memory_space<vmem>>) attributes {dimension_semantics = [#tpu.dimension_semantics<arbitrary>], iteration_bounds = array<i64: 4>, scalar_prefetch = 0 : i64, scratch_operands = 0 : i64, tpu.core_type = #tpu.core_type<tc>, window_params = [{transform_indices = @transform_0, window_bounds = array<i64: 1, 1536, 1024>}, {pipeline_mode = #tpu.pipeline_mode<synchronous>, transform_indices = @transform_1, window_bounds = array<i64: 4, 1024>}, {pipeline_mode = #tpu.pipeline_mode<synchronous>, transform_indices = @transform_2, window_bounds = array<i64: 1024, 1024>}, {pipeline_mode = #tpu.pipeline_mode<synchronous>, transform_indices = @transform_3, window_bounds = array<i64: 1024>}, {transform_indices = @transform_4, window_bounds = array<i64: 1, 1, 1024>}, {pipeline_mode = #tpu.pipeline_mode<synchronous>, transform_indices = @transform_5, window_bounds = array<i64: 4, 1024>}]} {
    %get3A = arith.constant 0 : index
    %get3A_0 = arith.constant 0 : index
    %get3A_1 = arith.constant 0 : index
    %get3A_2 = vector.load %arg1[%get3A, %get3A_0, %get3A_1] : memref<1x1536x1024xf32, #tpu.memory_space<vmem>>, vector<1x1536x1024xf32>
    %get3A_3 = vector.shape_cast %get3A_2 : vector<1x1536x1024xf32> to vector<1536x1024xf32>
    %reduce_sum3A = arith.constant dense<0.000000e+00> : vector<1024xf32>
    %reduce_sum3A_4 = vector.multi_reduction <add>, %get3A_3, %reduce_sum3A [0] : vector<1536x1024xf32> to vector<1024xf32>
    %broadcast_in_dim3A = vector.shape_cast %reduce_sum3A_4 : vector<1024xf32> to vector<1x1024xf32>
    %swap3A = arith.constant 0 : index
    %swap3A_5 = arith.constant 0 : index
    %swap3A_6 = arith.constant 0 : index
    %swap3A_7 = vector.load %arg5[%swap3A, %swap3A_5, %swap3A_6] : memref<1x1x1024xf32, #tpu.memory_space<vmem>>, vector<1x1x1024xf32>
    %swap3A_8 = vector.shape_cast %swap3A_7 : vector<1x1x1024xf32> to vector<1x1024xf32>
    %swap3A_9 = vector.shape_cast %broadcast_in_dim3A : vector<1x1024xf32> to vector<1x1x1024xf32>
    tpu.vector_store %arg5[%swap3A, %swap3A_5, %swap3A_6], %swap3A_9 {strides = array<i32>} : memref<1x1x1024xf32, #tpu.memory_space<vmem>>, vector<1x1x1024xf32>,
    %eq3A = arith.constant 3 : i32
    %eq3A_10 = arith.cmpi eq, %arg0, %eq3A : i32
    %convert_element_type3A = arith.extui %eq3A_10 : i1 to i32
    %cond3A = arith.constant 0 : i32
    %cond3A_11 = arith.cmpi ne, %convert_element_type3A, %cond3A : i32
    scf.if %cond3A_11 {
      %get3A_12 = arith.constant 0 : index
      %get3A_13 = arith.constant 0 : index
      %get3A_14 = vector.load %arg2[%get3A_12, %get3A_13] : memref<4x1024xf32, #tpu.memory_space<vmem>>, vector<4x1024xf32>
      %get3A_15 = arith.constant 0 : index
      %get3A_16 = arith.constant 0 : index
      %get3A_17 = vector.load %arg3[%get3A_15, %get3A_16] : memref<1024x1024xf32, #tpu.memory_space<vmem>>, vector<1024x1024xf32>
      %dot_general3A = arith.constant dense<0.000000e+00> : vector<4x1024xf32>
      %dot_general3A_18 = tpu.matmul %get3A_14, %get3A_17, %dot_general3A {dimension_numbers = #tpu.dot_dimension_numbers<[1], [0], [0], [1], [0, 0, 1, 1], [], []>, transpose_lhs_hint = false} : vector<4x1024xf32>, vector<1024x1024xf32>, vector<4x1024xf32> -> vector<4x1024xf32>
      %get3A_19 = arith.constant 0 : index
      %get3A_20 = vector.load %arg4[%get3A_19] : memref<1024xf32, #tpu.memory_space<vmem>>, vector<1024xf32>
      %broadcast_in_dim3A_21 = vector.shape_cast %get3A_20 : vector<1024xf32> to vector<1x1024xf32>
      %add3A = vector.broadcast %broadcast_in_dim3A_21 : vector<1x1024xf32> to vector<4x1024xf32>
      %add3A_22 = arith.addf %dot_general3A_18, %add3A : vector<4x1024xf32>
      %swap3A_23 = arith.constant 0 : index
      %swap3A_24 = arith.constant 0 : index
      %swap3A_25 = vector.load %arg6[%swap3A_23, %swap3A_24] : memref<4x1024xf32, #tpu.memory_space<vmem>>, vector<4x1024xf32>
      tpu.vector_store %arg6[%swap3A_23, %swap3A_24], %add3A_22 {strides = array<i32>} : memref<4x1024xf32, #tpu.memory_space<vmem>>, vector<4x1024xf32>,
    } else {
    }
    return
  }
  func.func @transform_0(%arg0: i32) -> (i32, i32, i32) {
    %c0_i32 = arith.constant 0 : i32
    %c0_i32_0 = arith.constant 0 : i32
    %c0_i32_1 = arith.constant 0 : i32
    return %arg0, %c0_i32, %c0_i32_0 : i32, i32, i32
  }
  func.func @transform_1(%arg0: i32) -> (i32, i32) {
    %c0_i32 = arith.constant 0 : i32
    %c0_i32_0 = arith.constant 0 : i32
    %c0_i32_1 = arith.constant 0 : i32
    return %c0_i32, %c0_i32_0 : i32, i32
  }
  func.func @transform_2(%arg0: i32) -> (i32, i32) {
    %c0_i32 = arith.constant 0 : i32
    %c0_i32_0 = arith.constant 0 : i32
    %c0_i32_1 = arith.constant 0 : i32
    return %c0_i32, %c0_i32_0 : i32, i32
  }
  func.func @transform_3(%arg0: i32) -> i32 {
    %c0_i32 = arith.constant 0 : i32
    %c0_i32_0 = arith.constant 0 : i32
    return %c0_i32 : i32
  }
  func.func @transform_4(%arg0: i32) -> (i32, i32, i32) {
    %c0_i32 = arith.constant 0 : i32
    %c0_i32_0 = arith.constant 0 : i32
    %c0_i32_1 = arith.constant 0 : i32
    return %arg0, %c0_i32, %c0_i32_0 : i32, i32, i32
  }
  func.func @transform_5(%arg0: i32) -> (i32, i32) {
    %c0_i32 = arith.constant 0 : i32
    %c0_i32_0 = arith.constant 0 : i32
    %c0_i32_1 = arith.constant 0 : i32
    return %c0_i32, %c0_i32_0 : i32, i32
  }
}

</mosaic_0001>

<sc_bundles>
// kernel: _edit_head.5.cloned.1.call-start
scs
__scs_entry_jumppad:
0x0: {  	(pc) =	sbr.rel $0x88, $3  }
0x1: {  	(tag) =	ssettag $0x0;
	lr =	simm.s32 $0x1  }
0x2: {  	[smem:$0x3F9C] =	sst lr;
	_ =	strace $0xD0000000  }
0x3: {  	_ = 	snop  }
0x4: {  	_ = 	snop  }
0x5: {  	_ = 	snop  }
0x6: {  	_ = 	snop  }
0x7: {  	_ = 	snop  }
__scs_overlays_trampoline_lowered:
0x8: {  	[smem:$0x3FAB] =	sst s0  }
0x9: {  	[smem:$0x3FAC] =	sst s1  }
0xa: {  	[smem:$0x3FAD] =	sst s2  }
0xb: {  	[smem:$0x3FAE] =	sst s3  }
0xc: {  	[smem:$0x3FAF] =	sst s4  }
0xd: {  	[smem:$0x3FB0] =	sst s5  }
0xe: {  	[smem:$0x3FB1] =	sst s6  }
0xf: {  	[smem:$0x3FB2] =	sst s7  }
0x10: {  	[smem:$0x3FB3] =	sst s8  }
0x11: {  	[smem:$0x3FB4] =	sst s9;
	s0 =	simm.s32 @!p0 $0x0  }
0x12: {  	s1 =	sld [smem:$0x3F9A];
	s0 =	simm.s32 @p0 $0x1  }
0x13: {  	[smem:$0x3FB5] =	sst s0;
	s0 =	simm.s32 @!p1 $0x0  }
0x14: {  	s2 =	sld [smem:$0x3F99];
	s0 =	simm.s32 @p1 $0x1  }
0x15: {  	[smem:$0x3FB6] =	sst s0;
	s0 =	simm.s32 @!p2 $0x0  }
0x16: {  	s3 =	sld [smem:$0x3FDB];
	s0 =	simm.s32 @p2 $0x1  }
0x17: {  	s4 =	simm.s32 $0x1BF5;
	[smem:$0x3FB8] =	sst s0  }
0x18: {  	s0 =	sld [smem:$0x3F9B];
	_ =	swait.ge [sflag:s4], $0x0  }
0x19: {  	s7 =	sld [smem:$0x3F9C]  }
0x1a: {  	s8 =	sadd.s32 $0xFFFFE003, lr  }
0x1b: {  	s9 =	sadd.s32 $0xFFFFFEF7, lr;
	s5 =	simm.s32 $0xFFFFFFFF;
	p2 =	slt.u32 s8, $0xFFFFF086  }
0x1c: {  	p1 =	slt.u32 s9, $0xF7A;
	s5 =	simm.s32 @!p2 $0x0  }
0x1d: {  	s5 =	simm.s32 @p1 $0x1;
	p0 =	seq.s32 s7, s2  }
0x1e: {  	s7 =	smul.u32 @!p0 $0xF7A, s2;
	p2 =	seq.s32 @!p0 s5, $0x0  }
0x1f: {  	s9 =	smul.u32 $0xF7A, s1;
	s8 =	simm.s32 @!p0 $0x1BF5;
	p2 =	por !p2, p0  }
0x20: {  	[sflag:s8] =	ssyncset.s32 @!p0 $0xFFFFF086;
	s6 =	sadd.s32 @!p0 s3, s7;
	s7 =	simm.s32 @!p0 $0x108  }
0x21: {  	s3 =	sadd.s32 s3, s9;
	s6 =	sadd.s32 @!p0 $0x88, s6;
	s7 =	simm.s32 @p2 $0x1082  }
0x22: {  	[simem:s7], [sflag:s8] =	dma.local @!p0 [hbm:s6], $0xF7A  }
0x23: {  	s9 =	sor.u32 $0xD0000000, s2;
	s6 =	simm.s32 $0x108;
	_ =	swait.ge @!p0 [sflag:s8], $0x0  }
0x24: {  	s3 =	sadd.s32 $0x88, s3;
	s6 =	simm.s32 @!p1 $0x1082;
	[sflag:s4] =	ssyncset.s32 $0xFFFFF086  }
0x25: {  	[simem:s6], [sflag:s4] =	dma.local [hbm:s3], $0xF7A  }
0x26: {  	[smem:$0x3F9C] =	sst s1;
	(tag) =	ssettag s2;
	_ =	strace s9  }
0x27: {  	s1 =	sld [smem:$0x3FAC]  }
0x28: {  	s2 =	sld [smem:$0x3FAD]  }
0x29: {  	s4 =	sld [smem:$0x3FAF]  }
0x2a: {  	p0 =	seq.s32 s5, $0x0;
	s5 =	sld [smem:$0x3FB0]  }
0x2b: {  	s6 =	sld [smem:$0x3FB1]  }
0x2c: {  	s7 =	sld [smem:$0x3FB2]  }
0x2d: {  	s3 =	simm.s32 $0x108;
	s8 =	sld [smem:$0x3FB3]  }
0x2e: {  	s3 =	simm.s32 @!p0 $0x1082;
	s9 =	sld [smem:$0x3FB4]  }
0x2f: {  	lr =	sadd.s32 s0, s3;
	s0 =	sld [smem:$0x3FAB]  }
0x30: {  	s3 =	sld [smem:$0x3FAE]  }
0x31: {  	[smem:$0x3FB7] =	sst s10  }
0x32: {  	s10 =	sld [smem:$0x3FB5];
	_ =	sdelay $0x3  }
0x33: {  	p0 =	seq.s32 s10, $0x1;
	s10 =	sld [smem:$0x3FB7];
	_ =	sdelay $0x3  }
0x34: {  	[smem:$0x3FB7] =	sst s10  }
0x35: {  	s10 =	sld [smem:$0x3FB6];
	_ =	sdelay $0x3  }
0x36: {  	p1 =	seq.s32 s10, $0x1;
	s10 =	sld [smem:$0x3FB7];
	_ =	sdelay $0x3  }
0x37: {  	[smem:$0x3FB7] =	sst s10  }
0x38: {  	s10 =	sld [smem:$0x3FB8]  }
0x39: {  	_ = 	snop;
	(pc) =	sbr.ind lr, $3  }
0x3a: {  	_ = 	snop  }
0x3b: {  	_ = 	snop  }
0x3c: {  	p2 =	seq.s32 s10, $0x1;
	s10 =	sld [smem:$0x3FB7]  }
0x3d: {  	_ =	shalt  }
0x3e: {  	_ =	shalt  }
0x3f: {  	_ =	shalt  }
0x40: {  	_ =	shalt  }
0x41: {  	_ =	shalt  }
0x42: {  	_ =	shalt  }
0x43: {  	_ =	shalt  }
0x44: {  	_ =	shalt  }
0x45: {  	_ =	shalt  }
0x46: {  	_ =	shalt  }
0x47: {  	_ =	shalt  }
0x48: {  	_ =	shalt  }
0x49: {  	_ =	shalt  }
0x4a: {  	_ =	shalt  }
0x4b: {  	_ =	shalt  }
0x4c: {  	_ =	shalt  }
0x4d: {  	_ =	shalt  }
0x4e: {  	_ =	shalt  }
0x4f: {  	_ =	shalt  }
0x50: {  	_ =	shalt  }
0x51: {  	_ =	shalt  }
0x52: {  	_ =	shalt  }
0x53: {  	_ =	shalt  }
0x54: {  	_ =	shalt  }
0x55: {  	_ =	shalt  }
0x56: {  	_ =	shalt  }
0x57: {  	_ =	shalt  }
0x58: {  	_ =	shalt  }
0x59: {  	_ =	shalt  }
0x5a: {  	_ =	shalt  }
0x5b: {  	_ =	shalt  }
0x5c: {  	_ =	shalt  }
0x5d: {  	_ =	shalt  }
0x5e: {  	_ =	shalt  }
0x5f: {  	_ =	shalt  }
0x60: {  	_ =	shalt  }
0x61: {  	_ =	shalt  }
0x62: {  	_ =	shalt  }
0x63: {  	_ =	shalt  }
0x64: {  	_ =	shalt  }
0x65: {  	_ =	shalt  }
0x66: {  	_ =	shalt  }
0x67: {  	_ =	shalt  }
0x68: {  	_ =	shalt  }
0x69: {  	_ =	shalt  }
0x6a: {  	_ =	shalt  }
0x6b: {  	_ =	shalt  }
0x6c: {  	_ =	shalt  }
0x6d: {  	_ =	shalt  }
0x6e: {  	_ =	shalt  }
0x6f: {  	_ =	shalt  }
0x70: {  	_ =	shalt  }
0x71: {  	_ =	shalt  }
0x72: {  	_ =	shalt  }
0x73: {  	_ =	shalt  }
0x74: {  	_ =	shalt  }
0x75: {  	_ =	shalt  }
0x76: {  	_ =	shalt  }
0x77: {  	_ =	shalt  }
0x78: {  	_ =	shalt  }
0x79: {  	_ =	shalt  }
0x7a: {  	_ =	shalt  }
0x7b: {  	_ =	shalt  }
0x7c: {  	_ =	shalt  }
0x7d: {  	_ =	shalt  }
0x7e: {  	_ =	shalt  }
0x7f: {  	_ =	shalt  }
0x80: {  	_ =	shalt  }
0x81: {  	_ =	shalt  }
0x82: {  	_ =	shalt  }
0x83: {  	_ =	shalt  }
0x84: {  	_ =	shalt  }
0x85: {  	_ =	shalt  }
0x86: {  	_ =	shalt  }
0x87: {  	_ =	shalt  }
.Lfunc_end0:
.L_simem_size_0:
called_computation_lowered:
.L_overlay_start_0:
0x88: {  	s2 =	sld [smem:$0x3FD9]  }
0x89: {  	s3 =	sld [smem:$0x3FFE];
	_ =	sdelay $0x1  }
0x8a: {  	s1 =	srdreg.scid  }
0x8b: {  	s0 =	sand.u32 $0x1, s1  }
0x8c: {  	s15 =	sshll.u32 s0, $0xA;
	s2 =	sadd.s32 s3, s2  }
0x8d: {  	s2 =	sadd.s32 s2, s15  }
0x8e: {  	[smem:$0x3FC3] =	sst s2  }
0x8f: {  	_ = 	snop  }
0x90: {  	s2 =	sld [smem:$0x3FD0];
	_ =	sdelay $0x2  }
0x91: {  	s4 =	simm.s32 $0xA;
	s5 =	simm.s32 $0x10;
	s16 =	sld [smem:$0x3FC9]  }
0x92: {  	[smem:s5], [sflag:s4] =	dma.local [hbm:s2], $0x1  }
0x93: {  	_ =	swait.eq [sflag:s4], $0x1  }
0x94: {  	[sflag:s4] =	ssyncset.done $0x0  }
0x95: {  	[sflag:s4] =	ssyncadd.s32 $0xFFFFFFFF  }
0x96: {  	s17 =	sld [smem:$0x11];
	(tm) =	ssettm $0x1  }
0x97: {  	s18 =	sld [smem:$0x3FFB];
	_ =	sdelay $0x3  }
0x98: {  	_ =	strace s18  }
0x99: {  	s4 =	sld [smem:$0x3FFC];
	_ =	sdelay $0x3  }
0x9a: {  	_ =	strace s4  }
0x9b: {  	s4 =	sld [smem:$0x3FFD];
	_ =	sdelay $0x3  }
0x9c: {  	_ =	strace s4  }
0x9d: {  	_ =	strace $0x8FFFFFFF  }
0x9e: {  	s19 =	sld [smem:$0x3FDB];
	_ =	sdelay $0x1  }
0x9f: {  	s20 =	simm.s32 $_scs_section_size  }
0xa0: {  	s6 =	simm.s32 $_size__tile_overlayer_lowered;
	s7 =	simm.s32 $_tile_overlayer_lowered  }
0xa1: {  	s23 =	simm.s32 $0x1BFF;
	s22 =	sshll.u32 s7, $0x1;
	s4 =	sadd.s32 s20, s19  }
0xa2: {  	s8 =	simm.s32 $0x0;
	s21 =	sshll.u32 s6, $0x1;
	s6 =	sadd.s32 s22, s4  }
0xa3: {  	[timem:s8], [sflag:s23] =	dma.local [hbm:s6], s21  }
0xa4: {  	_ =	swait.ge [sflag:s23], s21  }
0xa5: {  	s5 =	ssub.s32 $0x0, s21;
	[sflag:s23] =	ssyncset.done $0x0  }
0xa6: {  	[sflag:s23] =	ssyncadd.s32 s5;
	_ =	sdelay $0x1  }
0xa7: {  	s24 =	simm.s32 $0x1B8B  }
0xa8: {  	_ =	swait.ge [sflag:s24], $0x1  }
0xa9: {  	[sflag:s24] =	ssyncset.done $0x0  }
0xaa: {  	s25 =	simm.s32 $0x1B8E;
	[sflag:s24] =	ssyncadd.s32 $0xFFFFFFFF  }
0xab: {  	s26 =	simm.s32 $execute0_lowered;
	[smem:$0x3FD2] =	sst s25  }
0xac: {  	s5 =	sshll.u32 s26, $0x1;
	_ =	strace $0x80000046;
	[dreg:$0x1] =	wrdreg $0xFFFFFFFF  }
0xad: {  	s28 =	simm.s32 $_size_execute0_lowered;
	s4 =	sadd.s32 s4, s5;
	[dreg:$0x0] =	wrdreg $0x0  }
0xae: {  	s5 =	sshll.u32 s28, $0x1;
	[dreg:$0x2] =	wrdreg s4  }
0xaf: {  	[dreg:$0x3] =	wrdreg s5  }
0xb0: {  	[dreg:$0x4] =	wrdreg $0xC0  }
0xb1: {  	_ =	task [dreg:s8], $0x5FFFF  }
0xb2: {  	[dreg:$0x1] =	wrdreg $0xFFFFFFFF  }
0xb3: {  	[dreg:$0x0] =	wrdreg $0x60  }
0xb4: {  	[dreg:$0x2] =	wrdreg s16  }
0xb5: {  	[dreg:$0x3] =	wrdreg s17  }
0xb6: {  	[dreg:$0x4] =	wrdreg $0x9  }
0xb7: {  	_ =	task.clear_ibuf [dreg:s8], $0x5FFFF;
	_ =	strace $0x90000046  }
0xb8: {  	s29 =	simm.s32 $0x9;
	_ =	strace $0x80000048  }
0xb9: {  	_ =	swait.ge [sflag:s29], $0x1  }
0xba: {  	[sflag:s29] =	ssyncadd.s32 $0xFFFFFFFF  }
0xbb: {  	_ =	strace $0x90000048  }
0xbc: {  	_ =	sfence  }
0xbd: {  	s30 =	sld [smem:$0x0];
	_ =	sdelay $0x2  }
0xbe: {  	s31 =	sshll.u32 s1, $0xD;
	s1 =	sshrl.u32 s1, $0x2  }
0xbf: {  	s3 =	sand.u32 $0x4000, s31;
	s1 =	sadd.s32 s1, s30  }
0xc0: {  	s0 =	sor.u32 s3, s0;
	s1 =	sshll.u32 s1, $0x11  }
0xc1: {  	s0 =	sor.u32 s1, s0  }
0xc2: {  	s0 =	sadd.s32 $0x8F2B, s0  }
0xc3: {  	[sflag:s0] =	ssyncadd.remote.s32 $0x1  }
0xc4: {  	_ =	sfence.sel $0xFFFF  }
0xc5: {  	[dreg:$0x0] =	wrdreg $0xFFFFFFFF;
	(pc) =	sbr.abs _section_cstart, $3  }
0xc6: {  	[dreg:$0x1] =	wrdreg $0xFFFFFFFF  }
0xc7: {  	_ =	task.clear_ibuf [dreg:s8], $0x2FFFF;
	_ =	strace $0x9FFFFFFF  }
0xc8: {  	(tm) =	ssettm $0x7FFFFFFF  }
0xc9: {  	_ =	shalt  }
tec
execute0_lowered:
.L_overlay_start_1:
0x0: {  	(tag) =	ssettag $0x1  }
0x1: {  	s0 =	srdreg.scid  }
0x2: {  	s0 =	sand.u32 $0x1, s0  }
0x3: {  	s2 =	stileid.u32;
	s1 =	sshll.u32 s0, $0x4  }
0x4: {  	s3 =	rddreg [dreg:$0x0];
	s1 =	sor.u32 s2, s1;
	s2 =	sand.u32 $0x7, s2  }
0x5: {  	s4 =	rddreg [dreg:$0x1];
	p0 =	seq.s32 s1, $0x0;
	p1 =	sne.s32 s2, $0x0  }
0x6: {  	s5 =	simm.s32 $0x1;
	s6 =	simm.s32 $0x0;
	p0 =	por !p1, !p0  }
0x7: {  	[smem:$0x7FF] =	sst s6;
	s0 =	ssub.s32 $0x2, s0;
	p0 =	por !p0, !p0  }
0x8: {  	_ =	strace $0x80000047;
	s1 =	sshrl.u32 s1, $0x3;
	s5 =	simm.s32 @!p0 $0x0  }
0x9: {  	s25 =	sshrl.u32 s0, $0x1;
	s7 =	sshll.u32 s2, $0x10;
	s1 =	ssub.s32 s1, s5  }
0xa: {  	s2 =	sshll.u32 s2, $0x7;
	s26 =	sshll.u32 s1, $0x15;
	s1 =	sshll.u32 s1, $0xD  }
0xb: {  	s0 =	ssub.s32 s0, s25;
	s28 =	sor.u32 s7, s26;
	s1 =	sor.u32 s2, s1  }
0xc: {  	s0 =	smax.u32 s0, $0x1;
	s5 =	sshrl.u32 s28, $0x3;
	s1 =	sshrl.u32 s1, $0x3  }
0xd: {  	[dreg:$0x11] =	wrdreg s0;
	s3 =	sadd.s32 s5, s3;
	s1 =	sadd.s32 s4, s1  }
0xe: {  	s29 =	sadd.s32 $0x30000, s3;
	[dreg:$0x10] =	wrdreg s1  }
0xf: {  	s30 =	sadd.s32 $0x31000, s3;
	[dreg:$0xe] =	wrdreg s29  }
0x10: {  	s31 =	simm.s32 $0x10000;
	s2 =	simm.s32 $0x0;
	[dreg:$0xf] =	wrdreg s30  }
.LBB2_1:
0x11: {  	v0 =	vimm.f32 $0.0e+00  }
0x12: {  	[tilespmem:$0x10000] =	vst v0  }
0x13: {  	[tilespmem:$0x10010] =	vst v0  }
0x14: {  	[tilespmem:$0x10020] =	vst v0  }
0x15: {  	[tilespmem:$0x10030] =	vst v0  }
0x16: {  	[tilespmem:$0x10040] =	vst v0  }
0x17: {  	[tilespmem:$0x10050] =	vst v0  }
0x18: {  	[tilespmem:$0x10060] =	vst v0  }
0x19: {  	[tilespmem:$0x10070] =	vst v0  }
0x1a: {  	[tilespmem:$0x10080] =	vst v0  }
0x1b: {  	[tilespmem:$0x10090] =	vst v0  }
0x1c: {  	[tilespmem:$0x100A0] =	vst v0  }
0x1d: {  	[tilespmem:$0x100B0] =	vst v0  }
0x1e: {  	[tilespmem:$0x100C0] =	vst v0  }
0x1f: {  	[tilespmem:$0x100D0] =	vst v0  }
0x20: {  	[tilespmem:$0x100E0] =	vst v0  }
0x21: {  	[tilespmem:$0x100F0] =	vst v0  }
0x22: {  	[tilespmem:$0x10100] =	vst v0  }
0x23: {  	[tilespmem:$0x10110] =	vst v0  }
0x24: {  	[tilespmem:$0x10120] =	vst v0  }
0x25: {  	[tilespmem:$0x10130] =	vst v0  }
0x26: {  	[tilespmem:$0x10140] =	vst v0  }
0x27: {  	[tilespmem:$0x10150] =	vst v0  }
0x28: {  	[tilespmem:$0x10160] =	vst v0  }
0x29: {  	[tilespmem:$0x10170] =	vst v0  }
0x2a: {  	[tilespmem:$0x10180] =	vst v0  }
0x2b: {  	[tilespmem:$0x10190] =	vst v0  }
0x2c: {  	[tilespmem:$0x101A0] =	vst v0  }
0x2d: {  	[tilespmem:$0x101B0] =	vst v0  }
0x2e: {  	[tilespmem:$0x101C0] =	vst v0  }
0x2f: {  	[tilespmem:$0x101D0] =	vst v0  }
0x30: {  	[tilespmem:$0x101E0] =	vst v0  }
0x31: {  	[tilespmem:$0x101F0] =	vst v0  }
0x32: {  	[tilespmem:$0x10200] =	vst v0  }
0x33: {  	[tilespmem:$0x10210] =	vst v0  }
0x34: {  	[tilespmem:$0x10220] =	vst v0  }
0x35: {  	[tilespmem:$0x10230] =	vst v0  }
0x36: {  	[tilespmem:$0x10240] =	vst v0  }
0x37: {  	[tilespmem:$0x10250] =	vst v0  }
0x38: {  	[tilespmem:$0x10260] =	vst v0  }
0x39: {  	[tilespmem:$0x10270] =	vst v0  }
0x3a: {  	[tilespmem:$0x10280] =	vst v0  }
0x3b: {  	[tilespmem:$0x10290] =	vst v0  }
0x3c: {  	[tilespmem:$0x102A0] =	vst v0  }
0x3d: {  	[tilespmem:$0x102B0] =	vst v0  }
0x3e: {  	[tilespmem:$0x102C0] =	vst v0  }
0x3f: {  	[tilespmem:$0x102D0] =	vst v0  }
0x40: {  	[tilespmem:$0x102E0] =	vst v0  }
0x41: {  	[tilespmem:$0x102F0] =	vst v0  }
0x42: {  	[tilespmem:$0x10300] =	vst v0  }
0x43: {  	[tilespmem:$0x10310] =	vst v0  }
0x44: {  	[tilespmem:$0x10320] =	vst v0  }
0x45: {  	[tilespmem:$0x10330] =	vst v0  }
0x46: {  	[tilespmem:$0x10340] =	vst v0  }
0x47: {  	[tilespmem:$0x10350] =	vst v0  }
0x48: {  	[tilespmem:$0x10360] =	vst v0  }
0x49: {  	[tilespmem:$0x10370] =	vst v0  }
0x4a: {  	[tilespmem:$0x10380] =	vst v0  }
0x4b: {  	[tilespmem:$0x10390] =	vst v0  }
0x4c: {  	[tilespmem:$0x103A0] =	vst v0  }
0x4d: {  	[tilespmem:$0x103B0] =	vst v0  }
0x4e: {  	[tilespmem:$0x103C0] =	vst v0  }
0x4f: {  	[tilespmem:$0x103D0] =	vst v0  }
0x50: {  	[dreg:$0x12] =	wrdreg s2;
	[tilespmem:$0x103E0] =	vst v0  }
0x51: {  	s29 =	simm.s32 $0x0;
	s0 =	rddreg [dreg:$0xe];
	[tilespmem:$0x103F0] =	vst v0  }
0x52: {  	[tilespmem:s29], [sflag:$0x1] =	stream.linear.gather [hbm4b:s0+s29], $0x8000, $0x38;
	[tilespmem:$0x10400] =	vst v63  }
0x53: {  	s18 =	rddreg [dreg:$0xf];
	s1 =	simm.s32 $0x8000;
	s19 =	simm.s32 $0x1  }
0x54: {  	[tilespmem:s1], [sflag:$0x2] =	stream.linear.gather [hbm4b:s18+s29], $0x8000, $0x38;
	[tilespmem:$0x10400] =	vst v63  }
0x55: {  	s15 =	sand.u32 $0x60, s29;
	_ =	swait.ge [sflag:s19], $0x8000  }
0x56: {  	s16 =	sand.u32 $0x1C00, s29;
	s0 =	sor.u32 $0x10, s15;
	[sflag:s19] =	ssyncset.done $0x0  }
0x57: {  	s20 =	sor.u32 s0, s16;
	[sflag:s19] =	ssyncadd.s32 $0xFFFF8000  }
0x58: {  	v1 =	vld [tilespmem:s20+$0x0]  }
0x59: {  	v2 =	vld [tilespmem:s20+$0x80]  }
0x5a: {  	v3 =	vld [tilespmem:s20+$0x100]  }
0x5b: {  	v4 =	vld [tilespmem:s20+$0x180]  }
0x5c: {  	v5 =	vld [tilespmem:s20+$0x200]  }
0x5d: {  	v6 =	vld [tilespmem:s20+$0x280]  }
0x5e: {  	s26 =	sor.u32 $0x2000, s16;
	v7 =	vld [tilespmem:s20+$0x300]  }
0x5f: {  	s24 =	sor.u32 $0x2080, s16;
	s21 =	sor.u32 s0, s26;
	v8 =	vld [tilespmem:s20+$0x380]  }
0x60: {  	s25 =	sor.u32 $0x2100, s16;
	s22 =	sor.u32 s0, s24;
	v9 =	vld [tilespmem:s21+$0x0]  }
0x61: {  	s23 =	sor.u32 $0x2180, s16;
	s28 =	sor.u32 s0, s25;
	v10 =	vld [tilespmem:s22+$0x0]  }
0x62: {  	s30 =	sor.u32 s0, s23;
	s18 =	sor.u32 $0x2380, s16;
	v11 =	vld [tilespmem:s28+$0x0]  }
0x63: {  	s14 =	sor.u32 $0x4000, s16;
	s5 =	sor.u32 s0, s18;
	v12 =	vld [tilespmem:s30+$0x0]  }
0x64: {  	s13 =	sor.u32 $0x4080, s16;
	s6 =	sor.u32 s0, s14;
	v16 =	vld [tilespmem:s5+$0x0]  }
0x65: {  	s11 =	sor.u32 $0x4100, s16;
	s7 =	sor.u32 s0, s13;
	v17 =	vld [tilespmem:s6+$0x0]  }
0x66: {  	s8 =	sor.u32 $0x4180, s16;
	s9 =	sor.u32 s0, s11;
	v18 =	vld [tilespmem:s7+$0x0]  }
0x67: {  	s10 =	sor.u32 s0, s8;
	v19 =	vld [tilespmem:s9+$0x0]  }
0x68: {  	s26 =	sor.u32 s15, s26;
	s19 =	sor.u32 $0x2300, s16;
	v20 =	vld [tilespmem:s10+$0x0]  }
0x69: {  	s1 =	sor.u32 $0x6000, s16;
	s4 =	sor.u32 s0, s19;
	v0 =	vld [tilespmem:s26+$0x0]  }
0x6a: {  	s22 =	sor.u32 $0x2200, s16;
	s7 =	sor.u32 s0, s1;
	v15 =	vld [tilespmem:s4+$0x0]  }
0x6b: {  	s20 =	sor.u32 $0x2280, s16;
	s2 =	sor.u32 s0, s22;
	v25 =	vld [tilespmem:s7+$0x0]  }
0x6c: {  	s9 =	sor.u32 $0x4280, s16;
	s3 =	sor.u32 s0, s20;
	v13 =	vld [tilespmem:s2+$0x0]  }
0x6d: {  	s5 =	sor.u32 $0x4300, s16;
	s17 =	sor.u32 s0, s9;
	v14 =	vld [tilespmem:s3+$0x0]  }
0x6e: {  	s21 =	sor.u32 s0, s5;
	v22 =	vld [tilespmem:s17+$0x0]  }
0x6f: {  	s4 =	sor.u32 $0x4200, s16;
	s22 =	sor.u32 s15, s22;
	v23 =	vld [tilespmem:s21+$0x0]  }
0x70: {  	s6 =	sor.u32 $0x4380, s16;
	s12 =	sor.u32 s0, s4;
	v63 =	vld [tilespmem:s22+$0x0]  }
0x71: {  	s7 =	sor.u32 $0x6180, s16;
	s3 =	sor.u32 s0, s6;
	v21 =	vld [tilespmem:s12+$0x0]  }
0x72: {  	s2 =	sor.u32 $0x6080, s16;
	s17 =	sor.u32 s0, s7;
	v24 =	vld [tilespmem:s3+$0x0]  }
0x73: {  	s3 =	sor.u32 $0x6100, s16;
	s10 =	sor.u32 s0, s2;
	v28 =	vld [tilespmem:s17+$0x0]  }
0x74: {  	v26 =	vld [tilespmem:s10+$0x0];
	s12 =	sor.u32 s0, s3  }
0x75: {  	s24 =	sor.u32 s15, s24;
	v27 =	vld [tilespmem:s12+$0x0]  }
0x76: {  	s25 =	sor.u32 s15, s25;
	v1 =	vadd.f32 v2, v1;
	v2 =	vld [tilespmem:s24+$0x0]  }
0x77: {  	s20 =	sor.u32 s15, s20;
	v31 =	vadd.f32 v4, v3;
	v4 =	vld [tilespmem:s25+$0x0]  }
0x78: {  	s23 =	sor.u32 s15, s23;
	s10 =	sor.u32 $0x6200, s16;
	v3 =	vld [tilespmem:s20+$0x0]  }
0x79: {  	s12 =	sor.u32 $0x6280, s16;
	s28 =	sor.u32 s0, s10;
	v33 =	vadd.f32 v6, v5;
	v5 =	vld [tilespmem:s23+$0x0]  }
0x7a: {  	s17 =	sor.u32 $0x6300, s16;
	v29 =	vld [tilespmem:s28+$0x0];
	s21 =	sor.u32 s0, s12  }
0x7b: {  	s28 =	sor.u32 s0, s17;
	v30 =	vld [tilespmem:s21+$0x0];
	s21 =	sor.u32 $0x6380, s16  }
0x7c: {  	v32 =	vld [tilespmem:s28+$0x0];
	s30 =	sor.u32 s0, s21  }
0x7d: {  	s19 =	sor.u32 s15, s19;
	v6 =	vld [tilespmem:s30+$0x0];
	[tilespmem:$0x1FF50] =	vst v3  }
0x7e: {  	v3 =	vld [tilespmem:s19+$0x0];
	_ =	sdelay $0x4  }
0x7f: {  	s18 =	sor.u32 s15, s18;
	[tilespmem:$0x1FF60] =	vst v3  }
0x80: {  	v3 =	vld [tilespmem:s18+$0x0];
	_ =	sdelay $0x4  }
0x81: {  	s14 =	sor.u32 s15, s14;
	[tilespmem:$0x1FF70] =	vst v3  }
0x82: {  	v3 =	vld [tilespmem:s14+$0x0];
	_ =	sdelay $0x4  }
0x83: {  	s13 =	sor.u32 s15, s13;
	[tilespmem:$0x1FF80] =	vst v3  }
0x84: {  	v7 =	vadd.f32 v8, v7;
	v3 =	vld [tilespmem:s13+$0x0]  }
0x85: {  	v8 =	vadd.f32 v10, v9;
	v9 =	vadd.f32 v12, v11  }
0x86: {  	v12 =	vadd.f32 v18, v17;
	v11 =	vadd.f32 v16, v15  }
0x87: {  	v10 =	vadd.f32 v14, v13;
	v13 =	vadd.f32 v20, v19  }
0x88: {  	v1 =	vadd.f32 v31, v1;
	v60 =	vadd.f32 v7, v33  }
0x89: {  	s11 =	sor.u32 s15, s11;
	v61 =	vadd.f32 v9, v8;
	v14 =	vadd.f32 v22, v21;
	[tilespmem:$0x1FF90] =	vst v3  }
0x8a: {  	v15 =	vadd.f32 v24, v23;
	v56 =	vadd.f32 v26, v25;
	v3 =	vld [tilespmem:s11+$0x0]  }
0x8b: {  	v11 =	vadd.f32 v11, v10;
	v57 =	vadd.f32 v28, v27  }
0x8c: {  	v58 =	vadd.f32 v30, v29;
	v59 =	vadd.f32 v6, v32  }
0x8d: {  	v12 =	vadd.f32 v13, v12;
	v13 =	vadd.f32 v15, v14  }
0x8e: {  	v14 =	vadd.f32 v57, v56;
	v15 =	vadd.f32 v59, v58  }
0x8f: {  	s4 =	sor.u32 s15, s4;
	v1 =	vadd.f32 v60, v1;
	v62 =	vadd.f32 v11, v61;
	[tilespmem:$0x1FFA0] =	vst v3  }
0x90: {  	v13 =	vadd.f32 v13, v12;
	v15 =	vadd.f32 v15, v14;
	v3 =	vld [tilespmem:s4+$0x0];
	_ =	sdelay $0x1  }
0x91: {  	v1 =	vadd.f32 v62, v1;
	v13 =	vadd.f32 v15, v13  }
0x92: {  	s30 =	sand.u32 $0x380, s29  }
0x93: {  	s8 =	sor.u32 s15, s8;
	s0 =	sor.u32 s0, s30;
	v1 =	vadd.f32 v13, v1  }
0x94: {  	s0 =	sor.u32 $0x10000, s0;
	v17 =	vld [tilespmem:s8+$0x0];
	[tilespmem:$0x1FFB0] =	vst v3  }
0x95: {  	s1 =	sor.u32 s15, s1;
	[tilespmem:s0+$0x0] =	vst.add.f32.msk $0xffff, v1  }
0x96: {  	v1 =	vld [tilespmem:s1+$0x0];
	_ =	sdelay $0x1  }
0x97: {  	s26 =	sor.u32 s15, s9  }
0x98: {  	s28 =	sor.u32 s15, s5;
	v18 =	vld [tilespmem:s26+$0x0]  }
0x99: {  	s6 =	sor.u32 s15, s6;
	v23 =	vld [tilespmem:s28+$0x0]  }
0x9a: {  	s5 =	sor.u32 s15, s2;
	v31 =	vld [tilespmem:s6+$0x0];
	[tilespmem:$0x1FFC0] =	vst v1  }
0x9b: {  	v1 =	vld [tilespmem:s5+$0x0];
	_ =	sdelay $0x4  }
0x9c: {  	s6 =	sor.u32 s15, s3;
	[tilespmem:$0x1FFD0] =	vst v1  }
0x9d: {  	v1 =	vld [tilespmem:s6+$0x0];
	_ =	sdelay $0x4  }
0x9e: {  	s8 =	sor.u32 s15, s10;
	[tilespmem:$0x1FFE0] =	vst v1  }
0x9f: {  	v1 =	vld [tilespmem:s8+$0x0];
	_ =	sdelay $0x3  }
0xa0: {  	s7 =	sor.u32 s15, s7  }
0xa1: {  	s9 =	sor.u32 s15, s12;
	v20 =	vld [tilespmem:s7+$0x0];
	[tilespmem:$0x1FFF0] =	vst v1  }
0xa2: {  	s10 =	sor.u32 s15, s17;
	v21 =	vld [tilespmem:s9+$0x0]  }
0xa3: {  	s11 =	sor.u32 s15, s21;
	v24 =	vld [tilespmem:s10+$0x0]  }
0xa4: {  	s12 =	sor.u32 s15, s16;
	v29 =	vld [tilespmem:s11+$0x0]  }
0xa5: {  	v22 =	vld [tilespmem:s12+$0x0]  }
0xa6: {  	v25 =	vld [tilespmem:s12+$0x80]  }
0xa7: {  	v26 =	vld [tilespmem:s12+$0x100]  }
0xa8: {  	v28 =	vld [tilespmem:s12+$0x180]  }
0xa9: {  	s0 =	simm.s32 $0x20;
	v19 =	vld [tilespmem:s12+$0x200]  }
0xaa: {  	s13 =	simm.s32 $0x100;
	s15 =	sand.u32 $0x60, s0;
	v27 =	vld [tilespmem:s12+$0x280]  }
0xab: {  	s16 =	sand.u32 $0x1C00, s13;
	s1 =	sor.u32 $0x10, s15;
	v30 =	vld [tilespmem:s12+$0x300]  }
0xac: {  	s14 =	sor.u32 s1, s16;
	v32 =	vld [tilespmem:s12+$0x380]  }
0xad: {  	v1 =	vld [tilespmem:s14+$0x0]  }
0xae: {  	v16 =	vld [tilespmem:s14+$0x80]  }
0xaf: {  	v34 =	vld [tilespmem:s14+$0x100]  }
0xb0: {  	v35 =	vld [tilespmem:s14+$0x180]  }
0xb1: {  	v36 =	vld [tilespmem:s14+$0x200]  }
0xb2: {  	v37 =	vld [tilespmem:s14+$0x280]  }
0xb3: {  	s28 =	sor.u32 $0x2000, s16;
	v38 =	vld [tilespmem:s14+$0x300]  }
0xb4: {  	s26 =	sor.u32 $0x2080, s16;
	s17 =	sor.u32 s1, s28;
	v39 =	vld [tilespmem:s14+$0x380]  }
0xb5: {  	s24 =	sor.u32 $0x2100, s16;
	s18 =	sor.u32 s1, s26;
	v40 =	vld [tilespmem:s17+$0x0]  }
0xb6: {  	s25 =	sor.u32 $0x2180, s16;
	s19 =	sor.u32 s1, s24;
	v41 =	vld [tilespmem:s18+$0x0]  }
0xb7: {  	s23 =	sor.u32 $0x2200, s16;
	s20 =	sor.u32 s1, s25;
	v42 =	vld [tilespmem:s19+$0x0]  }
0xb8: {  	s21 =	sor.u32 $0x2280, s16;
	s22 =	sor.u32 s1, s23;
	v43 =	vld [tilespmem:s20+$0x0]  }
0xb9: {  	s13 =	sor.u32 $0x4080, s16;
	s29 =	sor.u32 s1, s21;
	v44 =	vld [tilespmem:s22+$0x0]  }
0xba: {  	s2 =	sor.u32 $0x6000, s16;
	s5 =	sor.u32 s1, s13;
	v45 =	vld [tilespmem:s29+$0x0]  }
0xbb: {  	s20 =	sor.u32 $0x2300, s16;
	v50 =	vld [tilespmem:s5+$0x0];
	s22 =	sor.u32 s1, s2  }
0xbc: {  	s19 =	sor.u32 $0x2380, s16;
	s30 =	sor.u32 s1, s20;
	v57 =	vld [tilespmem:s22+$0x0]  }
0xbd: {  	s17 =	sor.u32 $0x4000, s16;
	s3 =	sor.u32 s1, s19;
	v46 =	vld [tilespmem:s30+$0x0]  }
0xbe: {  	s12 =	sor.u32 $0x4100, s16;
	s4 =	sor.u32 s1, s17;
	v48 =	vld [tilespmem:s3+$0x0]  }
0xbf: {  	s9 =	sor.u32 $0x4180, s16;
	s6 =	sor.u32 s1, s12;
	v49 =	vld [tilespmem:s4+$0x0]  }
0xc0: {  	s5 =	sor.u32 $0x4200, s16;
	s7 =	sor.u32 s1, s9;
	v51 =	vld [tilespmem:s6+$0x0]  }
0xc1: {  	s10 =	sor.u32 $0x4280, s16;
	s8 =	sor.u32 s1, s5;
	v52 =	vld [tilespmem:s7+$0x0]  }
0xc2: {  	s11 =	sor.u32 s1, s10;
	s6 =	sor.u32 $0x4300, s16;
	v53 =	vld [tilespmem:s8+$0x0]  }
0xc3: {  	s7 =	sor.u32 $0x4380, s16;
	v54 =	vld [tilespmem:s11+$0x0];
	s14 =	sor.u32 s1, s6  }
0xc4: {  	s3 =	sor.u32 $0x6080, s16;
	s18 =	sor.u32 s1, s7;
	v55 =	vld [tilespmem:s14+$0x0]  }
0xc5: {  	s4 =	sor.u32 $0x6100, s16;
	s29 =	sor.u32 s1, s3;
	v56 =	vld [tilespmem:s18+$0x0]  }
0xc6: {  	s11 =	sor.u32 $0x6200, s16;
	s30 =	sor.u32 s1, s4;
	v58 =	vld [tilespmem:s29+$0x0]  }
0xc7: {  	s8 =	sor.u32 $0x6180, s16;
	s22 =	sor.u32 s1, s11;
	v59 =	vld [tilespmem:s30+$0x0]  }
0xc8: {  	s18 =	sor.u32 s1, s8;
	v61 =	vld [tilespmem:s22+$0x0]  }
0xc9: {  	s28 =	sor.u32 s15, s28;
	s14 =	sor.u32 $0x6280, s16;
	v60 =	vld [tilespmem:s18+$0x0]  }
0xca: {  	s18 =	sor.u32 $0x6300, s16;
	s29 =	sor.u32 s1, s14;
	v1 =	vadd.f32 v16, v1;
	v16 =	vld [tilespmem:s28+$0x0]  }
0xcb: {  	v33 =	vadd.f32 v35, v34;
	v62 =	vld [tilespmem:s29+$0x0];
	s30 =	sor.u32 s1, s18  }
0xcc: {  	s26 =	sor.u32 s15, s26;
	v35 =	vadd.f32 v37, v36;
	v36 =	vadd.f32 v39, v38;
	v34 =	vld [tilespmem:s30+$0x0]  }
0xcd: {  	s24 =	sor.u32 s15, s24;
	v38 =	vadd.f32 v41, v40;
	v41 =	vadd.f32 v48, v46;
	v48 =	vld [tilespmem:s26+$0x0]  }
0xce: {  	s25 =	sor.u32 s15, s25;
	v39 =	vadd.f32 v43, v42;
	v42 =	vadd.f32 v50, v49;
	v49 =	vld [tilespmem:s24+$0x0]  }
0xcf: {  	s23 =	sor.u32 s15, s23;
	v50 =	vld [tilespmem:s25+$0x0]  }
0xd0: {  	s21 =	sor.u32 s15, s21;
	v43 =	vadd.f32 v52, v51;
	v51 =	vld [tilespmem:s23+$0x0]  }
0xd1: {  	s20 =	sor.u32 s15, s20;
	v52 =	vld [tilespmem:s21+$0x0]  }
0xd2: {  	s19 =	sor.u32 s15, s19;
	v40 =	vadd.f32 v45, v44;
	v44 =	vadd.f32 v54, v53;
	v53 =	vld [tilespmem:s20+$0x0]  }
0xd3: {  	s22 =	sor.u32 $0x6380, s16;
	s29 =	sor.u32 s15, s6;
	v54 =	vld [tilespmem:s19+$0x0]  }
0xd4: {  	s30 =	sor.u32 s1, s22;
	v15 =	vld [tilespmem:s29+$0x0]  }
0xd5: {  	s17 =	sor.u32 s15, s17;
	v37 =	vld [tilespmem:s30+$0x0]  }
0xd6: {  	s13 =	sor.u32 s15, s13;
	v45 =	vadd.f32 v56, v55;
	v55 =	vld [tilespmem:s17+$0x0]  }
0xd7: {  	s5 =	sor.u32 s15, s5;
	v46 =	vadd.f32 v58, v57;
	v57 =	vld [tilespmem:s13+$0x0]  }
0xd8: {  	s30 =	sor.u32 s15, s7;
	v58 =	vld [tilespmem:s5+$0x0]  }
0xd9: {  	s9 =	sor.u32 s15, s9;
	v1 =	vadd.f32 v33, v1;
	v14 =	vld [tilespmem:s30+$0x0]  }
0xda: {  	s28 =	sor.u32 s15, s10;
	s7 =	sor.u32 s15, s4;
	v42 =	vadd.f32 v43, v42;
	v56 =	vadd.f32 v60, v59;
	v59 =	vld [tilespmem:s9+$0x0]  }
0xdb: {  	s10 =	sor.u32 s15, s11;
	s11 =	sor.u32 s15, s14;
	s14 =	sor.u32 s15, s16;
	v60 =	vadd.f32 v36, v35;
	v36 =	vld [tilespmem:s7+$0x0];
	v47 =	vadd.f32 v62, v61  }
0xdc: {  	s9 =	sor.u32 s15, s8;
	v35 =	vld [tilespmem:s14+$0x280];
	v61 =	vadd.f32 v39, v38;
	v34 =	vadd.f32 v37, v34  }
0xdd: {  	s13 =	sor.u32 s15, s22;
	v62 =	vadd.f32 v41, v40;
	v43 =	vadd.f32 v45, v44;
	v40 =	vld [tilespmem:s9+$0x0]  }
0xde: {  	v41 =	vld [tilespmem:s13+$0x0];
	v44 =	vadd.f32 v56, v46;
	v34 =	vadd.f32 v34, v47  }
0xdf: {  	v38 =	vld [tilespmem:s14+$0x180];
	v1 =	vadd.f32 v60, v1;
	v45 =	vadd.f32 v62, v61  }
0xe0: {  	s12 =	sor.u32 s15, s12;
	v39 =	vld [tilespmem:s14+$0x300];
	v46 =	vadd.f32 v43, v42;
	v34 =	vadd.f32 v34, v44  }
0xe1: {  	s5 =	sor.u32 s15, s2;
	v56 =	vld [tilespmem:s12+$0x0]  }
0xe2: {  	v60 =	vld [tilespmem:s5+$0x0];
	v1 =	vadd.f32 v45, v1;
	v47 =	vadd.f32 v34, v46  }
0xe3: {  	s0 =	sand.u32 $0x380, s0;
	s6 =	sor.u32 s15, s3;
	v61 =	vld [tilespmem:s28+$0x0]  }
0xe4: {  	s0 =	sor.u32 s1, s0;
	v62 =	vld [tilespmem:s6+$0x0];
	v33 =	vadd.f32 v47, v1  }
0xe5: {  	s0 =	sor.u32 $0x10000, s0;
	v43 =	vld [tilespmem:s10+$0x0]  }
0xe6: {  	[tilespmem:s0+$0x0] =	vst.add.f32.msk $0xffff, v33  }
0xe7: {  	v3 =	vadd.f32 v2, v0;
	s12 =	sor.u32 s15, s18;
	v0 =	vld [tilespmem:$0x1FF50]  }
0xe8: {  	v37 =	vld [tilespmem:s12+$0x0]  }
0xe9: {  	s18 =	simm.s32 $0x40;
	v42 =	vld [tilespmem:s14+$0x0]  }
0xea: {  	s15 =	simm.s32 $0x200;
	s16 =	sand.u32 $0x60, s18;
	v45 =	vld [tilespmem:s14+$0x380]  }
0xeb: {  	s17 =	sand.u32 $0x1C00, s15;
	s19 =	sor.u32 $0x10, s16;
	v1 =	vld [tilespmem:$0x1FF70]  }
0xec: {  	s20 =	sor.u32 s19, s17;
	v63 =	vadd.f32 v0, v63;
	v0 =	vld [tilespmem:$0x1FF60]  }
0xed: {  	v12 =	vld [tilespmem:s20+$0x0]  }
0xee: {  	v9 =	vld [tilespmem:s20+$0x80]  }
0xef: {  	v8 =	vld [tilespmem:s20+$0x100]  }
0xf0: {  	v7 =	vld [tilespmem:s20+$0x180]  }
0xf1: {  	v2 =	vadd.f32 v1, v0;
	v0 =	vld [tilespmem:$0x1FF80]  }
0xf2: {  	v1 =	vld [tilespmem:$0x1FF90]  }
0xf3: {  	v13 =	vld [tilespmem:s20+$0x200]  }
0xf4: {  	v11 =	vld [tilespmem:s20+$0x280]  }
0xf5: {  	v10 =	vld [tilespmem:s20+$0x300]  }
0xf6: {  	s2 =	sor.u32 $0x2100, s17;
	v6 =	vld [tilespmem:s20+$0x380]  }
0xf7: {  	s7 =	sor.u32 $0x2380, s17;
	s23 =	sor.u32 s19, s2;
	v1 =	vadd.f32 v1, v0;
	v0 =	vld [tilespmem:$0x1FFA0]  }
0xf8: {  	v23 =	vadd.f32 v31, v23;
	s8 =	sor.u32 $0x4000, s17;
	s29 =	sor.u32 s19, s7;
	v31 =	vld [tilespmem:s23+$0x0]  }
0xf9: {  	v22 =	vadd.f32 v25, v22;
	v25 =	vadd.f32 v28, v26;
	s30 =	sor.u32 s19, s8;
	v26 =	vld [tilespmem:s29+$0x0]  }
0xfa: {  	v28 =	vld [tilespmem:s30+$0x0]  }
0xfb: {  	v44 =	vld [tilespmem:s14+$0x80]  }
0xfc: {  	v0 =	vadd.f32 v17, v0;
	v17 =	vld [tilespmem:$0x1FFB0]  }
0xfd: {  	s1 =	sor.u32 $0x2080, s17;
	v46 =	vld [tilespmem:s11+$0x0]  }
0xfe: {  	s22 =	sor.u32 s19, s1;
	v34 =	vld [tilespmem:s14+$0x100]  }
0xff: {  	v47 =	vadd.f32 v5, v4;
	v4 =	vld [tilespmem:s22+$0x0]  }
0x100: {  	v2 =	vadd.f32 v2, v63;
	v63 =	vld [tilespmem:$0x1FFD0]  }
0x101: {  	s3 =	sor.u32 $0x2180, s17;
	v18 =	vadd.f32 v18, v17;
	v17 =	vld [tilespmem:$0x1FFC0]  }
0x102: {  	v19 =	vadd.f32 v27, v19;
	v32 =	vadd.f32 v32, v30;
	s24 =	sor.u32 s19, s3;
	v33 =	vld [tilespmem:s14+$0x200];
	s0 =	sor.u32 $0x2000, s17  }
0x103: {  	v3 =	vadd.f32 v47, v3;
	v47 =	vld [tilespmem:s24+$0x0];
	s21 =	sor.u32 s19, s0  }
0x104: {  	v22 =	vadd.f32 v25, v22;
	v19 =	vadd.f32 v32, v19;
	s0 =	sor.u32 s16, s0;
	v5 =	vld [tilespmem:s21+$0x0]  }
0x105: {  	v9 =	vadd.f32 v9, v12;
	v12 =	vld [tilespmem:s0+$0x0];
	v0 =	vadd.f32 v0, v1  }
0x106: {  	s20 =	sor.u32 $0x4200, s17;
	v1 =	vadd.f32 v23, v18;
	v23 =	vadd.f32 v63, v17;
	v63 =	vld [tilespmem:$0x1FFE0]  }
0x107: {  	s9 =	sor.u32 $0x6000, s17;
	s22 =	sor.u32 s19, s20;
	v17 =	vld [tilespmem:$0x1FFF0]  }
0x108: {  	s4 =	sor.u32 $0x2200, s17;
	s29 =	sor.u32 s19, s9;
	v2 =	vadd.f32 v2, v3;
	v3 =	vadd.f32 v19, v22;
	v19 =	vld [tilespmem:s22+$0x0]  }
0x109: {  	s5 =	sor.u32 $0x2280, s17;
	s25 =	sor.u32 s19, s4;
	v22 =	vadd.f32 v52, v51;
	v52 =	vadd.f32 v54, v53;
	v54 =	vld [tilespmem:s29+$0x0]  }
0x10a: {  	s6 =	sor.u32 $0x2300, s17;
	s26 =	sor.u32 s19, s5;
	v18 =	vld [tilespmem:s25+$0x0]  }
0x10b: {  	s28 =	sor.u32 s19, s6;
	s22 =	sor.u32 $0x4380, s17;
	v20 =	vadd.f32 v20, v63;
	v63 =	vld [tilespmem:s26+$0x0]  }
0x10c: {  	s10 =	sor.u32 $0x4080, s17;
	v17 =	vadd.f32 v21, v17;
	v21 =	vadd.f32 v29, v24;
	v24 =	vld [tilespmem:s28+$0x0];
	s28 =	sor.u32 s19, s22  }
0x10d: {  	s12 =	sor.u32 $0x4100, s17;
	s11 =	sor.u32 s19, s10;
	v25 =	vld [tilespmem:s28+$0x0]  }
0x10e: {  	s13 =	sor.u32 s19, s12;
	s14 =	sor.u32 $0x4180, s17;
	v20 =	vadd.f32 v20, v23;
	v17 =	vadd.f32 v21, v17;
	v21 =	vld [tilespmem:s11+$0x0]  }
0x10f: {  	s23 =	sor.u32 $0x4280, s17;
	v60 =	vadd.f32 v62, v60;
	s21 =	sor.u32 s19, s14;
	v23 =	vld [tilespmem:s13+$0x0]  }
0x110: {  	s25 =	sor.u32 s19, s23;
	v0 =	vadd.f32 v1, v0;
	s11 =	sor.u32 $0x6080, s17;
	v1 =	vadd.f32 v17, v20;
	v17 =	vld [tilespmem:s21+$0x0]  }
0x111: {  	v7 =	vadd.f32 v7, v8;
	v11 =	vadd.f32 v11, v13;
	s30 =	sor.u32 s19, s11;
	v20 =	vld [tilespmem:s25+$0x0]  }
0x112: {  	s1 =	sor.u32 s16, s1;
	v53 =	vadd.f32 v57, v55;
	v55 =	vadd.f32 v59, v56;
	v56 =	vld [tilespmem:s30+$0x0]  }
0x113: {  	s3 =	sor.u32 s16, s3;
	v6 =	vadd.f32 v6, v10;
	s24 =	sor.u32 $0x4300, s17;
	v62 =	vadd.f32 v26, v24;
	v24 =	vld [tilespmem:s1+$0x0]  }
0x114: {  	v7 =	vadd.f32 v7, v9;
	s26 =	sor.u32 s19, s24;
	s21 =	sor.u32 $0x6180, s17;
	v13 =	vadd.f32 v63, v18;
	v63 =	vld [tilespmem:s3+$0x0]  }
0x115: {  	s25 =	sor.u32 $0x6200, s17;
	s28 =	sor.u32 s19, s21;
	v0 =	vadd.f32 v1, v0;
	v1 =	vadd.f32 v2, v3;
	v3 =	vld [tilespmem:s26+$0x0]  }
0x116: {  	v6 =	vadd.f32 v6, v11;
	v57 =	vadd.f32 v61, v58;
	s29 =	sor.u32 s19, s25;
	v58 =	vld [tilespmem:s28+$0x0]  }
0x117: {  	v4 =	vadd.f32 v4, v5;
	v5 =	vadd.f32 v47, v31;
	s13 =	sor.u32 $0x6100, s17;
	s3 =	sor.u32 s16, s7;
	v59 =	vld [tilespmem:s29+$0x0]  }
0x118: {  	v50 =	vadd.f32 v50, v49;
	v14 =	vadd.f32 v14, v15;
	s26 =	sor.u32 s19, s13;
	v11 =	vld [tilespmem:s3+$0x0]  }
0x119: {  	v6 =	vadd.f32 v6, v7;
	v4 =	vadd.f32 v5, v4;
	s1 =	sor.u32 s16, s5;
	s5 =	sor.u32 s16, s10;
	v15 =	vld [tilespmem:s26+$0x0];
	s26 =	sor.u32 $0x6280, s17  }
0x11a: {  	v22 =	vadd.f32 v52, v22;
	v14 =	vadd.f32 v14, v57;
	s28 =	sor.u32 $0x6300, s17;
	v52 =	vld [tilespmem:s5+$0x0];
	s30 =	sor.u32 s19, s26  }
0x11b: {  	v57 =	vadd.f32 v35, v33;
	v2 =	vadd.f32 v48, v16;
	s29 =	sor.u32 $0x6380, s17;
	v61 =	vld [tilespmem:s30+$0x0];
	s30 =	sor.u32 s19, s28  }
0x11c: {  	v16 =	vadd.f32 v55, v53;
	v21 =	vadd.f32 v21, v28;
	v8 =	vld [tilespmem:s30+$0x0];
	s30 =	sor.u32 s19, s29  }
0x11d: {  	s25 =	sor.u32 s16, s25;
	v5 =	vadd.f32 v62, v13;
	v2 =	vadd.f32 v50, v2;
	v10 =	vld [tilespmem:s30+$0x0]  }
0x11e: {  	s2 =	sor.u32 s16, s2;
	v62 =	vld [tilespmem:s25+$0x0];
	v0 =	vadd.f32 v0, v1;
	v17 =	vadd.f32 v17, v23  }
0x11f: {  	v23 =	vld [tilespmem:s2+$0x0];
	v19 =	vadd.f32 v20, v19;
	v47 =	vadd.f32 v56, v54;
	s2 =	sor.u32 s16, s6  }
0x120: {  	s6 =	sor.u32 s16, s12;
	v4 =	vadd.f32 v5, v4;
	v9 =	vld [tilespmem:s2+$0x0];
	v3 =	vadd.f32 v25, v3  }
0x121: {  	s12 =	sor.u32 s16, s24;
	v5 =	vld [tilespmem:s6+$0x0];
	v13 =	vadd.f32 v17, v21;
	v15 =	vadd.f32 v58, v15  }
0x122: {  	v55 =	vld [tilespmem:s12+$0x0];
	v27 =	vadd.f32 v61, v59;
	v8 =	vadd.f32 v10, v8  }
0x123: {  	s10 =	sor.u32 s16, s23;
	[tilespmem:s31+$0x0] =	vst.add.f32.msk $0xffff, v0;
	v4 =	vadd.f32 v4, v6;
	v3 =	vadd.f32 v3, v19  }
0x124: {  	s30 =	sor.u32 s16, s4;
	v6 =	vld [tilespmem:s10+$0x0];
	v15 =	vadd.f32 v15, v47;
	v8 =	vadd.f32 v8, v27  }
0x125: {  	v14 =	vadd.f32 v14, v16;
	v54 =	vadd.f32 v44, v42;
	s4 =	sor.u32 s16, s8;
	v50 =	vld [tilespmem:s30+$0x0]  }
0x126: {  	s8 =	sor.u32 s16, s20;
	v51 =	vld [tilespmem:s4+$0x0];
	v3 =	vadd.f32 v3, v13;
	v7 =	vadd.f32 v8, v15  }
0x127: {  	s23 =	sor.u32 s16, s13;
	v56 =	vadd.f32 v38, v34;
	v2 =	vadd.f32 v22, v2;
	v53 =	vld [tilespmem:s8+$0x0]  }
0x128: {  	v58 =	vadd.f32 v45, v39;
	v61 =	vld [tilespmem:s23+$0x0];
	v3 =	vadd.f32 v7, v3  }
0x129: {  	s7 =	sor.u32 s16, s14;
	s14 =	sand.u32 $0x380, s18;
	v10 =	vld [tilespmem:s1+$0x0];
	v15 =	vadd.f32 v46, v43;
	v7 =	vadd.f32 v41, v37  }
0x12a: {  	s18 =	sor.u32 s19, s14;
	s19 =	sor.u32 s16, s22;
	v13 =	vadd.f32 v40, v36;
	v8 =	vld [tilespmem:s7+$0x0];
	v3 =	vadd.f32 v3, v4  }
0x12b: {  	s0 =	sor.u32 $0x10000, s18;
	v59 =	vadd.f32 v58, v57;
	v4 =	vld [tilespmem:s19+$0x0];
	v7 =	vadd.f32 v7, v15  }
0x12c: {  	s20 =	sor.u32 s16, s9;
	v15 =	vadd.f32 v56, v54;
	[tilespmem:s0+$0x0] =	vst.add.f32.msk $0xffff, v3;
	v3 =	vadd.f32 v13, v60  }
0x12d: {  	s22 =	sor.u32 s16, s11;
	v9 =	vadd.f32 v11, v9;
	v6 =	vadd.f32 v6, v53;
	v13 =	vld [tilespmem:s20+$0x0]  }
0x12e: {  	s24 =	sor.u32 s16, s21;
	v60 =	vld [tilespmem:s22+$0x0];
	v3 =	vadd.f32 v7, v3;
	v7 =	vadd.f32 v59, v15  }
0x12f: {  	s26 =	sor.u32 s16, s26;
	v0 =	vadd.f32 v10, v50;
	v10 =	vadd.f32 v52, v51;
	v15 =	vld [tilespmem:s24+$0x0]  }
0x130: {  	s30 =	sor.u32 s16, s28;
	v1 =	vadd.f32 v3, v14;
	v2 =	vadd.f32 v2, v7;
	v14 =	vld [tilespmem:s26+$0x0]  }
0x131: {  	s31 =	sor.u32 s16, s29;
	v3 =	vadd.f32 v24, v12;
	v7 =	vadd.f32 v63, v23;
	v12 =	vld [tilespmem:s30+$0x0]  }
0x132: {  	s16 =	sor.u32 s16, s17;
	v0 =	vadd.f32 v9, v0;
	v4 =	vadd.f32 v4, v55;
	v63 =	vld [tilespmem:s31+$0x0]  }
0x133: {  	v9 =	vld [tilespmem:s16+$0x180];
	v5 =	vadd.f32 v8, v5;
	v7 =	vadd.f32 v7, v3  }
0x134: {  	v4 =	vadd.f32 v4, v6;
	v6 =	vld [tilespmem:s16+$0x200];
	v1 =	vadd.f32 v1, v2  }
0x135: {  	v3 =	vld [tilespmem:s16+$0x0];
	v8 =	vadd.f32 v0, v7;
	v0 =	vadd.f32 v5, v10  }
0x136: {  	v2 =	vld [tilespmem:s16+$0x100];
	v10 =	vadd.f32 v60, v13;
	v13 =	vadd.f32 v15, v61  }
0x137: {  	v7 =	vld [tilespmem:s16+$0x80];
	v11 =	vadd.f32 v14, v62;
	v12 =	vadd.f32 v63, v12  }
0x138: {  	s18 =	simm.s32 $0x4;
	s17 =	simm.s32 $0x10000;
	s19 =	simm.s32 $0x60;
	v5 =	vadd.f32 v4, v0;
	v4 =	vadd.f32 v13, v10;
	v10 =	vld [tilespmem:s16+$0x280]  }
.LBB2_2:
0x139: {  	_ =	sdelay $0x1  }
0x13a: {  	s0 =	sand.u32 $0x60, s19;
	v0 =	vld [tilespmem:s16+$0x300];
	s15 =	sadd.s32 $0x100, s15  }
0x13b: {  	s17 =	sadd.s32 $0x20, s17;
	s1 =	sand.u32 $0x1C00, s15;
	s20 =	sor.u32 $0x10, s0;
	v7 =	vadd.f32 v7, v3;
	v3 =	vadd.f32 v12, v11;
	v11 =	vld [tilespmem:s16+$0x380]  }
0x13c: {  	s3 =	sor.u32 s20, s1;
	[tilespmem:s17+$0x0] =	vst.add.f32.msk $0xffff, v1  }
0x13d: {  	s4 =	sor.u32 $0x2000, s1;
	s5 =	sor.u32 $0x2080, s1;
	s7 =	sor.u32 $0x2180, s1;
	v9 =	vadd.f32 v9, v2;
	v2 =	vld [tilespmem:s3+$0x0]  }
0x13e: {  	s24 =	sor.u32 $0x4280, s1;
	s31 =	sor.u32 s0, s5;
	s5 =	sor.u32 s20, s5;
	v1 =	vadd.f32 v10, v6;
	v6 =	vld [tilespmem:s3+$0x180]  }
0x13f: {  	s14 =	sor.u32 $0x4100, s1;
	s25 =	sor.u32 $0x4300, s1;
	s28 =	sor.u32 s20, s24;
	v13 =	vld [tilespmem:s5+$0x0]  }
0x140: {  	s26 =	sor.u32 $0x4380, s1;
	s23 =	sor.u32 s0, s24;
	s29 =	sor.u32 s20, s25;
	v22 =	vld [tilespmem:s28+$0x0]  }
0x141: {  	s24 =	sor.u32 s0, s25;
	s25 =	sor.u32 s0, s26;
	s26 =	sor.u32 s20, s26;
	v23 =	vld [tilespmem:s29+$0x0]  }
0x142: {  	s2 =	sor.u32 s0, s4;
	s5 =	sor.u32 s0, s7;
	s7 =	sor.u32 s20, s7;
	v24 =	vld [tilespmem:s26+$0x0]  }
0x143: {  	s30 =	sor.u32 $0x6000, s1;
	[dreg:$0xc] =	wrdreg s2;
	s2 =	sor.u32 s20, s14;
	v14 =	vld [tilespmem:s7+$0x0]  }
0x144: {  	[dreg:$0xd] =	wrdreg s31;
	s31 =	sor.u32 s20, s30;
	v19 =	vld [tilespmem:s2+$0x0]  }
0x145: {  	v25 =	vld [tilespmem:s31+$0x0]  }
0x146: {  	v58 =	vld [tilespmem:s5+$0x0]  }
0x147: {  	v12 =	vadd.f32 v3, v4;
	v3 =	vld [tilespmem:s3+$0x80]  }
0x148: {  	s29 =	sor.u32 $0x6100, s1;
	v4 =	vld [tilespmem:s3+$0x100]  }
0x149: {  	s26 =	sor.u32 s0, s29;
	s29 =	sor.u32 s20, s29;
	s31 =	sor.u32 $0x6200, s1;
	v9 =	vadd.f32 v9, v7;
	v7 =	vld [tilespmem:s3+$0x280]  }
0x14a: {  	v27 =	vld [tilespmem:s29+$0x0];
	s29 =	sor.u32 s0, s31;
	s31 =	sor.u32 s20, s31  }
0x14b: {  	v29 =	vld [tilespmem:s31+$0x0]  }
0x14c: {  	v10 =	vadd.f32 v12, v5;
	v12 =	vld [tilespmem:s3+$0x380]  }
0x14d: {  	s21 =	sor.u32 $0x4180, s1;
	v0 =	vadd.f32 v11, v0;
	v11 =	vld [tilespmem:s3+$0x300]  }
0x14e: {  	s2 =	sor.u32 $0x6300, s1;
	v5 =	vld [tilespmem:s3+$0x200];
	s3 =	sor.u32 s20, s21  }
0x14f: {  	s31 =	sor.u32 s0, s2;
	s2 =	sor.u32 s20, s2;
	v20 =	vld [tilespmem:s3+$0x0];
	v0 =	vadd.f32 v0, v1  }
0x150: {  	s4 =	sor.u32 s20, s4;
	v2 =	vadd.f32 v3, v2;
	v3 =	vadd.f32 v6, v4;
	v4 =	vld [tilespmem:s2+$0x0]  }
0x151: {  	s6 =	sor.u32 $0x2100, s1;
	s2 =	rddreg [dreg:$0xc];
	v0 =	vadd.f32 v0, v9;
	v9 =	vld [tilespmem:s4+$0x0]  }
0x152: {  	s8 =	sor.u32 $0x2200, s1;
	s4 =	sor.u32 s0, s6;
	s6 =	sor.u32 s20, s6;
	v6 =	vadd.f32 v12, v11;
	v11 =	vld [tilespmem:s2+$0x0]  }
0x153: {  	v0 =	vadd.f32 v8, v0;
	v8 =	vld [tilespmem:s6+$0x0];
	s6 =	sor.u32 s0, s8  }
0x154: {  	s9 =	sor.u32 $0x2280, s1;
	s8 =	sor.u32 s20, s8;
	v61 =	vld [tilespmem:s6+$0x0]  }
0x155: {  	s10 =	sor.u32 $0x2300, s1;
	s7 =	sor.u32 s0, s9;
	s9 =	sor.u32 s20, s9;
	v1 =	vadd.f32 v10, v0;
	v0 =	vld [tilespmem:s8+$0x0]  }
0x156: {  	s11 =	sor.u32 $0x2380, s1;
	s8 =	sor.u32 s0, s10;
	v10 =	vld [tilespmem:s9+$0x0];
	s10 =	sor.u32 s20, s10  }
0x157: {  	v5 =	vadd.f32 v7, v5;
	s9 =	sor.u32 s0, s11;
	s11 =	sor.u32 s20, s11;
	v15 =	vld [tilespmem:s10+$0x0]  }
0x158: {  	s12 =	sor.u32 $0x4000, s1;
	s13 =	sor.u32 $0x4080, s1;
	s22 =	sor.u32 $0x4200, s1;
	v16 =	vld [tilespmem:s11+$0x0]  }
0x159: {  	s16 =	sor.u32 s0, s1;
	v2 =	vadd.f32 v3, v2;
	v3 =	vadd.f32 v6, v5;
	s10 =	sor.u32 s0, s12;
	s12 =	sor.u32 s20, s12;
	v5 =	vld [tilespmem:s8+$0x0]  }
0x15a: {  	s28 =	sor.u32 $0x6080, s1;
	s11 =	sor.u32 s0, s13;
	s13 =	sor.u32 s20, s13;
	v17 =	vld [tilespmem:s12+$0x0]  }
0x15b: {  	s3 =	smov.u32 s15;
	s12 =	sor.u32 s0, s14;
	v18 =	vld [tilespmem:s13+$0x0];
	s14 =	sor.u32 s0, s21  }
0x15c: {  	s21 =	sor.u32 s0, s22;
	s22 =	sor.u32 s20, s22;
	s13 =	sor.u32 s0, s30;
	v63 =	vld [tilespmem:s11+$0x0]  }
0x15d: {  	v57 =	vadd.f32 v24, v23;
	s30 =	sor.u32 $0x6180, s1;
	v21 =	vld [tilespmem:s22+$0x0];
	s22 =	sor.u32 s0, s28;
	s28 =	sor.u32 s20, s28  }
0x15e: {  	s15 =	sor.u32 $0x6280, s1;
	v9 =	vadd.f32 v13, v9;
	v2 =	vadd.f32 v3, v2;
	v26 =	vld [tilespmem:s28+$0x0];
	s28 =	sor.u32 s0, s30;
	s30 =	sor.u32 s20, s30  }
0x15f: {  	s1 =	sor.u32 $0x6380, s1;
	v8 =	vadd.f32 v14, v8;
	v14 =	vadd.f32 v20, v19;
	v28 =	vld [tilespmem:s30+$0x0];
	s30 =	sor.u32 s0, s15;
	s15 =	sor.u32 s20, s15  }
0x160: {  	s0 =	sor.u32 s0, s1;
	s1 =	sor.u32 s20, s1;
	v0 =	vadd.f32 v10, v0;
	v30 =	vld [tilespmem:s15+$0x0];
	v10 =	vadd.f32 v16, v15  }
0x161: {  	v6 =	vadd.f32 v8, v9;
	s15 =	smov.u32 s3;
	v7 =	vld [tilespmem:s1+$0x0];
	s3 =	rddreg [dreg:$0xd];
	v13 =	vadd.f32 v18, v17  }
0x162: {  	v12 =	vld [tilespmem:s3+$0x0];
	v56 =	vadd.f32 v22, v21;
	v0 =	vadd.f32 v10, v0  }
0x163: {  	v15 =	vld [tilespmem:s4+$0x0];
	v59 =	vadd.f32 v26, v25;
	v9 =	vadd.f32 v14, v13  }
0x164: {  	v8 =	vld [tilespmem:s9+$0x0];
	v60 =	vadd.f32 v28, v27;
	v10 =	vadd.f32 v57, v56  }
0x165: {  	v3 =	vld [tilespmem:s12+$0x0];
	v0 =	vadd.f32 v0, v6;
	v62 =	vadd.f32 v30, v29  }
0x166: {  	v13 =	vld [tilespmem:s10+$0x0];
	v4 =	vadd.f32 v7, v4;
	v14 =	vadd.f32 v60, v59  }
0x167: {  	v7 =	vld [tilespmem:s7+$0x0];
	v6 =	vadd.f32 v10, v9;
	v10 =	vadd.f32 v12, v11  }
0x168: {  	v9 =	vld [tilespmem:s14+$0x0];
	v11 =	vadd.f32 v58, v15;
	v4 =	vadd.f32 v4, v62  }
0x169: {  	v5 =	vadd.f32 v8, v5;
	v12 =	vld [tilespmem:s21+$0x0]  }
0x16a: {  	v8 =	vadd.f32 v11, v10;
	v10 =	vld [tilespmem:s29+$0x0];
	v4 =	vadd.f32 v4, v14  }
0x16b: {  	v11 =	vld [tilespmem:s30+$0x0]  }
0x16c: {  	v0 =	vadd.f32 v0, v2;
	v2 =	vadd.f32 v4, v6;
	v4 =	vld [tilespmem:s23+$0x0]  }
0x16d: {  	v6 =	vadd.f32 v7, v61;
	v7 =	vld [tilespmem:s24+$0x0]  }
0x16e: {  	v3 =	vadd.f32 v9, v3;
	v9 =	vld [tilespmem:s28+$0x0]  }
0x16f: {  	v13 =	vadd.f32 v63, v13;
	s23 =	sand.u32 $0x380, s19;
	v0 =	vadd.f32 v2, v0;
	v2 =	vld [tilespmem:s25+$0x0]  }
0x170: {  	s1 =	sor.u32 s20, s23;
	v5 =	vadd.f32 v5, v6;
	v6 =	vld [tilespmem:s26+$0x0]  }
0x171: {  	s1 =	sor.u32 $0x10000, s1;
	v3 =	vadd.f32 v3, v13;
	v13 =	vld [tilespmem:s0+$0x0]  }
0x172: {  	[tilespmem:s1+$0x0] =	vst.add.f32.msk $0xffff, v0  }
0x173: {  	v0 =	vld [tilespmem:s13+$0x0]  }
0x174: {  	v8 =	vadd.f32 v5, v8;
	v5 =	vld [tilespmem:s22+$0x0]  }
0x175: {  	s18 =	sadd.s32 $0x2, s18;
	v11 =	vadd.f32 v11, v10;
	v10 =	vld [tilespmem:s16+$0x280]  }
0x176: {  	p0 =	slt.u32 s18, $0x3E;
	v4 =	vadd.f32 v4, v12;
	v12 =	vld [tilespmem:s31+$0x0];
	v2 =	vadd.f32 v2, v7  }
.Ltmp0:
0x177: {  	v7 =	vld [tilespmem:s16+$0x80];
	(pc) =	sbr.rel @p0 .LBB2_2-.Ltmp0, $4  }
0x178: {  	v2 =	vadd.f32 v2, v4;
	v4 =	vadd.f32 v9, v6;
	v9 =	vld [tilespmem:s16+$0x180]  }
0x179: {  	v0 =	vadd.f32 v5, v0;
	v6 =	vld [tilespmem:s16+$0x200]  }
0x17a: {  	v5 =	vadd.f32 v2, v3;
	v3 =	vld [tilespmem:s16+$0x0]  }
0x17b: {  	s19 =	sadd.s32 $0x20, s19;
	v12 =	vadd.f32 v13, v12;
	v2 =	vld [tilespmem:s16+$0x100];
	v4 =	vadd.f32 v4, v0  }
0x17c: {  	v0 =	vld [tilespmem:s16+$0x300]  }
0x17d: {  	v13 =	vld [tilespmem:s16+$0x380];
	_ =	sdelay $0x3  }
0x17e: {  	v6 =	vadd.f32 v10, v6;
	v3 =	vadd.f32 v7, v3  }
0x17f: {  	v2 =	vadd.f32 v9, v2;
	v0 =	vadd.f32 v13, v0  }
0x180: {  	v7 =	vadd.f32 v12, v11  }
0x181: {  	v2 =	vadd.f32 v2, v3;
	v0 =	vadd.f32 v0, v6;
	_ =	sdelay $0x1  }
0x182: {  	v3 =	vadd.f32 v7, v4;
	v0 =	vadd.f32 v0, v2;
	_ =	sdelay $0x1  }
0x183: {  	v2 =	vadd.f32 v3, v5;
	v0 =	vadd.f32 v8, v0;
	_ =	sdelay $0x1  }
0x184: {  	s0 =	sadd.s32 $0x20, s17;
	v0 =	vadd.f32 v2, v0  }
0x185: {  	[tilespmem:s0+$0x0] =	vst.add.f32.msk $0xffff, v1;
	s0 =	sadd.s32 $0x20, s0  }
0x186: {  	s21 =	simm.s32 $0x0;
	s2 =	simm.s32 $0x2;
	[tilespmem:s0+$0x0] =	vst.add.f32.msk $0xffff, v0  }
0x187: {  	s15 =	sand.u32 $0x60, s21;
	s30 =	sand.u32 $0x1C00, s21;
	_ =	swait.ge [sflag:s2], $0x8000  }
0x188: {  	s1 =	sor.u32 $0x8000, s30;
	s0 =	sor.u32 $0x10, s15;
	[sflag:s2] =	ssyncset.done $0x0  }
0x189: {  	s3 =	sor.u32 $0x8080, s30;
	s22 =	sor.u32 s0, s1;
	[sflag:s2] =	ssyncadd.s32 $0xFFFF8000  }
0x18a: {  	s28 =	sor.u32 $0x8100, s30;
	s23 =	sor.u32 s0, s3;
	v0 =	vld [tilespmem:s22+$0x0]  }
0x18b: {  	s25 =	sor.u32 $0x8180, s30;
	s24 =	sor.u32 s0, s28;
	v1 =	vld [tilespmem:s23+$0x0]  }
0x18c: {  	s21 =	sor.u32 $0x8280, s30;
	s26 =	sor.u32 s0, s25;
	v2 =	vld [tilespmem:s24+$0x0]  }
0x18d: {  	s19 =	sor.u32 $0x8300, s30;
	s31 =	sor.u32 s0, s21;
	v3 =	vld [tilespmem:s26+$0x0]  }
0x18e: {  	s17 =	sor.u32 $0x8380, s30;
	s4 =	sor.u32 s0, s19;
	v5 =	vld [tilespmem:s31+$0x0]  }
0x18f: {  	s13 =	sor.u32 $0xA000, s30;
	s5 =	sor.u32 s0, s17;
	v6 =	vld [tilespmem:s4+$0x0]  }
0x190: {  	s11 =	sor.u32 $0xA080, s30;
	s6 =	sor.u32 s0, s13;
	v7 =	vld [tilespmem:s5+$0x0]  }
0x191: {  	s12 =	sor.u32 $0xA100, s30;
	s7 =	sor.u32 s0, s11;
	v8 =	vld [tilespmem:s6+$0x0]  }
0x192: {  	s8 =	sor.u32 $0xA180, s30;
	s9 =	sor.u32 s0, s12;
	v9 =	vld [tilespmem:s7+$0x0]  }
0x193: {  	s10 =	sor.u32 s0, s8;
	s23 =	sor.u32 $0x8200, s30;
	v10 =	vld [tilespmem:s9+$0x0]  }
0x194: {  	s16 =	sor.u32 $0xA200, s30;
	v11 =	vld [tilespmem:s10+$0x0];
	s4 =	sor.u32 $0xA300, s30;
	s29 =	sor.u32 s0, s23  }
0x195: {  	s14 =	sor.u32 s0, s16;
	s9 =	sor.u32 $0xA280, s30;
	v4 =	vld [tilespmem:s29+$0x0];
	[dreg:$0x1d] =	wrdreg s4  }
0x196: {  	s6 =	sor.u32 $0xA380, s30;
	s22 =	sor.u32 $0xC000, s30;
	s18 =	sor.u32 s0, s9;
	v47 =	vld [tilespmem:s14+$0x0]  }
0x197: {  	s5 =	sor.u32 $0xC080, s30;
	s20 =	sor.u32 s0, s4;
	v48 =	vld [tilespmem:s18+$0x0];
	[dreg:$0x17] =	wrdreg s22  }
0x198: {  	s24 =	sor.u32 s0, s6;
	s29 =	sor.u32 $0xC100, s30;
	v14 =	vld [tilespmem:s20+$0x0];
	[dreg:$0x19] =	wrdreg s5  }
0x199: {  	s26 =	sor.u32 s0, s22;
	v15 =	vld [tilespmem:s24+$0x0];
	[dreg:$0x1b] =	wrdreg s29  }
0x19a: {  	s31 =	sor.u32 s0, s5;
	v16 =	vld [tilespmem:s26+$0x0]  }
0x19b: {  	s7 =	sor.u32 $0xC180, s30;
	s5 =	sor.u32 s0, s29;
	v17 =	vld [tilespmem:s31+$0x0]  }
0x19c: {  	s10 =	sor.u32 $0xC200, s30;
	s14 =	sor.u32 s0, s7;
	v18 =	vld [tilespmem:s5+$0x0]  }
0x19d: {  	s18 =	sor.u32 s0, s10;
	v19 =	vld [tilespmem:s14+$0x0];
	s14 =	sor.u32 $0xC280, s30  }
0x19e: {  	v20 =	vld [tilespmem:s18+$0x0];
	s18 =	sor.u32 $0xC300, s30;
	s20 =	sor.u32 s0, s14  }
0x19f: {  	s22 =	sor.u32 s0, s18;
	v21 =	vld [tilespmem:s20+$0x0];
	s20 =	sor.u32 $0xC380, s30  }
0x1a0: {  	v22 =	vld [tilespmem:s22+$0x0];
	s22 =	sor.u32 $0xE000, s30;
	s24 =	sor.u32 s0, s20  }
0x1a1: {  	s26 =	sor.u32 s0, s22;
	v23 =	vld [tilespmem:s24+$0x0];
	s24 =	sor.u32 $0xE080, s30  }
0x1a2: {  	v24 =	vld [tilespmem:s26+$0x0];
	s26 =	sor.u32 $0xE100, s30;
	s29 =	sor.u32 s0, s24  }
0x1a3: {  	s31 =	sor.u32 s0, s26;
	v25 =	vld [tilespmem:s29+$0x0];
	s29 =	sor.u32 $0xE180, s30  }
0x1a4: {  	v26 =	vld [tilespmem:s31+$0x0];
	s31 =	sor.u32 $0xE200, s30;
	s4 =	sor.u32 s0, s29  }
0x1a5: {  	s2 =	sor.u32 $0xE280, s30;
	s5 =	sor.u32 s0, s31;
	v27 =	vld [tilespmem:s4+$0x0]  }
0x1a6: {  	v28 =	vld [tilespmem:s5+$0x0];
	s4 =	sor.u32 $0xE300, s30;
	s5 =	sor.u32 s0, s2  }
0x1a7: {  	s30 =	sor.u32 $0xE380, s30;
	v29 =	vld [tilespmem:s5+$0x0];
	s5 =	sor.u32 s0, s4  }
0x1a8: {  	v0 =	vadd.f32 v1, v0;
	v1 =	vadd.f32 v3, v2;
	v2 =	vld [tilespmem:s5+$0x0];
	s5 =	sor.u32 s0, s30  }
0x1a9: {  	v7 =	vadd.f32 v7, v6;
	v6 =	vld [tilespmem:s5+$0x0];
	s5 =	sor.u32 s15, s3  }
0x1aa: {  	v30 =	vadd.f32 v5, v4;
	v4 =	vld [tilespmem:s5+$0x0];
	s5 =	sor.u32 s15, s25  }
0x1ab: {  	v53 =	vld [tilespmem:s5+$0x0];
	_ =	sdelay $0x2  }
0x1ac: {  	s1 =	sor.u32 s15, s1  }
0x1ad: {  	v3 =	vld [tilespmem:s1+$0x0];
	s3 =	sor.u32 s15, s28  }
0x1ae: {  	s23 =	sor.u32 s15, s23;
	v5 =	vld [tilespmem:s3+$0x0];
	[tilespmem:$0x1FEA0] =	vst v53  }
0x1af: {  	v56 =	vld [tilespmem:s23+$0x0];
	_ =	sdelay $0x4  }
0x1b0: {  	s28 =	sor.u32 s15, s19;
	[tilespmem:$0x1FEB0] =	vst v56  }
0x1b1: {  	v0 =	vadd.f32 v1, v0;
	v1 =	vadd.f32 v7, v30;
	v7 =	vld [tilespmem:s28+$0x0];
	_ =	sdelay $0x3  }
0x1b2: {  	s25 =	sor.u32 s15, s21  }
0x1b3: {  	s3 =	sor.u32 s15, s17;
	v2 =	vadd.f32 v6, v2;
	v6 =	vld [tilespmem:s25+$0x0];
	[tilespmem:$0x1FEC0] =	vst v7  }
0x1b4: {  	v7 =	vld [tilespmem:s3+$0x0];
	_ =	sdelay $0x4  }
0x1b5: {  	s11 =	sor.u32 s15, s11;
	[tilespmem:$0x1FED0] =	vst v7  }
0x1b6: {  	v7 =	vld [tilespmem:s11+$0x0];
	_ =	sdelay $0x3  }
0x1b7: {  	v8 =	vadd.f32 v9, v8;
	s5 =	sor.u32 s15, s13  }
0x1b8: {  	v9 =	vadd.f32 v11, v10;
	v11 =	vadd.f32 v15, v14;
	s13 =	sor.u32 s15, s12;
	v15 =	vld [tilespmem:s5+$0x0];
	[tilespmem:$0x1FEE0] =	vst v7  }
0x1b9: {  	v7 =	vld [tilespmem:s13+$0x0];
	_ =	sdelay $0x4  }
0x1ba: {  	v58 =	vadd.f32 v9, v8;
	v10 =	vadd.f32 v48, v47;
	s17 =	sor.u32 s15, s8;
	[tilespmem:$0x1FEF0] =	vst v7  }
0x1bb: {  	v49 =	vadd.f32 v17, v16;
	v50 =	vadd.f32 v19, v18;
	v7 =	vld [tilespmem:s17+$0x0]  }
0x1bc: {  	v10 =	vadd.f32 v11, v10;
	v51 =	vadd.f32 v21, v20  }
0x1bd: {  	v52 =	vadd.f32 v23, v22;
	v54 =	vadd.f32 v25, v24  }
0x1be: {  	v55 =	vadd.f32 v27, v26;
	v57 =	vadd.f32 v29, v28  }
0x1bf: {  	v12 =	vadd.f32 v50, v49;
	v59 =	vadd.f32 v52, v51  }
0x1c0: {  	s19 =	sor.u32 s15, s16;
	v60 =	vadd.f32 v55, v54;
	v2 =	vadd.f32 v2, v57;
	[tilespmem:$0x1FF00] =	vst v7  }
0x1c1: {  	v0 =	vadd.f32 v1, v0;
	v1 =	vadd.f32 v10, v58;
	v7 =	vld [tilespmem:s19+$0x0]  }
0x1c2: {  	v13 =	vadd.f32 v59, v12;
	v2 =	vadd.f32 v2, v60;
	_ =	sdelay $0x1  }
0x1c3: {  	v0 =	vadd.f32 v1, v0;
	v1 =	vadd.f32 v2, v13;
	s25 =	simm.s32 $0x0  }
0x1c4: {  	s23 =	rddreg [dreg:$0x1d];
	s1 =	sand.u32 $0x380, s25  }
0x1c5: {  	v0 =	vadd.f32 v1, v0;
	s0 =	sor.u32 s0, s1;
	s3 =	sor.u32 s15, s23;
	[tilespmem:$0x1FF10] =	vst v7  }
0x1c6: {  	s0 =	sor.u32 $0x10000, s0;
	v19 =	vld [tilespmem:s3+$0x0];
	s3 =	rddreg [dreg:$0x17]  }
0x1c7: {  	[tilespmem:s0+$0x0] =	vst.add.f32.msk $0xffff, v0;
	s1 =	sor.u32 s15, s3  }
0x1c8: {  	v0 =	vld [tilespmem:s1+$0x0];
	_ =	sdelay $0x2  }
0x1c9: {  	s21 =	sor.u32 s15, s9  }
0x1ca: {  	s28 =	sor.u32 s15, s6;
	v16 =	vld [tilespmem:s21+$0x0];
	s0 =	rddreg [dreg:$0x19]  }
0x1cb: {  	v24 =	vld [tilespmem:s28+$0x0];
	s0 =	sor.u32 s15, s0;
	[tilespmem:$0x1FF20] =	vst v0  }
0x1cc: {  	v0 =	vld [tilespmem:s0+$0x0];
	_ =	sdelay $0x3  }
0x1cd: {  	s5 =	rddreg [dreg:$0x1b]  }
0x1ce: {  	s1 =	sor.u32 s15, s5;
	[tilespmem:$0x1FF30] =	vst v0  }
0x1cf: {  	v0 =	vld [tilespmem:s1+$0x0];
	_ =	sdelay $0x4  }
0x1d0: {  	s6 =	sor.u32 s15, s7;
	[tilespmem:$0x1FF40] =	vst v0  }
0x1d1: {  	s7 =	sor.u32 s15, s10;
	v20 =	vld [tilespmem:s6+$0x0]  }
0x1d2: {  	s8 =	sor.u32 s15, s14;
	v18 =	vld [tilespmem:s7+$0x0]  }
0x1d3: {  	s9 =	sor.u32 s15, s18;
	v21 =	vld [tilespmem:s8+$0x0]  }
0x1d4: {  	s10 =	sor.u32 s15, s20;
	v22 =	vld [tilespmem:s9+$0x0]  }
0x1d5: {  	s11 =	sor.u32 s15, s22;
	v25 =	vld [tilespmem:s10+$0x0]  }
0x1d6: {  	s12 =	sor.u32 s15, s24;
	v23 =	vld [tilespmem:s11+$0x0]  }
0x1d7: {  	s13 =	sor.u32 s15, s26;
	v26 =	vld [tilespmem:s12+$0x0]  }
0x1d8: {  	s14 =	sor.u32 s15, s29;
	v27 =	vld [tilespmem:s13+$0x0]  }
0x1d9: {  	s16 =	sor.u32 s15, s31;
	v29 =	vld [tilespmem:s14+$0x0]  }
0x1da: {  	s18 =	simm.s32 $0x100;
	s17 =	sor.u32 s15, s2;
	s19 =	simm.s32 $0x20;
	v28 =	vld [tilespmem:s16+$0x0]  }
0x1db: {  	s20 =	sor.u32 s15, s4;
	s0 =	sand.u32 $0x1C00, s18;
	v30 =	vld [tilespmem:s17+$0x0];
	s17 =	sand.u32 $0x60, s19  }
0x1dc: {  	s21 =	sor.u32 s15, s30;
	s2 =	sor.u32 $0x8000, s0;
	v31 =	vld [tilespmem:s20+$0x0];
	s1 =	sor.u32 $0x10, s17  }
0x1dd: {  	s3 =	sor.u32 $0x8080, s0;
	v32 =	vld [tilespmem:s21+$0x0];
	s22 =	sor.u32 s1, s2  }
0x1de: {  	s28 =	sor.u32 $0x8100, s0;
	s23 =	sor.u32 s1, s3;
	v0 =	vld [tilespmem:s22+$0x0]  }
0x1df: {  	s25 =	sor.u32 $0x8180, s0;
	s24 =	sor.u32 s1, s28;
	v1 =	vld [tilespmem:s23+$0x0]  }
0x1e0: {  	s21 =	sor.u32 $0x8280, s0;
	s26 =	sor.u32 s1, s25;
	v2 =	vld [tilespmem:s24+$0x0]  }
0x1e1: {  	s19 =	sor.u32 $0x8300, s0;
	s30 =	sor.u32 s1, s21;
	v33 =	vld [tilespmem:s26+$0x0]  }
0x1e2: {  	s15 =	sor.u32 $0x8380, s0;
	s31 =	sor.u32 s1, s19;
	v35 =	vld [tilespmem:s30+$0x0]  }
0x1e3: {  	s13 =	sor.u32 $0xA000, s0;
	s5 =	sor.u32 s1, s15;
	v36 =	vld [tilespmem:s31+$0x0]  }
0x1e4: {  	s11 =	sor.u32 $0xA080, s0;
	s6 =	sor.u32 s1, s13;
	v37 =	vld [tilespmem:s5+$0x0]  }
0x1e5: {  	s12 =	sor.u32 $0xA100, s0;
	s7 =	sor.u32 s1, s11;
	v38 =	vld [tilespmem:s6+$0x0]  }
0x1e6: {  	s8 =	sor.u32 $0xA180, s0;
	s9 =	sor.u32 s1, s12;
	v39 =	vld [tilespmem:s7+$0x0]  }
0x1e7: {  	s10 =	sor.u32 s1, s8;
	s23 =	sor.u32 $0x8200, s0;
	v40 =	vld [tilespmem:s9+$0x0]  }
0x1e8: {  	s18 =	sor.u32 $0xA300, s0;
	s16 =	sor.u32 $0xA200, s0;
	v41 =	vld [tilespmem:s10+$0x0];
	s29 =	sor.u32 s1, s23  }
0x1e9: {  	s14 =	sor.u32 s1, s16;
	s9 =	sor.u32 $0xA280, s0;
	v34 =	vld [tilespmem:s29+$0x0];
	[dreg:$0x1e] =	wrdreg s18  }
0x1ea: {  	s6 =	sor.u32 $0xA380, s0;
	s24 =	sor.u32 $0xC000, s0;
	s20 =	sor.u32 s1, s9;
	v42 =	vld [tilespmem:s14+$0x0]  }
0x1eb: {  	s22 =	sor.u32 s1, s18;
	s29 =	sor.u32 $0xC080, s0;
	v44 =	vld [tilespmem:s20+$0x0];
	[dreg:$0x18] =	wrdreg s24  }
0x1ec: {  	s31 =	sor.u32 $0xC100, s0;
	s26 =	sor.u32 s1, s6;
	v45 =	vld [tilespmem:s22+$0x0];
	[dreg:$0x1a] =	wrdreg s29  }
0x1ed: {  	s30 =	sor.u32 s1, s24;
	v46 =	vld [tilespmem:s26+$0x0];
	[dreg:$0x1c] =	wrdreg s31  }
0x1ee: {  	s10 =	sor.u32 s1, s29;
	v47 =	vld [tilespmem:s30+$0x0]  }
0x1ef: {  	s7 =	sor.u32 $0xC180, s0;
	s14 =	sor.u32 s1, s31;
	v48 =	vld [tilespmem:s10+$0x0]  }
0x1f0: {  	s18 =	sor.u32 s1, s7;
	v49 =	vld [tilespmem:s14+$0x0]  }
0x1f1: {  	s2 =	sor.u32 s17, s2;
	s10 =	sor.u32 $0xC200, s0;
	v50 =	vld [tilespmem:s18+$0x0]  }
0x1f2: {  	s14 =	sor.u32 $0xC280, s0;
	v43 =	vld [tilespmem:s2+$0x0];
	s20 =	sor.u32 s1, s10  }
0x1f3: {  	s18 =	sor.u32 $0xC300, s0;
	s22 =	sor.u32 s1, s14;
	v51 =	vld [tilespmem:s20+$0x0]  }
0x1f4: {  	s24 =	sor.u32 s1, s18;
	v52 =	vld [tilespmem:s22+$0x0]  }
0x1f5: {  	s3 =	sor.u32 s17, s3;
	v34 =	vadd.f32 v35, v34;
	v35 =	vadd.f32 v37, v36;
	v53 =	vld [tilespmem:s24+$0x0]  }
0x1f6: {  	v37 =	vadd.f32 v39, v38;
	s20 =	sor.u32 $0xC380, s0;
	v39 =	vadd.f32 v44, v42;
	v44 =	vld [tilespmem:s3+$0x0];
	s3 =	sor.u32 s17, s25;
	s25 =	sor.u32 s17, s23  }
0x1f7: {  	s22 =	sor.u32 $0xE000, s0;
	s26 =	sor.u32 s1, s20;
	v17 =	vld [tilespmem:s25+$0x0]  }
0x1f8: {  	s24 =	sor.u32 $0xE080, s0;
	s29 =	sor.u32 s1, s22;
	v54 =	vld [tilespmem:s26+$0x0]  }
0x1f9: {  	s30 =	sor.u32 s1, s24;
	v55 =	vld [tilespmem:s29+$0x0]  }
0x1fa: {  	s2 =	sor.u32 s17, s28;
	v56 =	vld [tilespmem:s30+$0x0]  }
0x1fb: {  	v62 =	vadd.f32 v46, v45;
	v45 =	vld [tilespmem:s2+$0x0]  }
0x1fc: {  	s28 =	sor.u32 s17, s21;
	s26 =	sor.u32 $0xE100, s0;
	v46 =	vld [tilespmem:s3+$0x0]  }
0x1fd: {  	v61 =	vadd.f32 v41, v40;
	s29 =	sor.u32 $0xE180, s0;
	s31 =	sor.u32 s1, s26;
	v41 =	vadd.f32 v48, v47;
	v48 =	vld [tilespmem:s28+$0x0]  }
0x1fe: {  	s5 =	sor.u32 s1, s29;
	v57 =	vld [tilespmem:s31+$0x0];
	s31 =	sor.u32 $0xE200, s0  }
0x1ff: {  	s4 =	sor.u32 $0xE280, s0;
	v58 =	vld [tilespmem:s5+$0x0];
	s30 =	sor.u32 s1, s31  }
0x200: {  	v1 =	vadd.f32 v1, v0;
	v2 =	vadd.f32 v33, v2;
	s5 =	sor.u32 $0xE300, s0;
	v59 =	vld [tilespmem:s30+$0x0];
	s30 =	sor.u32 s1, s4  }
0x201: {  	v60 =	vld [tilespmem:s30+$0x0];
	s30 =	sor.u32 $0xE380, s0;
	s0 =	sor.u32 s1, s5  }
0x202: {  	v1 =	vadd.f32 v2, v1;
	v2 =	vadd.f32 v35, v34;
	v33 =	vld [tilespmem:s0+$0x0];
	s0 =	sor.u32 s1, s30  }
0x203: {  	v61 =	vadd.f32 v61, v37;
	s2 =	sor.u32 s17, s19;
	v36 =	vld [tilespmem:s0+$0x0]  }
0x204: {  	s3 =	sor.u32 s17, s15;
	v63 =	vadd.f32 v50, v49;
	v49 =	vld [tilespmem:s2+$0x0];
	v1 =	vadd.f32 v2, v1  }
0x205: {  	v50 =	vld [tilespmem:s3+$0x0];
	s28 =	sor.u32 s17, s9;
	s9 =	sor.u32 s17, s6;
	v62 =	vadd.f32 v62, v39;
	v12 =	vadd.f32 v52, v51  }
0x206: {  	s15 =	sor.u32 s17, s13;
	v47 =	vld [tilespmem:s9+$0x0];
	v63 =	vadd.f32 v63, v41;
	v13 =	vadd.f32 v54, v53  }
0x207: {  	s21 =	sor.u32 s17, s12;
	v51 =	vld [tilespmem:s15+$0x0];
	v14 =	vadd.f32 v56, v55;
	v58 =	vadd.f32 v58, v57  }
0x208: {  	s6 =	sor.u32 s17, s4;
	v52 =	vld [tilespmem:s21+$0x0];
	v60 =	vadd.f32 v60, v59;
	v33 =	vadd.f32 v36, v33  }
0x209: {  	s13 =	sor.u32 s17, s7;
	v41 =	vld [tilespmem:s6+$0x0];
	v2 =	vadd.f32 v62, v61;
	v12 =	vadd.f32 v13, v12  }
0x20a: {  	s15 =	sor.u32 s17, s10;
	v61 =	vld [tilespmem:s13+$0x0];
	v13 =	vadd.f32 v58, v14;
	v33 =	vadd.f32 v33, v60  }
0x20b: {  	s3 =	rddreg [dreg:$0x1e];
	s21 =	sor.u32 s17, s20;
	v62 =	vld [tilespmem:s15+$0x0]  }
0x20c: {  	s2 =	sor.u32 s17, s3;
	s3 =	sor.u32 s17, s31;
	v35 =	vld [tilespmem:s21+$0x0];
	v14 =	vadd.f32 v12, v63;
	v33 =	vadd.f32 v33, v13  }
0x20d: {  	s9 =	sor.u32 s17, s5;
	v38 =	vld [tilespmem:s3+$0x0]  }
0x20e: {  	s23 =	sor.u32 s17, s8;
	s8 =	simm.s32 $0x20;
	s19 =	sor.u32 s17, s11;
	v40 =	vld [tilespmem:s9+$0x0];
	v1 =	vadd.f32 v2, v1;
	v2 =	vadd.f32 v33, v14  }
0x20f: {  	v53 =	vld [tilespmem:s19+$0x0];
	s0 =	sand.u32 $0x380, s8  }
0x210: {  	s25 =	sor.u32 s17, s16;
	v55 =	vld [tilespmem:s23+$0x0];
	s0 =	sor.u32 s1, s0;
	v1 =	vadd.f32 v2, v1  }
0x211: {  	v54 =	vld [tilespmem:s25+$0x0];
	s0 =	sor.u32 $0x10000, s0  }
0x212: {  	s11 =	rddreg [dreg:$0x18];
	[tilespmem:s0+$0x0] =	vst.add.f32.msk $0xffff, v1  }
0x213: {  	v0 =	vld [tilespmem:$0x1FEA0]  }
0x214: {  	v56 =	vld [tilespmem:s28+$0x0];
	s23 =	sor.u32 s17, s22  }
0x215: {  	s25 =	sor.u32 s17, s24;
	v37 =	vld [tilespmem:s23+$0x0]  }
0x216: {  	s28 =	sor.u32 s17, s26;
	v39 =	vld [tilespmem:s25+$0x0]  }
0x217: {  	v34 =	vld [tilespmem:s28+$0x0]  }
0x218: {  	s10 =	sor.u32 s17, s30;
	v2 =	vadd.f32 v0, v5;
	v0 =	vld [tilespmem:$0x1FEB0]  }
0x219: {  	v42 =	vld [tilespmem:s10+$0x0];
	s1 =	sor.u32 s17, s11  }
0x21a: {  	v57 =	vld [tilespmem:s1+$0x0]  }
0x21b: {  	v59 =	vld [tilespmem:s2+$0x0]  }
0x21c: {  	v3 =	vadd.f32 v4, v3;
	v4 =	vld [tilespmem:$0x1FED0]  }
0x21d: {  	s2 =	sor.u32 s17, s29;
	v1 =	vadd.f32 v6, v0;
	v0 =	vld [tilespmem:$0x1FEC0]  }
0x21e: {  	s16 =	sor.u32 s17, s14;
	v36 =	vld [tilespmem:s2+$0x0]  }
0x21f: {  	s19 =	sor.u32 s17, s18;
	v14 =	vld [tilespmem:s16+$0x0];
	s0 =	rddreg [dreg:$0x1a]  }
0x220: {  	s7 =	simm.s32 $0x200;
	s8 =	simm.s32 $0x40;
	v33 =	vld [tilespmem:s19+$0x0];
	s0 =	sor.u32 s17, s0  }
0x221: {  	s16 =	sand.u32 $0x60, s8;
	s12 =	rddreg [dreg:$0x1c];
	v60 =	vld [tilespmem:s0+$0x0];
	s0 =	sand.u32 $0x1C00, s7  }
0x222: {  	s1 =	sor.u32 s17, s12;
	s17 =	sor.u32 $0x10, s16;
	s14 =	sor.u32 $0x8000, s0;
	v0 =	vadd.f32 v4, v0;
	v4 =	vld [tilespmem:$0x1FEE0]  }
0x223: {  	v58 =	vld [tilespmem:s1+$0x0];
	s11 =	sor.u32 s17, s14  }
0x224: {  	v13 =	vld [tilespmem:s11+$0x0]  }
0x225: {  	v2 =	vadd.f32 v2, v3;
	v3 =	vld [tilespmem:$0x1FF00]  }
0x226: {  	s4 =	sor.u32 $0x8080, s0;
	v0 =	vadd.f32 v0, v1;
	v1 =	vld [tilespmem:$0x1FEF0]  }
0x227: {  	s24 =	sor.u32 $0x8100, s0;
	s12 =	sor.u32 s17, s4;
	v4 =	vadd.f32 v4, v15;
	v15 =	vld [tilespmem:$0x1FF10]  }
0x228: {  	s22 =	sor.u32 $0x8180, s0;
	s13 =	sor.u32 s17, s24;
	v63 =	vld [tilespmem:s12+$0x0]  }
0x229: {  	s9 =	sor.u32 $0x8200, s0;
	s15 =	sor.u32 s17, s22;
	v12 =	vld [tilespmem:s13+$0x0]  }
0x22a: {  	s10 =	sor.u32 $0x8280, s0;
	s18 =	sor.u32 s17, s9;
	v10 =	vld [tilespmem:s15+$0x0]  }
0x22b: {  	s19 =	sor.u32 s17, s10;
	v11 =	vld [tilespmem:s18+$0x0];
	v1 =	vadd.f32 v3, v1  }
0x22c: {  	v19 =	vadd.f32 v24, v19;
	v9 =	vld [tilespmem:s19+$0x0];
	v16 =	vadd.f32 v16, v15  }
0x22d: {  	s5 =	sor.u32 $0x8300, s0;
	s21 =	sor.u32 $0xA000, s0;
	s25 =	sor.u32 $0xA080, s0;
	v1 =	vadd.f32 v1, v4;
	v4 =	vld [tilespmem:$0x1FF20]  }
0x22e: {  	s20 =	sor.u32 s17, s5;
	s15 =	sor.u32 $0x8380, s0;
	[dreg:$0x13] =	wrdreg s21;
	v15 =	vadd.f32 v0, v2;
	v2 =	vadd.f32 v19, v16;
	v19 =	vld [tilespmem:$0x1FF30]  }
0x22f: {  	s23 =	sor.u32 s17, s15;
	v8 =	vld [tilespmem:s20+$0x0];
	[dreg:$0x15] =	wrdreg s25  }
0x230: {  	s28 =	sor.u32 s17, s25;
	s11 =	sor.u32 $0xA180, s0;
	v7 =	vld [tilespmem:s23+$0x0]  }
0x231: {  	s30 =	sor.u32 s17, s11;
	v5 =	vld [tilespmem:s28+$0x0]  }
0x232: {  	v24 =	vld [tilespmem:s30+$0x0]  }
0x233: {  	s7 =	sor.u32 $0xA100, s0;
	s26 =	sor.u32 s17, s21;
	v4 =	vadd.f32 v19, v4;
	v19 =	vld [tilespmem:$0x1FF40]  }
0x234: {  	s29 =	sor.u32 s17, s7;
	s12 =	sor.u32 $0xA200, s0;
	v6 =	vld [tilespmem:s26+$0x0]  }
0x235: {  	s8 =	sor.u32 $0xC000, s0;
	s31 =	sor.u32 s17, s12;
	s23 =	sor.u32 $0xA280, s0;
	v3 =	vld [tilespmem:s29+$0x0]  }
0x236: {  	s19 =	sor.u32 $0xA300, s0;
	s18 =	sor.u32 $0xC080, s0;
	s3 =	sor.u32 s17, s23;
	v0 =	vld [tilespmem:s31+$0x0]  }
0x237: {  	v18 =	vadd.f32 v21, v18;
	s20 =	sor.u32 $0xA380, s0;
	s6 =	sor.u32 s17, s19;
	v16 =	vld [tilespmem:s3+$0x0];
	[dreg:$0x14] =	wrdreg s8  }
0x238: {  	v21 =	vadd.f32 v25, v22;
	s13 =	sor.u32 s17, s20;
	v19 =	vadd.f32 v20, v19;
	v20 =	vld [tilespmem:s6+$0x0];
	[dreg:$0x16] =	wrdreg s18  }
0x239: {  	v23 =	vadd.f32 v26, v23;
	v25 =	vadd.f32 v29, v27;
	s21 =	sor.u32 s17, s8;
	v22 =	vld [tilespmem:s13+$0x0]  }
0x23a: {  	v27 =	vadd.f32 v30, v28;
	v32 =	vadd.f32 v32, v31;
	s25 =	sor.u32 s17, s18;
	v26 =	vld [tilespmem:s21+$0x0]  }
0x23b: {  	v18 =	vadd.f32 v21, v18;
	v31 =	vadd.f32 v25, v23;
	s14 =	sor.u32 s16, s14;
	v29 =	vld [tilespmem:s25+$0x0]  }
0x23c: {  	v21 =	vadd.f32 v44, v43;
	s4 =	sor.u32 s16, s4;
	v5 =	vadd.f32 v5, v6;
	v6 =	vld [tilespmem:s14+$0x0]  }
0x23d: {  	v46 =	vadd.f32 v46, v45;
	s10 =	sor.u32 s16, s10;
	s8 =	sor.u32 $0xC100, s0;
	v0 =	vadd.f32 v16, v0;
	v16 =	vld [tilespmem:s4+$0x0]  }
0x23e: {  	v13 =	vadd.f32 v63, v13;
	v9 =	vadd.f32 v9, v11;
	s26 =	sor.u32 s17, s8;
	s18 =	sor.u32 $0xC180, s0;
	v63 =	vld [tilespmem:s10+$0x0]  }
0x23f: {  	v7 =	vadd.f32 v7, v8;
	s28 =	sor.u32 s17, s18;
	v4 =	vadd.f32 v19, v4;
	v19 =	vld [tilespmem:s26+$0x0]  }
0x240: {  	v17 =	vadd.f32 v48, v17;
	v48 =	vadd.f32 v50, v49;
	s21 =	sor.u32 $0xC200, s0;
	s14 =	sor.u32 s16, s5;
	v25 =	vld [tilespmem:s28+$0x0]  }
0x241: {  	v32 =	vadd.f32 v32, v27;
	v7 =	vadd.f32 v7, v9;
	s25 =	sor.u32 $0xC300, s0;
	s29 =	sor.u32 s17, s21;
	v9 =	vld [tilespmem:s14+$0x0]  }
0x242: {  	v21 =	vadd.f32 v46, v21;
	v17 =	vadd.f32 v48, v17;
	s13 =	sor.u32 $0xC280, s0;
	s31 =	sor.u32 s17, s25;
	v27 =	vld [tilespmem:s29+$0x0]  }
0x243: {  	v49 =	vadd.f32 v53, v51;
	v50 =	vadd.f32 v55, v52;
	s30 =	sor.u32 s17, s13;
	s26 =	sor.u32 $0xC380, s0;
	v23 =	vld [tilespmem:s31+$0x0]  }
0x244: {  	v1 =	vadd.f32 v2, v1;
	s28 =	sor.u32 $0xE000, s0;
	s2 =	sor.u32 s17, s26;
	v2 =	vadd.f32 v18, v4;
	v18 =	vld [tilespmem:s30+$0x0]  }
0x245: {  	v51 =	vadd.f32 v56, v54;
	s3 =	sor.u32 s17, s28;
	s31 =	sor.u32 $0xE180, s0;
	v30 =	vld [tilespmem:s2+$0x0]  }
0x246: {  	v17 =	vadd.f32 v17, v21;
	v28 =	vadd.f32 v50, v49;
	s30 =	sor.u32 $0xE080, s0;
	v43 =	vld [tilespmem:s3+$0x0];
	s3 =	sor.u32 s17, s31  }
0x247: {  	v50 =	vadd.f32 v39, v37;
	v52 =	vadd.f32 v47, v59;
	s2 =	sor.u32 $0xE100, s0;
	s6 =	sor.u32 s17, s30;
	v54 =	vld [tilespmem:s3+$0x0]  }
0x248: {  	v14 =	vadd.f32 v14, v62;
	v10 =	vadd.f32 v10, v12;
	s29 =	sor.u32 s17, s2;
	v44 =	vld [tilespmem:s6+$0x0]  }
0x249: {  	v49 =	vadd.f32 v35, v33;
	s24 =	sor.u32 s16, s24;
	v45 =	vadd.f32 v60, v57;
	v53 =	vld [tilespmem:s29+$0x0];
	s29 =	sor.u32 $0xE200, s0  }
0x24a: {  	v10 =	vadd.f32 v10, v13;
	s3 =	sor.u32 $0xE280, s0;
	v11 =	vadd.f32 v22, v20;
	v22 =	vld [tilespmem:s24+$0x0];
	s6 =	sor.u32 s17, s29  }
0x24b: {  	v56 =	vadd.f32 v61, v58;
	v13 =	vadd.f32 v49, v14;
	v55 =	vld [tilespmem:s6+$0x0];
	s6 =	sor.u32 s17, s3  }
0x24c: {  	s1 =	sor.u32 $0xE300, s0;
	s9 =	sor.u32 s16, s9;
	v7 =	vadd.f32 v7, v10;
	v3 =	vadd.f32 v24, v3;
	v57 =	vld [tilespmem:s6+$0x0]  }
0x24d: {  	v4 =	vadd.f32 v32, v31;
	s0 =	sor.u32 $0xE380, s0;
	s24 =	rddreg [dreg:$0x13];
	s6 =	sor.u32 s17, s1;
	v18 =	vadd.f32 v18, v27;
	v27 =	vld [tilespmem:s9+$0x0]  }
0x24e: {  	v59 =	vadd.f32 v29, v26;
	v19 =	vadd.f32 v25, v19;
	s4 =	sor.u32 s16, s24;
	v58 =	vld [tilespmem:s6+$0x0];
	s6 =	sor.u32 s17, s0  }
0x24f: {  	v3 =	vadd.f32 v3, v5;
	s24 =	sor.u32 s16, s25;
	s25 =	sor.u32 s16, s26;
	s26 =	sor.u32 s16, s28;
	v0 =	vadd.f32 v11, v0;
	v8 =	vld [tilespmem:s6+$0x0]  }
0x250: {  	v11 =	vadd.f32 v19, v59;
	s9 =	sor.u32 s16, s12;
	v59 =	vadd.f32 v4, v2;
	v2 =	vld [tilespmem:s26+$0x0]  }
0x251: {  	v1 =	vadd.f32 v1, v15;
	v32 =	vadd.f32 v52, v51;
	v51 =	vld [tilespmem:s9+$0x0]  }
0x252: {  	v52 =	vadd.f32 v41, v38;
	s6 =	sor.u32 s16, s22;
	v60 =	vadd.f32 v44, v43;
	v44 =	vld [tilespmem:s4+$0x0]  }
0x253: {  	s5 =	rddreg [dreg:$0x15];
	v23 =	vadd.f32 v30, v23;
	v61 =	vadd.f32 v54, v53;
	s22 =	sor.u32 s16, s15;
	v24 =	vld [tilespmem:s6+$0x0]  }
0x254: {  	s4 =	sor.u32 s16, s5;
	v5 =	vld [tilespmem:s22+$0x0];
	v62 =	vadd.f32 v57, v55;
	v8 =	vadd.f32 v8, v58  }
0x255: {  	v0 =	vadd.f32 v0, v3;
	v43 =	vadd.f32 v23, v18;
	v47 =	vld [tilespmem:s4+$0x0];
	s6 =	sor.u32 s16, s7  }
0x256: {  	s7 =	sor.u32 s16, s11;
	v46 =	vadd.f32 v61, v60;
	v3 =	vld [tilespmem:s6+$0x0];
	v8 =	vadd.f32 v8, v62  }
0x257: {  	v4 =	vadd.f32 v16, v6;
	s11 =	sor.u32 s16, s19;
	v10 =	vadd.f32 v43, v11;
	v11 =	vld [tilespmem:s7+$0x0]  }
0x258: {  	v54 =	vadd.f32 v42, v40;
	s15 =	sor.u32 s16, s20;
	s20 =	sor.u32 s16, s18;
	v53 =	vld [tilespmem:s11+$0x0];
	v8 =	vadd.f32 v8, v46  }
0x259: {  	v0 =	vadd.f32 v0, v7;
	s22 =	sor.u32 s16, s21;
	v60 =	vld [tilespmem:s20+$0x0];
	v55 =	vadd.f32 v56, v45  }
0x25a: {  	s12 =	simm.s32 $0x40;
	v61 =	vld [tilespmem:s22+$0x0];
	v57 =	vadd.f32 v32, v28;
	v7 =	vadd.f32 v8, v10  }
0x25b: {  	s10 =	sor.u32 s16, s23;
	s5 =	sand.u32 $0x380, s12;
	v12 =	vadd.f32 v63, v27;
	v5 =	vadd.f32 v5, v9;
	v9 =	vld [tilespmem:s24+$0x0]  }
0x25c: {  	s14 =	sor.u32 s17, s5;
	v8 =	vld [tilespmem:s10+$0x0];
	v10 =	vadd.f32 v36, v34;
	v0 =	vadd.f32 v7, v0  }
0x25d: {  	s4 =	sor.u32 $0x10000, s14;
	v13 =	vadd.f32 v13, v55;
	v17 =	vadd.f32 v57, v17;
	v7 =	vld [tilespmem:s15+$0x0]  }
0x25e: {  	[tilespmem:s4+$0x0] =	vst.add.f32.msk $0xffff, v0;
	v0 =	vadd.f32 v10, v50;
	v10 =	vadd.f32 v54, v52  }
0x25f: {  	s19 =	sor.u32 s16, s8;
	v6 =	vadd.f32 v24, v22;
	v3 =	vadd.f32 v11, v3;
	v11 =	vld [tilespmem:s25+$0x0];
	s4 =	rddreg [dreg:$0x14]  }
0x260: {  	v18 =	vadd.f32 v47, v44;
	s17 =	rddreg [dreg:$0x16];
	s4 =	sor.u32 s16, s4;
	v0 =	vadd.f32 v10, v0;
	v10 =	vld [tilespmem:s19+$0x0]  }
0x261: {  	v6 =	vadd.f32 v6, v4;
	v12 =	vadd.f32 v5, v12;
	v56 =	vld [tilespmem:s4+$0x0];
	s4 =	sor.u32 s16, s17  }
0x262: {  	s23 =	sor.u32 s16, s13;
	v8 =	vadd.f32 v8, v51;
	v7 =	vadd.f32 v7, v53;
	v58 =	vld [tilespmem:s4+$0x0]  }
0x263: {  	s28 =	sor.u32 s16, s30;
	v62 =	vld [tilespmem:s23+$0x0];
	v18 =	vadd.f32 v3, v18;
	v0 =	vadd.f32 v0, v13  }
0x264: {  	s30 =	sor.u32 s16, s31;
	v4 =	vld [tilespmem:s28+$0x0];
	v11 =	vadd.f32 v11, v9;
	v7 =	vadd.f32 v7, v8  }
0x265: {  	s2 =	sor.u32 s16, s2;
	v5 =	vld [tilespmem:s30+$0x0];
	v8 =	vadd.f32 v59, v1;
	v1 =	vadd.f32 v0, v17  }
0x266: {  	s3 =	sor.u32 s16, s3;
	v3 =	vld [tilespmem:s2+$0x0];
	v0 =	vadd.f32 v12, v6;
	v6 =	vadd.f32 v7, v18  }
0x267: {  	v9 =	vld [tilespmem:s3+$0x0];
	s15 =	simm.s32 $0x10000;
	v63 =	vadd.f32 v60, v10;
	v7 =	vadd.f32 v58, v56  }
0x268: {  	s31 =	sor.u32 s16, s29;
	s18 =	simm.s32 $0x60;
	s14 =	sor.u32 s16, s0;
	[tilespmem:s15+$0x0] =	vst.add.f32.msk $0xffff, v8;
	v10 =	vadd.f32 v62, v61  }
0x269: {  	s2 =	sor.u32 s16, s1;
	s16 =	simm.s32 $0x4;
	s17 =	simm.s32 $0x300;
	v8 =	vadd.f32 v6, v0;
	v6 =	vld [tilespmem:s31+$0x0];
	v7 =	vadd.f32 v63, v7  }
.LBB2_4:
0x26a: {  	s21 =	sand.u32 $0x60, s18;
	s25 =	sand.u32 $0x1C00, s17;
	s15 =	sadd.s32 $0x20, s15  }
0x26b: {  	s0 =	sor.u32 $0x8000, s25;
	s19 =	sor.u32 $0x10, s21;
	s28 =	sor.u32 $0x8080, s25  }
0x26c: {  	s30 =	sor.u32 $0x8100, s25;
	s4 =	sor.u32 $0x8180, s25;
	s22 =	sor.u32 $0x8380, s25  }
0x26d: {  	v0 =	vld [tilespmem:s2+$0x0];
	s29 =	sor.u32 s21, s28;
	s31 =	sor.u32 s19, s28;
	s28 =	sor.u32 s19, s22  }
0x26e: {  	s7 =	sor.u32 $0x8200, s25;
	s13 =	sor.u32 $0x8300, s25;
	s1 =	sor.u32 s21, s0;
	v12 =	vld [tilespmem:s28+$0x0]  }
0x26f: {  	s3 =	sor.u32 s21, s30;
	s5 =	sor.u32 s19, s30;
	s6 =	sor.u32 s21, s4;
	v4 =	vadd.f32 v4, v2;
	v2 =	vadd.f32 v11, v10;
	v10 =	vld [tilespmem:s14+$0x0]  }
0x270: {  	s8 =	sor.u32 s19, s4;
	s11 =	sor.u32 s19, s7;
	s20 =	sor.u32 s21, s13;
	[tilespmem:s15+$0x0] =	vst.add.f32.msk $0xffff, v1  }
0x271: {  	s23 =	sor.u32 s19, s13;
	s24 =	sor.u32 s21, s22;
	s30 =	sor.u32 $0xA080, s25;
	v5 =	vadd.f32 v5, v3;
	v3 =	vld [tilespmem:s31+$0x0]  }
0x272: {  	s13 =	sor.u32 $0xA380, s25;
	[dreg:$0x3] =	wrdreg s1;
	s4 =	sor.u32 s19, s30;
	v1 =	vadd.f32 v9, v6;
	v6 =	vld [tilespmem:s11+$0x0]  }
0x273: {  	[dreg:$0xa] =	wrdreg s24;
	s24 =	sor.u32 $0xC000, s25;
	s1 =	sor.u32 s19, s13;
	v13 =	vld [tilespmem:s4+$0x0]  }
0x274: {  	s26 =	sor.u32 $0xA000, s25;
	s9 =	sor.u32 s21, s7;
	v16 =	vld [tilespmem:s1+$0x0];
	s4 =	sor.u32 s19, s24  }
0x275: {  	s2 =	sor.u32 s19, s26;
	s7 =	sor.u32 $0xA200, s25;
	s31 =	sor.u32 s21, s30;
	v17 =	vld [tilespmem:s4+$0x0]  }
0x276: {  	[dreg:$0x4] =	wrdreg s29;
	s29 =	sor.u32 s21, s26;
	s26 =	sor.u32 s21, s7;
	v61 =	vld [tilespmem:s31+$0x0]  }
0x277: {  	s0 =	sor.u32 s19, s0;
	v62 =	vld [tilespmem:s26+$0x0]  }
0x278: {  	s10 =	sor.u32 $0x8280, s25;
	v11 =	vadd.f32 v2, v7;
	v2 =	vld [tilespmem:s0+$0x0]  }
0x279: {  	s12 =	sor.u32 s21, s10;
	[dreg:$0x5] =	wrdreg s3;
	v9 =	vadd.f32 v5, v4;
	v4 =	vld [tilespmem:s5+$0x0]  }
0x27a: {  	[dreg:$0x6] =	wrdreg s6;
	s14 =	sor.u32 s19, s10;
	s11 =	sor.u32 $0xA300, s25;
	v5 =	vld [tilespmem:s8+$0x0]  }
0x27b: {  	[dreg:$0x7] =	wrdreg s9;
	v7 =	vld [tilespmem:s14+$0x0];
	s5 =	sor.u32 $0xA180, s25;
	s14 =	sor.u32 s19, s11  }
0x27c: {  	[dreg:$0x8] =	wrdreg s12;
	s3 =	sor.u32 $0xA100, s25;
	s8 =	sor.u32 s19, s5;
	v15 =	vld [tilespmem:s14+$0x0]  }
0x27d: {  	[dreg:$0xb] =	wrdreg s29;
	s29 =	sor.u32 s21, s5;
	s5 =	sor.u32 $0xC100, s25;
	v14 =	vld [tilespmem:s8+$0x0];
	v0 =	vadd.f32 v10, v0  }
0x27e: {  	s10 =	sor.u32 s19, s7;
	s7 =	sor.u32 $0xC180, s25;
	s8 =	sor.u32 s19, s5;
	v10 =	vld [tilespmem:s23+$0x0]  }
0x27f: {  	s4 =	sor.u32 $0xC300, s25;
	s23 =	sor.u32 s21, s13;
	v19 =	vld [tilespmem:s8+$0x0];
	s13 =	sor.u32 s19, s7;
	v0 =	vadd.f32 v0, v1  }
0x280: {  	s22 =	sor.u32 s21, s11;
	s11 =	sor.u32 s21, s7;
	s7 =	sor.u32 s19, s4;
	v20 =	vld [tilespmem:s13+$0x0]  }
0x281: {  	[dreg:$0x9] =	wrdreg s20;
	s9 =	sor.u32 $0xA280, s25;
	s30 =	sor.u32 s21, s3;
	v23 =	vld [tilespmem:s7+$0x0];
	v0 =	vadd.f32 v0, v9  }
0x282: {  	s6 =	sor.u32 s19, s3;
	s20 =	sor.u32 s21, s9;
	s3 =	sor.u32 $0xC080, s25;
	v9 =	vld [tilespmem:s2+$0x0]  }
0x283: {  	s12 =	sor.u32 s19, s9;
	s9 =	sor.u32 $0xC200, s25;
	v0 =	vadd.f32 v0, v11;
	v11 =	vld [tilespmem:s6+$0x0];
	s6 =	sor.u32 s19, s3  }
0x284: {  	s28 =	sor.u32 s21, s24;
	s24 =	sor.u32 s21, s3;
	v2 =	vadd.f32 v3, v2;
	s3 =	sor.u32 s19, s9;
	v18 =	vld [tilespmem:s6+$0x0]  }
0x285: {  	v3 =	vadd.f32 v5, v4;
	v5 =	vadd.f32 v7, v6;
	v21 =	vld [tilespmem:s3+$0x0]  }
0x286: {  	s14 =	sor.u32 $0xC280, s25;
	v6 =	vadd.f32 v12, v10;
	v1 =	vadd.f32 v0, v8;
	v0 =	vld [tilespmem:s10+$0x0]  }
0x287: {  	s6 =	sor.u32 $0xC380, s25;
	v8 =	vld [tilespmem:s12+$0x0];
	s12 =	sor.u32 s21, s5;
	s5 =	sor.u32 s19, s14  }
0x288: {  	s0 =	sor.u32 $0xE300, s25;
	s13 =	sor.u32 s21, s14;
	v2 =	vadd.f32 v3, v2;
	v3 =	vadd.f32 v6, v5;
	s3 =	sor.u32 s19, s6;
	v22 =	vld [tilespmem:s5+$0x0]  }
0x289: {  	s2 =	sor.u32 $0xE200, s25;
	s10 =	sor.u32 s21, s9;
	s14 =	sor.u32 $0xE000, s25;
	v24 =	vld [tilespmem:s3+$0x0]  }
0x28a: {  	s9 =	sor.u32 s21, s4;
	s4 =	sor.u32 $0xE080, s25;
	s5 =	sor.u32 s19, s14;
	v2 =	vadd.f32 v3, v2;
	v3 =	vld [tilespmem:s30+$0x0]  }
0x28b: {  	s7 =	sor.u32 s21, s14;
	s14 =	sor.u32 $0xE100, s25;
	s1 =	sor.u32 s19, s4;
	v25 =	vld [tilespmem:s5+$0x0]  }
0x28c: {  	s3 =	sor.u32 $0xE180, s25;
	s5 =	sor.u32 s21, s14;
	v26 =	vld [tilespmem:s1+$0x0];
	s14 =	sor.u32 s19, s14  }
0x28d: {  	s8 =	sor.u32 s21, s6;
	s6 =	sor.u32 s21, s4;
	s1 =	sor.u32 s19, s3;
	v27 =	vld [tilespmem:s14+$0x0]  }
0x28e: {  	s4 =	sor.u32 s21, s3;
	s3 =	sor.u32 s21, s2;
	s2 =	sor.u32 s19, s2;
	v28 =	vld [tilespmem:s1+$0x0]  }
0x28f: {  	s14 =	sor.u32 $0xE280, s25;
	v29 =	vld [tilespmem:s2+$0x0];
	s2 =	sor.u32 s21, s0;
	s0 =	sor.u32 s19, s0  }
0x290: {  	s25 =	sor.u32 $0xE380, s25;
	s1 =	sor.u32 s21, s14;
	s14 =	sor.u32 s19, s14;
	v4 =	vld [tilespmem:s0+$0x0]  }
0x291: {  	v50 =	vadd.f32 v20, v19;
	v9 =	vadd.f32 v13, v9;
	v30 =	vld [tilespmem:s14+$0x0];
	s14 =	sor.u32 s21, s25;
	s21 =	sor.u32 s19, s25  }
0x292: {  	v10 =	vadd.f32 v14, v11;
	v49 =	vadd.f32 v18, v17;
	s25 =	rddreg [dreg:$0x3];
	v7 =	vld [tilespmem:s21+$0x0]  }
0x293: {  	v0 =	vadd.f32 v8, v0;
	v8 =	vadd.f32 v16, v15;
	v11 =	vld [tilespmem:s25+$0x0];
	s21 =	rddreg [dreg:$0x4]  }
0x294: {  	v6 =	vadd.f32 v10, v9;
	s25 =	rddreg [dreg:$0x5];
	v52 =	vadd.f32 v22, v21;
	v48 =	vld [tilespmem:s21+$0x0]  }
0x295: {  	v53 =	vadd.f32 v24, v23;
	v9 =	vadd.f32 v50, v49;
	v51 =	vld [tilespmem:s25+$0x0];
	s21 =	rddreg [dreg:$0x6]  }
0x296: {  	v55 =	vadd.f32 v26, v25;
	s25 =	rddreg [dreg:$0x7];
	v0 =	vadd.f32 v8, v0;
	v54 =	vld [tilespmem:s21+$0x0]  }
0x297: {  	v56 =	vadd.f32 v28, v27;
	v57 =	vld [tilespmem:s25+$0x0];
	s25 =	rddreg [dreg:$0x9];
	v10 =	vadd.f32 v53, v52  }
0x298: {  	v5 =	vld [tilespmem:s25+$0x0];
	v0 =	vadd.f32 v0, v6;
	v58 =	vadd.f32 v30, v29  }
0x299: {  	s21 =	rddreg [dreg:$0x8];
	v6 =	vadd.f32 v10, v9;
	v9 =	vld [tilespmem:s29+$0x0];
	v4 =	vadd.f32 v7, v4  }
0x29a: {  	v7 =	vld [tilespmem:s21+$0x0];
	s21 =	rddreg [dreg:$0xa]  }
0x29b: {  	s25 =	rddreg [dreg:$0xb];
	v60 =	vadd.f32 v56, v55;
	v8 =	vld [tilespmem:s21+$0x0];
	v4 =	vadd.f32 v4, v58  }
0x29c: {  	v59 =	vld [tilespmem:s25+$0x0]  }
0x29d: {  	v63 =	vld [tilespmem:s8+$0x0];
	v4 =	vadd.f32 v4, v60  }
0x29e: {  	v0 =	vadd.f32 v0, v2;
	v3 =	vadd.f32 v9, v3;
	v9 =	vld [tilespmem:s11+$0x0]  }
0x29f: {  	v10 =	vadd.f32 v48, v11;
	v2 =	vadd.f32 v4, v6;
	v4 =	vld [tilespmem:s20+$0x0]  }
0x2a0: {  	v6 =	vadd.f32 v7, v57;
	v5 =	vadd.f32 v8, v5;
	v7 =	vld [tilespmem:s22+$0x0]  }
0x2a1: {  	s31 =	sand.u32 $0x380, s18;
	v8 =	vadd.f32 v61, v59;
	v0 =	vadd.f32 v2, v0;
	v2 =	vld [tilespmem:s23+$0x0]  }
0x2a2: {  	s0 =	sor.u32 s19, s31;
	v11 =	vadd.f32 v54, v51;
	v5 =	vadd.f32 v5, v6;
	v6 =	vld [tilespmem:s24+$0x0]  }
0x2a3: {  	s0 =	sor.u32 $0x10000, s0;
	v3 =	vadd.f32 v3, v8;
	v8 =	vld [tilespmem:s12+$0x0]  }
0x2a4: {  	v10 =	vadd.f32 v11, v10;
	[tilespmem:s0+$0x0] =	vst.add.f32.msk $0xffff, v0  }
0x2a5: {  	v0 =	vld [tilespmem:s28+$0x0]  }
0x2a6: {  	v5 =	vadd.f32 v5, v10;
	v10 =	vld [tilespmem:s13+$0x0]  }
0x2a7: {  	v4 =	vadd.f32 v4, v62;
	v2 =	vadd.f32 v2, v7;
	v7 =	vld [tilespmem:s10+$0x0]  }
0x2a8: {  	s16 =	sadd.s32 $0x2, s16;
	v11 =	vld [tilespmem:s9+$0x0]  }
0x2a9: {  	p0 =	slt.u32 s16, $0x3E;
	v2 =	vadd.f32 v2, v4;
	v4 =	vld [tilespmem:s6+$0x0]  }
.Ltmp1:
0x2aa: {  	v0 =	vadd.f32 v6, v0;
	v6 =	vadd.f32 v9, v8;
	v9 =	vld [tilespmem:s1+$0x0];
	(pc) =	sbr.rel @p0 .LBB2_4-.Ltmp1, $4  }
0x2ab: {  	v3 =	vadd.f32 v2, v3;
	v2 =	vld [tilespmem:s7+$0x0]  }
0x2ac: {  	v10 =	vadd.f32 v10, v7;
	v7 =	vadd.f32 v6, v0;
	v6 =	vld [tilespmem:s3+$0x0]  }
0x2ad: {  	v8 =	vadd.f32 v3, v5;
	v3 =	vld [tilespmem:s5+$0x0]  }
0x2ae: {  	s17 =	sadd.s32 $0x100, s17;
	s18 =	sadd.s32 $0x20, s18;
	v11 =	vadd.f32 v63, v11;
	v5 =	vld [tilespmem:s4+$0x0]  }
0x2af: {  	v0 =	vld [tilespmem:s2+$0x0]  }
0x2b0: {  	v12 =	vld [tilespmem:s14+$0x0];
	_ =	sdelay $0x3  }
0x2b1: {  	v2 =	vadd.f32 v4, v2;
	v61 =	vadd.f32 v9, v6  }
0x2b2: {  	v3 =	vadd.f32 v5, v3;
	v0 =	vadd.f32 v12, v0  }
0x2b3: {  	v62 =	vadd.f32 v11, v10  }
0x2b4: {  	v2 =	vadd.f32 v3, v2;
	v0 =	vadd.f32 v0, v61;
	_ =	sdelay $0x1  }
0x2b5: {  	v63 =	vadd.f32 v62, v7;
	v0 =	vadd.f32 v0, v2;
	_ =	sdelay $0x1  }
0x2b6: {  	v0 =	vadd.f32 v0, v63;
	_ =	sdelay $0x1  }
0x2b7: {  	s0 =	sadd.s32 $0x20, s15;
	v0 =	vadd.f32 v0, v8  }
0x2b8: {  	[tilespmem:s0+$0x0] =	vst.add.f32.msk $0xffff, v1;
	s0 =	sadd.s32 $0x20, s0  }
0x2b9: {  	s1 =	simm.s32 $0x80;
	s26 =	simm.s32 $0x400;
	[tilespmem:s0+$0x0] =	vst.add.f32.msk $0xffff, v0  }
0x2ba: {  	s31 =	simm.s32 $0x10000;
	s28 =	simm.s32 $0x3;
	s0 =	rddreg [dreg:$0x10]  }
0x2bb: {  	[hbm4b:s0+s1] =	stream.strided.scatter [tilespmem:s31], [sflag:$0x3], $0x400, s26, s1, $0x38;
	[tilespmem:$0x10400] =	vst v63  }
0x2bc: {  	_ =	swait.ge [sflag:s28], $0x400  }
0x2bd: {  	s29 =	rddreg [dreg:$0x12]  }
0x2be: {  	s30 =	rddreg [dreg:$0x11];
	s2 =	sadd.s32 $0x1, s29  }
0x2bf: {  	p0 =	sne.s32 s2, s30  }
.Ltmp2:
0x2c0: {  	_ = 	snop;
	(pc) =	sbr.rel @p0 .LBB2_1-.Ltmp2, $3  }
0x2c1: {  	_ =	sdelay $0x1  }
0x2c2: {  	[sflag:s28] =	ssyncset.done $0x0  }
0x2c3: {  	[sflag:s28] =	ssyncadd.s32 $0xFFFFFC00  }
0x2c4: {  	_ =	sfence.sel $0x180000  }
0x2c5: {  	[bflag:$0x0] =	sbarrier.arrive $0xFFFF  }
0x2c6: {  	_ =	strace $0x90000047  }
0x2c7: {  	s0 =	stileid.u32;
	[bflag:$0x2] =	sbarrier.arrive $0xFFFF  }
0x2c8: {  	p0 =	sne.s32 s0, $0x0;
	s0 =	rddreg [dreg:$0x2]  }
0x2c9: {  	s0 =	sadd.s32 @!p0 $0x100000, s0  }
0x2ca: {  	[sflag:s0] =	ssyncadd.tile.s32 @!p0 $0x1;
	_ =	shalt  }
.Lfunc_end2:
_tile_overlayer_lowered:
.L_overlay_start_2:
0x2cb: {  	(tag) =	ssettag $0x2  }
0x2cc: {  	s0 =	rddreg [dreg:$0x0];
	s2 =	stileid.u32  }
0x2cd: {  	s1 =	rddreg [dreg:$0x1];
	p0 =	sne.s32 s2, $0x0  }
0x2ce: {  	s3 =	rddreg [dreg:$0x2];
	[bflag:$0x3] =	sbarrier.arrive $0xFFFF;
	s2 =	simm.s32 @!p0 $0x1C03  }
0x2cf: {  	[timem:s3], [sflag:s2] =	dma.local @!p0 [hbm:s0], s1  }
0x2d0: {  	s0 =	simm.s32 @!p0 $0x3  }
0x2d1: {  	_ =	swait.ge @!p0 [sflag:s0], s1  }
0x2d2: {  	s1 =	ssub.s32 @!p0 $0x0, s1;
	[sflag:s0] =	ssyncset.done @!p0 $0x0  }
0x2d3: {  	[sflag:s0] =	ssyncadd.s32 @!p0 s1  }
0x2d4: {  	[bflag:$0x3] =	sbarrier.arrive $0xFFFF  }
0x2d5: {  	_ =	shalt  }

</sc_bundles>
